<compile_context>
chip_gen: v7x
topology: tpu7x:2x2x1
jax: 0.10.2.dev20260603
libtpu: 0.0.44.dev20260713+nightly
codegen_flags: <defaults>
</compile_context>

<pallas_src>
import functools

import jax
import jax.numpy as jnp
from jax import lax
from jax.experimental import pallas as pl
from jax.experimental.pallas import tpu as pltpu
from jax.experimental.pallas import tpu_sc as plsc

N_NODES = 10000
N_EDGES = 320000
F = 128
NF = 32
N_RBF = 25
N_INTER = 2
CUTOFF = 5.0
SQRT3 = 3.0 ** 0.5

BN = 1000
NB = N_NODES // BN
BE = 2000
EB = N_EDGES // BE


def _silu(x):
    return x / (1.0 + jnp.exp(-x))


def _embed_body(spec_ref, emb_ref, lin0_ref, out_ref):
    spec = spec_ref[...]
    iota = lax.broadcasted_iota(jnp.int32, (BN, 64), 1)
    oh = (spec == iota).astype(jnp.float32)
    e = jnp.dot(oh, emb_ref[...], preferred_element_type=jnp.float32)
    out_ref[...] = jnp.dot(e, lin0_ref[...], preferred_element_type=jnp.float32)


def _embed(species, emb, lin0):
    spec2 = species.astype(jnp.int32).reshape(N_NODES, 1)
    return pl.pallas_call(
        _embed_body,
        grid=(NB,),
        in_specs=[
            pl.BlockSpec((BN, 1), lambda i: (i, 0)),
            pl.BlockSpec((64, F), lambda i: (0, 0)),
            pl.BlockSpec((F, F), lambda i: (0, 0)),
        ],
        out_specs=pl.BlockSpec((BN, F), lambda i: (i, 0)),
        out_shape=jax.ShapeDtypeStruct((N_NODES, F), jnp.float32),
    )(spec2, emb, lin0)


def _geom_body(ps_ref, pr_ref, cen_ref, g_ref, f_ref):
    ps = ps_ref[:, 32:35]
    pr = pr_ref[:, 0:3]
    r = pr - ps
    d2 = jnp.sum(r * r, axis=1, keepdims=True)
    d = jnp.sqrt(d2 + 1e-12)
    rcut = 0.5 * (jnp.cos(d * (jnp.pi / CUTOFF)) + 1.0)
    rcut = rcut * (d < CUTOFF).astype(jnp.float32)
    rs = r * rcut
    rn = jnp.sqrt(jnp.sum(rs * rs, axis=1, keepdims=True) + 1e-12)
    yv = SQRT3 * rs / jnp.maximum(rn, 1e-9)
    g_ref[...] = jnp.concatenate(
        [d, rcut, yv, jnp.zeros((d.shape[0], 3), jnp.float32)], axis=1)
    step = CUTOFF / (N_RBF + 1)
    diff = (d - cen_ref[...]) * (1.0 / step)
    f_ref[...] = jnp.exp(-diff * diff) * (1.0 / 1.12)


def _geom(ps, pr):
    centers = jnp.linspace(0.0, CUTOFF, N_RBF + 2)[1:-1]
    cen = jnp.zeros((1, 32), jnp.float32).at[0, :N_RBF].set(centers)
    return pl.pallas_call(
        _geom_body,
        grid=(EB,),
        in_specs=[
            pl.BlockSpec((BE, F), lambda i: (i, 0)),
            pl.BlockSpec((BE, F), lambda i: (i, 0)),
            pl.BlockSpec((1, 32), lambda i: (0, 0)),
        ],
        out_specs=[
            pl.BlockSpec((BE, 8), lambda i: (i, 0)),
            pl.BlockSpec((BE, 32), lambda i: (i, 0)),
        ],
        out_shape=[
            jax.ShapeDtypeStruct((N_EDGES, 8), jnp.float32),
            jax.ShapeDtypeStruct((N_EDGES, 32), jnp.float32),
        ],
    )(ps, pr, cen)


def _pre0_body(s_ref, p_ref, ws_ref, t_ref):
    s1 = jnp.dot(s_ref[...], ws_ref[...], preferred_element_type=jnp.float32)
    pad = jnp.zeros((s1.shape[0], F - NF - 16), jnp.float32)
    t_ref[...] = jnp.concatenate([s1, p_ref[...], pad], axis=1)


def _pre0(s, pos16, ws):
    return pl.pallas_call(
        _pre0_body,
        grid=(NB,),
        in_specs=[
            pl.BlockSpec((BN, F), lambda i: (i, 0)),
            pl.BlockSpec((BN, 16), lambda i: (i, 0)),
            pl.BlockSpec((F, NF), lambda i: (0, 0)),
        ],
        out_specs=pl.BlockSpec((BN, F), lambda i: (i, 0)),
        out_shape=jax.ShapeDtypeStruct((N_NODES, F), jnp.float32),
    )(s, pos16, ws)


def _pre1_body(s_ref, v_ref, ws_ref, wv_ref, t_ref):
    s1 = jnp.dot(s_ref[...], ws_ref[...], preferred_element_type=jnp.float32)
    wv = wv_ref[...]
    vs = [jnp.dot(v_ref[c], wv, preferred_element_type=jnp.float32)
          for c in range(3)]
    t_ref[...] = jnp.concatenate([s1] + vs, axis=1)


def _pre1(s, v, ws, wv):
    return pl.pallas_call(
        _pre1_body,
        grid=(NB,),
        in_specs=[
            pl.BlockSpec((BN, F), lambda i: (i, 0)),
            pl.BlockSpec((3, BN, F), lambda i: (0, i, 0)),
            pl.BlockSpec((F, NF), lambda i: (0, 0)),
            pl.BlockSpec((F, NF), lambda i: (0, 0)),
        ],
        out_specs=pl.BlockSpec((BN, 4 * NF), lambda i: (i, 0)),
        out_shape=jax.ShapeDtypeStruct((N_NODES, 4 * NF), jnp.float32),
    )(s, v, ws, wv)


def _filter_w(f, g, fw1, fb1, fw2, fb2):
    rcut = g[:, 1:2]
    h = _silu(jnp.dot(f, fw1, preferred_element_type=jnp.float32) + fb1)
    w = (jnp.dot(h, fw2, preferred_element_type=jnp.float32) + fb2) * rcut
    return w


def _msg0_body(t_ref, g_ref, f_ref, fw1_ref, fb1_ref, fw2_ref, fb2_ref,
               m_ref):
    g = g_ref[...]
    w = _filter_w(f_ref[...], g, fw1_ref[...], fb1_ref[...], fw2_ref[...],
                  fb2_ref[...])
    sj = t_ref[:, 0:NF]
    w0a = w[:, 0:NF]
    w1a = w[:, 2 * NF:3 * NF]
    sw = sj * w1a
    m_ref[...] = jnp.concatenate(
        [sj * w0a, sw * g[:, 2:3], sw * g[:, 3:4], sw * g[:, 4:5]], axis=1)


def _msg0(t, g, f, fw1, fb1, fw2, fb2):
    return pl.pallas_call(
        _msg0_body,
        grid=(EB,),
        in_specs=[
            pl.BlockSpec((BE, F), lambda i: (i, 0)),
            pl.BlockSpec((BE, 8), lambda i: (i, 0)),
            pl.BlockSpec((BE, 32), lambda i: (i, 0)),
            pl.BlockSpec((32, NF), lambda i: (0, 0)),
            pl.BlockSpec((1, NF), lambda i: (0, 0)),
            pl.BlockSpec((NF, 4 * NF), lambda i: (0, 0)),
            pl.BlockSpec((1, 4 * NF), lambda i: (0, 0)),
        ],
        out_specs=pl.BlockSpec((BE, 4 * NF), lambda i: (i, 0)),
        out_shape=jax.ShapeDtypeStruct((N_EDGES, 4 * NF), jnp.float32),
    )(t, g, f, fw1, fb1, fw2, fb2)


def _msg1_body(t_ref, g_ref, f_ref, fw1_ref, fb1_ref, fw2_ref, fb2_ref,
               m01_ref, m23_ref):
    g = g_ref[...]
    w = _filter_w(f_ref[...], g, fw1_ref[...], fb1_ref[...], fw2_ref[...],
                  fb2_ref[...])
    t = t_ref[...]
    sj = t[:, 0:NF]
    vj = [t[:, NF * (c + 1):NF * (c + 2)] for c in range(3)]
    w0a, w0b = w[:, 0:NF], w[:, NF:2 * NF]
    w1a, w1b = w[:, 2 * NF:3 * NF], w[:, 3 * NF:4 * NF]
    y = [g[:, 2 + c:3 + c] for c in range(3)]
    t0b = (vj[0] * y[0] + vj[1] * y[1] + vj[2] * y[2]) * (1.0 / SQRT3)
    sw = sj * w1a
    m01_ref[...] = jnp.concatenate(
        [sj * w0a, t0b * w0b, sw * y[0], vj[0] * w1b], axis=1)
    m23_ref[...] = jnp.concatenate(
        [sw * y[1], vj[1] * w1b, sw * y[2], vj[2] * w1b], axis=1)


def _msg1(t, g, f, fw1, fb1, fw2, fb2):
    q = jax.ShapeDtypeStruct((N_EDGES, 4 * NF), jnp.float32)
    return pl.pallas_call(
        _msg1_body,
        grid=(EB,),
        in_specs=[
            pl.BlockSpec((BE, 4 * NF), lambda i: (i, 0)),
            pl.BlockSpec((BE, 8), lambda i: (i, 0)),
            pl.BlockSpec((BE, 32), lambda i: (i, 0)),
            pl.BlockSpec((32, NF), lambda i: (0, 0)),
            pl.BlockSpec((1, NF), lambda i: (0, 0)),
            pl.BlockSpec((NF, 4 * NF), lambda i: (0, 0)),
            pl.BlockSpec((1, 4 * NF), lambda i: (0, 0)),
        ],
        out_specs=[pl.BlockSpec((BE, 4 * NF), lambda i: (i, 0))] * 2,
        out_shape=[q] * 2,
    )(t, g, f, fw1, fb1, fw2, fb2)


def _post0_body(acc_ref, s_ref, l2s_ref, l2v_ref, l3s_ref, l3v_ref,
                so_ref, vo_ref):
    q = acc_ref[0] + acc_ref[1]
    s2 = _silu(jnp.dot(q[:, 0:NF], l2s_ref[...],
                       preferred_element_type=jnp.float32))
    so_ref[...] = s_ref[...] + jnp.dot(s2, l3s_ref[...],
                                       preferred_element_type=jnp.float32)
    l2v = l2v_ref[...]
    l3v = l3v_ref[...]
    vs = []
    for c in range(3):
        vc = q[:, NF * (c + 1):NF * (c + 2)]
        v2 = jnp.dot(vc, l2v, preferred_element_type=jnp.float32)
        vs.append(jnp.dot(v2, l3v, preferred_element_type=jnp.float32))
    vo_ref[...] = jnp.stack(vs, axis=0)


def _post0(acc, s, l2s, l2v, l3s, l3v):
    return pl.pallas_call(
        _post0_body,
        grid=(NB,),
        in_specs=[
            pl.BlockSpec((2, BN, 4 * NF), lambda i: (0, i, 0)),
            pl.BlockSpec((BN, F), lambda i: (i, 0)),
            pl.BlockSpec((NF, F), lambda i: (0, 0)),
            pl.BlockSpec((NF, F), lambda i: (0, 0)),
            pl.BlockSpec((F, F), lambda i: (0, 0)),
            pl.BlockSpec((F, F), lambda i: (0, 0)),
        ],
        out_specs=[
            pl.BlockSpec((BN, F), lambda i: (i, 0)),
            pl.BlockSpec((3, BN, F), lambda i: (0, i, 0)),
        ],
        out_shape=[
            jax.ShapeDtypeStruct((N_NODES, F), jnp.float32),
            jax.ShapeDtypeStruct((3, N_NODES, F), jnp.float32),
        ],
    )(acc, s, l2s, l2v, l3s, l3v)


def _post1_body(r1_ref, r2_ref, s_ref, v_ref, l2s_ref, l2v_ref, l3s_ref,
                l3v_ref, so_ref, vo_ref):
    b1 = r1_ref[0] + r1_ref[1]
    b2 = r2_ref[0] + r2_ref[1]
    s2 = _silu(jnp.dot(b1[:, 0:2 * NF], l2s_ref[...],
                       preferred_element_type=jnp.float32))
    so_ref[...] = s_ref[...] + jnp.dot(s2, l3s_ref[...],
                                       preferred_element_type=jnp.float32)
    l2v = l2v_ref[...]
    l3v = l3v_ref[...]
    vs = []
    for c, vc in enumerate((b1[:, 2 * NF:4 * NF], b2[:, 0:2 * NF],
                            b2[:, 2 * NF:4 * NF])):
        v2 = jnp.dot(vc, l2v, preferred_element_type=jnp.float32)
        vs.append(v_ref[c] + jnp.dot(v2, l3v,
                                     preferred_element_type=jnp.float32))
    vo_ref[...] = jnp.stack(vs, axis=0)


def _post1(r1, r2, s, v, l2s, l2v, l3s, l3v):
    return pl.pallas_call(
        _post1_body,
        grid=(NB,),
        in_specs=[
            pl.BlockSpec((2, BN, 4 * NF), lambda i: (0, i, 0)),
            pl.BlockSpec((2, BN, 4 * NF), lambda i: (0, i, 0)),
            pl.BlockSpec((BN, F), lambda i: (i, 0)),
            pl.BlockSpec((3, BN, F), lambda i: (0, i, 0)),
            pl.BlockSpec((2 * NF, F), lambda i: (0, 0)),
            pl.BlockSpec((2 * NF, F), lambda i: (0, 0)),
            pl.BlockSpec((F, F), lambda i: (0, 0)),
            pl.BlockSpec((F, F), lambda i: (0, 0)),
        ],
        out_specs=[
            pl.BlockSpec((BN, F), lambda i: (i, 0)),
            pl.BlockSpec((3, BN, F), lambda i: (0, i, 0)),
        ],
        out_shape=[
            jax.ShapeDtypeStruct((N_NODES, F), jnp.float32),
            jax.ShapeDtypeStruct((3, N_NODES, F), jnp.float32),
        ],
    )(r1, r2, s, v, l2s, l2v, l3s, l3v)


SC_C = 80
SC_R = N_EDGES // SC_C
NPAD = 10112
NPT = NPAD // 16


def _sc_gather(table, idx):
    n, d = table.shape
    e = idx.shape[0]
    rpw = e // (SC_C * 32)
    mesh = plsc.VectorSubcoreMesh(core_axis_name="c", subcore_axis_name="s")

    @functools.partial(
        pl.kernel,
        out_type=jax.ShapeDtypeStruct((e, d), jnp.float32),
        mesh=mesh,
        scratch_types=[
            pltpu.VMEM((SC_C,), jnp.int32),
            pltpu.VMEM((SC_C, d), jnp.float32),
            pltpu.SemaphoreType.DMA,
        ],
    )
    def k(table_hbm, idx_hbm, out_hbm, idx_v, rows_v, sem):
        wid = lax.axis_index("s") * 2 + lax.axis_index("c")

        @pl.loop(0, rpw)
        def _(j):
            base = (wid * rpw + j) * SC_C
            pltpu.sync_copy(idx_hbm.at[pl.ds(base, SC_C)], idx_v)
            pltpu.async_copy(table_hbm.at[idx_v], rows_v, sem).wait()
            pltpu.sync_copy(rows_v, out_hbm.at[pl.ds(base, SC_C)])

    return k(table, idx)


ZR = 8


def _zero_fill(z_v, h):
    @pl.loop(0, ZR)
    def _(i):
        for j in range(h // 16):
            z_v[i, pl.ds(j * 16, 16)] = jnp.zeros((16,), jnp.float32)


def _sc_scatter128(m, idx):
    h = 4 * NF
    rpw = SC_R // 32
    mesh = plsc.VectorSubcoreMesh(core_axis_name="c", subcore_axis_name="s")

    @functools.partial(
        pl.kernel,
        out_type=jax.ShapeDtypeStruct((2, NPAD, h), jnp.float32),
        mesh=mesh,
        scratch_types=[
            pltpu.VMEM((SC_C,), jnp.int32),
            pltpu.VMEM((SC_C, h), jnp.float32),
            pltpu.VMEM((ZR, h), jnp.float32),
            pltpu.VMEM_SHARED((NPAD, h), jnp.float32),
            pltpu.SemaphoreType.DMA,
        ],
    )
    def k(m_hbm, idx_hbm, out_hbm, idx_v, rows_v, z_v, acc_sh, sem):
        cid = lax.axis_index("c")
        sid = lax.axis_index("s")
        wid = cid * 16 + sid
        _zero_fill(z_v, h)

        @pl.loop(0, NPT // ZR)
        def _(b):
            pltpu.sync_copy(z_v, acc_sh.at[pl.ds(sid * NPT + b * ZR, ZR)])

        plsc.subcore_barrier()

        @pl.loop(0, rpw)
        def _(j):
            base = (wid * rpw + j) * SC_C
            pltpu.sync_copy(idx_hbm.at[pl.ds(base, SC_C)], idx_v)
            pltpu.sync_copy(m_hbm.at[pl.ds(base, SC_C)], rows_v)
            pltpu.sync_copy(rows_v, acc_sh.at[idx_v], add=True)

        plsc.subcore_barrier()
        pltpu.sync_copy(acc_sh.at[pl.ds(sid * NPT, NPT)],
                        out_hbm.at[cid, pl.ds(sid * NPT, NPT)])

    return k(m, idx)


def kernel(positions, params, species, senders, receivers):
    senders = senders.astype(jnp.int32)
    receivers = receivers.astype(jnp.int32)

    pos16 = jnp.zeros((N_NODES, 16), jnp.float32).at[:, 0:3].set(positions)
    pos128 = jnp.zeros((N_NODES, F), jnp.float32).at[:, 0:3].set(positions)
    pr = _sc_gather(pos128, receivers)

    s = _embed(species, params['emb'], params['lin0'])
    v = jnp.zeros((3, N_NODES, F), jnp.float32)

    for i in range(N_INTER):
        fw1 = jnp.zeros((32, NF), jnp.float32).at[0:N_RBF].set(
            params[f'b{i}_fw1'])
        fb1 = params[f'b{i}_fb1'].reshape(1, NF)
        fw2 = params[f'b{i}_fw2']
        fb2 = params[f'b{i}_fb2'].reshape(1, 4 * NF)
        if i == 0:
            t = _pre0(s, pos16, params['b0_lin1_s'])
            tg = _sc_gather(t, senders)
            g, f = _geom(tg, pr)
            m = _msg0(tg, g, f, fw1, fb1, fw2, fb2)
            acc = _sc_scatter128(m, receivers)
            s, v = _post0(acc, s,
                          params['b0_lin2_s'][0:NF],
                          params['b0_lin2_v'][0:NF],
                          params['b0_lin3_s'], params['b0_lin3_v'])
        else:
            t = _pre1(s, v, params[f'b{i}_lin1_s'], params[f'b{i}_lin1_v'])
            tg = _sc_gather(t, senders)
            m01, m23 = _msg1(tg, g, f, fw1, fb1, fw2, fb2)
            r1 = _sc_scatter128(m01, receivers)
            r2 = _sc_scatter128(m23, receivers)
            s, v = _post1(r1, r2, s, v,
                          params[f'b{i}_lin2_s'], params[f'b{i}_lin2_v'],
                          params[f'b{i}_lin3_s'], params[f'b{i}_lin3_v'])

    vout = v.transpose(1, 2, 0).reshape(N_NODES, 3 * F)
    return jnp.concatenate([s, vout], axis=1)

# --- scband reference (transcript-rebuilt; emitter-appended) ---
"""Pipeline reference for scband-e3-sch-net-16561393893484 (READ-ONLY COPY).

The authoritative reference and input builder live on the scoring server;
editing this copy changes nothing except your own understanding.
"""

import jax, jax.numpy as jnp
import numpy as np

N_NODES = 10000
N_EDGES = 320000
F = 128        # n_atom_basis
NF = 32        # n_filters
N_RBF = 25
N_INTER = 2
CUTOFF = 5.0
NUM_SPECIES = 64
SQRT3 = 3.0 ** 0.5


def _init_params(key):
    ks = jax.random.split(key, 2 + 8 * N_INTER)
    p = {}
    p['emb'] = jax.random.normal(ks[0], (NUM_SPECIES, F), dtype=jnp.float32)
    p['lin0'] = jax.random.normal(ks[1], (F, F), dtype=jnp.float32) / np.sqrt(F)
    j = 2
    for i in range(N_INTER):
        p[f'b{i}_lin1_s'] = jax.random.normal(ks[j], (F, NF), dtype=jnp.float32) / np.sqrt(F); j += 1
        p[f'b{i}_lin1_v'] = jax.random.normal(ks[j], (F, NF), dtype=jnp.float32) / np.sqrt(F); j += 1
        p[f'b{i}_fw1'] = jax.random.normal(ks[j], (N_RBF, NF), dtype=jnp.float32) / np.sqrt(N_RBF); j += 1
        p[f'b{i}_fb1'] = jnp.zeros((NF,), dtype=jnp.float32)
        p[f'b{i}_fw2'] = jax.random.normal(ks[j], (NF, 4 * NF), dtype=jnp.float32) / np.sqrt(NF); j += 1
        p[f'b{i}_fb2'] = jnp.zeros((4 * NF,), dtype=jnp.float32)
        p[f'b{i}_lin2_s'] = jax.random.normal(ks[j], (2 * NF, F), dtype=jnp.float32) / np.sqrt(2 * NF); j += 1
        p[f'b{i}_lin2_v'] = jax.random.normal(ks[j], (2 * NF, F), dtype=jnp.float32) / np.sqrt(2 * NF); j += 1
        p[f'b{i}_lin3_s'] = jax.random.normal(ks[j], (F, F), dtype=jnp.float32) / np.sqrt(F); j += 1
        p[f'b{i}_lin3_v'] = jax.random.normal(ks[j], (F, F), dtype=jnp.float32) / np.sqrt(F); j += 1
    return p


def setup_inputs(seed: int = 0):
    key = jax.random.key(seed)
    k1, k2, k3, k4, k5 = jax.random.split(key, 5)
    species = jax.random.randint(k1, (N_NODES,), 0, NUM_SPECIES)
    positions = jax.random.normal(k2, (N_NODES, 3), dtype=jnp.float32)
    senders = jax.random.randint(k3, (N_EDGES,), 0, N_NODES)
    receivers = jax.random.randint(k4, (N_EDGES,), 0, N_NODES)
    params = _init_params(k5)
    return {'positions': positions, 'params': params, 'species': species,
            'senders': senders, 'receivers': receivers}


def _forward(positions, params, species, senders, receivers):
    idx_i, idx_j = receivers, senders
    r_ij = positions[receivers] - positions[senders]
    d_ij = jnp.sqrt(jnp.sum(r_ij ** 2, axis=-1) + 1e-12)  # safe norm
    # radial basis: e3nn soft_one_hot_linspace(gaussian, cutoff=True)
    centers = jnp.linspace(0.0, CUTOFF, N_RBF + 2)[1:-1]
    step = CUTOFF / (N_RBF + 1)
    diff = (d_ij[:, None] - centers) / step
    f_ij = jnp.exp(-diff ** 2) / 1.12
    # Behler cosine cutoff
    rcut_ij = 0.5 * (jnp.cos(d_ij * jnp.pi / CUTOFF) + 1.0) * (d_ij < CUTOFF).astype(jnp.float32)
    r_ij = r_ij * rcut_ij[:, None]
    # spherical harmonics, max_ell=1, normalize=True, component normalization
    rn = jnp.sqrt(jnp.sum(r_ij ** 2, axis=-1, keepdims=True) + 1e-12)
    Yv = SQRT3 * r_ij / jnp.maximum(rn, 1e-9)  # [E,3]; l=0 component is constant 1.0
    # node embedding + initial e3nn Linear to latent irreps (F x 0e + F x 1o)
    s = params['emb'][species] @ params['lin0']  # [N,F] scalars
    v = jnp.zeros((s.shape[0], F, 3), dtype=s.dtype)  # 1o part: no 0e->1o path -> zeros
    for i in range(N_INTER):
        # Linear to n_filters x (0e + 1o)
        s1 = s @ params[f'b{i}_lin1_s']                               # [N,NF]
        v1 = jnp.einsum('nfc,fg->ngc', v, params[f'b{i}_lin1_v'])     # [N,NF,3]
        sj = s1[idx_j]
        vj = v1[idx_j]
        # tensor product with Yr_ij = (1, Yv); only 0e/1o outputs survive the
        # final Linear back to input irreps (1e/2e channels are identically dropped)
        t0a = sj                                                      # 0e x 0e -> 0e
        t0b = jnp.einsum('enc,ec->en', vj, Yv) / SQRT3                # 1o x 1o -> 0e
        t1a = sj[:, :, None] * Yv[:, None, :]                         # 0e x 1o -> 1o
        t1b = vj                                                      # 1o x 0e -> 1o
        # filter network W_ij on radial basis, gated by cutoff
        h = jax.nn.silu(f_ij @ params[f'b{i}_fw1'] + params[f'b{i}_fb1'])
        W = (h @ params[f'b{i}_fw2'] + params[f'b{i}_fb2']) * rcut_ij[:, None]  # [E,4NF]
        w0a, w0b, w1a, w1b = jnp.split(W, 4, axis=-1)
        m_s = jnp.concatenate([t0a * w0a, t0b * w0b], axis=-1)                         # [E,2NF]
        m_v = jnp.concatenate([t1a * w1a[:, :, None], t1b * w1b[:, :, None]], axis=1)  # [E,2NF,3]
        # scatter-sum messages to center atoms
        S = jax.ops.segment_sum(m_s, idx_i, num_segments=s.shape[0])
        V = jax.ops.segment_sum(m_v, idx_i, num_segments=s.shape[0])
        # Linear back to input irreps, scalar activation, final Linear
        s2 = jax.nn.silu(S @ params[f'b{i}_lin2_s'])
        v2 = jnp.einsum('nkc,kf->nfc', V, params[f'b{i}_lin2_v'])
        s3 = s2 @ params[f'b{i}_lin3_s']
        v3 = jnp.einsum('nfc,fg->ngc', v2, params[f'b{i}_lin3_v'])
        # residual update x = x + v
        s = s + s3
        v = v + v3
    # IrrepsArray layout: [N, F*0e || F*1o] -> [N, 4F]
    return jnp.concatenate([s, v.reshape(v.shape[0], -1)], axis=-1)


def reference(positions, params, species, senders, receivers):
    return _forward(positions, params, species, senders, receivers)

if __name__ == "__main__":
    import jax
    _d = setup_inputs()
    print(jax.jit(kernel)(*tuple(_d.values())))

</pallas_src>

<mosaic_0001>
#map = affine_map<(d0, d1) -> (0, 0)>
#map1 = affine_map<(d0, d1) -> (0)>
module attributes {stable_mosaic.version = 14 : i64} {
  func.func @k(%arg0: i32, %arg1: i32, %arg2: memref<10000x128xf32, #tpu.memory_space<hbm>>, %arg3: memref<320000xi32, #tpu.memory_space<hbm>>, %arg4: memref<320000x128xf32, #tpu.memory_space<hbm>>, %arg5: memref<80xi32, #tpu.memory_space<vmem>>, %arg6: memref<80x128xf32, #tpu.memory_space<vmem>>, %arg7: memref<!tpu.dma_semaphore, #tpu.memory_space<semaphore_mem>>) attributes {dimension_semantics = [#tpu.dimension_semantics<core_parallel>, #tpu.dimension_semantics<subcore_parallel>], iteration_bounds = array<i64: 2, 16>, scalar_prefetch = 0 : i64, scratch_operands = 3 : i64, tpu.core_type = #tpu.core_type<sc_vector_subcore>, window_params = [{transform_indices = #map}, {transform_indices = #map1}, {transform_indices = #map}]} {
    %mul3A = arith.constant 2 : i32
    %mul3A_0 = arith.muli %arg1, %mul3A : i32
    %add3A = arith.addi %mul3A_0, %arg0 : i32
    %scan3A = arith.constant 0 : i32
    %scan3A_1 = arith.constant 125 : i32
    %scan3A_2 = arith.addi %scan3A, %scan3A_1 : i32
    %scan3A_3 = arith.constant 1 : i32
    scf.for %scan3A_5 = %scan3A to %scan3A_2 step %scan3A_3  : i32 {
      %mul3A_6 = arith.constant 1 : i32
      %mul3A_7 = arith.muli %scan3A_5, %mul3A_6 : i32
      %add3A_8 = arith.constant 0 : i32
      %add3A_9 = arith.addi %add3A_8, %mul3A_7 : i32
      %mul3A_10 = arith.constant 125 : i32
      %mul3A_11 = arith.muli %add3A, %mul3A_10 : i32
      %add3A_12 = arith.addi %mul3A_11, %add3A_9 : i32
      %mul3A_13 = arith.constant 80 : i32
      %mul3A_14 = arith.muli %add3A_12, %mul3A_13 : i32
      "tpu.region"() ({
        %run_scoped3A = tpu.sem_alloc : memref<!tpu.dma_semaphore, #tpu.memory_space<semaphore_mem>>
        %dma_start3A_19 = tpu.memref_slice %arg3[%mul3A_14] : memref<320000xi32, #tpu.memory_space<hbm>> -> memref<80xi32, #tpu.memory_space<hbm>>
        %dma_start3A_20 = tpu.memref_slice %arg3[%mul3A_14] : memref<320000xi32, #tpu.memory_space<hbm>> -> memref<80xi32, #tpu.memory_space<hbm>>
        tpu.enqueue_dma source(%dma_start3A_20 : memref<80xi32, #tpu.memory_space<hbm>>) target(%arg5 : memref<80xi32, #tpu.memory_space<vmem>>) target_semaphore(%run_scoped3A : memref<!tpu.dma_semaphore, #tpu.memory_space<semaphore_mem>>)
        %dma_wait3A_21 = tpu.memref_slice %arg3[%mul3A_14] : memref<320000xi32, #tpu.memory_space<hbm>> -> memref<80xi32, #tpu.memory_space<hbm>>
        %dma_wait3A_22 = tpu.memref_slice %arg3[%mul3A_14] : memref<320000xi32, #tpu.memory_space<hbm>> -> memref<80xi32, #tpu.memory_space<hbm>>
        tpu.wait_dma2 semaphore(%run_scoped3A : memref<!tpu.dma_semaphore, #tpu.memory_space<semaphore_mem>>) src(%dma_wait3A_22 : memref<80xi32, #tpu.memory_space<hbm>>) dst(%arg5 : memref<80xi32, #tpu.memory_space<vmem>>)
        tpu.yield
      }) : () -> ()
      %dma_start3A = arith.constant 0 : i32
      %dma_start3A_15 = arith.constant 0 : i32
      %dma_start3A_16 = tpu.memref_slice %arg2[%dma_start3A, %dma_start3A_15] : memref<10000x128xf32, #tpu.memory_space<hbm>> -> memref<10000x128xf32, #tpu.memory_space<hbm>>
      tpu.enqueue_indirect_dma source(%dma_start3A_16 : memref<10000x128xf32, #tpu.memory_space<hbm>>) target(%arg6 : memref<80x128xf32, #tpu.memory_space<vmem>>) offsets(%arg5 : memref<80xi32, #tpu.memory_space<vmem>>) semaphore(%arg7 : memref<!tpu.dma_semaphore, #tpu.memory_space<semaphore_mem>>)
      %dma_wait3A = arith.constant 0 : i32
      %dma_wait3A_17 = arith.constant 0 : i32
      %dma_wait3A_18 = tpu.memref_slice %arg2[%dma_wait3A, %dma_wait3A_17] : memref<10000x128xf32, #tpu.memory_space<hbm>> -> memref<10000x128xf32, #tpu.memory_space<hbm>>
      tpu.wait_indirect_dma semaphore(%arg7 : memref<!tpu.dma_semaphore, #tpu.memory_space<semaphore_mem>>) src(%dma_wait3A_18 : memref<10000x128xf32, #tpu.memory_space<hbm>>) dst(%arg6 : memref<80x128xf32, #tpu.memory_space<vmem>>)
      "tpu.region"() ({
        %run_scoped3A = tpu.sem_alloc : memref<!tpu.dma_semaphore, #tpu.memory_space<semaphore_mem>>
        %dma_start3A_19 = arith.constant 0 : i32
        %dma_start3A_20 = tpu.memref_slice %arg4[%mul3A_14, %dma_start3A_19] : memref<320000x128xf32, #tpu.memory_space<hbm>> -> memref<80x128xf32, #tpu.memory_space<hbm>>
        %dma_start3A_21 = arith.constant 0 : i32
        %dma_start3A_22 = tpu.memref_slice %arg4[%mul3A_14, %dma_start3A_21] : memref<320000x128xf32, #tpu.memory_space<hbm>> -> memref<80x128xf32, #tpu.memory_space<hbm>>
        tpu.enqueue_dma source(%arg6 : memref<80x128xf32, #tpu.memory_space<vmem>>) target(%dma_start3A_22 : memref<80x128xf32, #tpu.memory_space<hbm>>) target_semaphore(%run_scoped3A : memref<!tpu.dma_semaphore, #tpu.memory_space<semaphore_mem>>)
        %dma_wait3A_23 = arith.constant 0 : i32
        %dma_wait3A_24 = tpu.memref_slice %arg4[%mul3A_14, %dma_wait3A_23] : memref<320000x128xf32, #tpu.memory_space<hbm>> -> memref<80x128xf32, #tpu.memory_space<hbm>>
        %dma_wait3A_25 = arith.constant 0 : i32
        %dma_wait3A_26 = tpu.memref_slice %arg4[%mul3A_14, %dma_wait3A_25] : memref<320000x128xf32, #tpu.memory_space<hbm>> -> memref<80x128xf32, #tpu.memory_space<hbm>>
        tpu.wait_dma2 semaphore(%run_scoped3A : memref<!tpu.dma_semaphore, #tpu.memory_space<semaphore_mem>>) src(%arg6 : memref<80x128xf32, #tpu.memory_space<vmem>>) dst(%dma_wait3A_26 : memref<80x128xf32, #tpu.memory_space<hbm>>)
        tpu.yield
      }) : () -> ()
    }
    %scan3A_4 = arith.constant 125 : i32
    return
  }
}

#map = affine_map<(d0, d1) -> (0, 0)>
#map1 = affine_map<(d0, d1) -> (0)>
module attributes {stable_mosaic.version = 14 : i64} {
  func.func @k(%arg0: i32, %arg1: i32, %arg2: memref<10000x128xf32, #tpu.memory_space<hbm>>, %arg3: memref<320000xi32, #tpu.memory_space<hbm>>, %arg4: memref<320000x128xf32, #tpu.memory_space<hbm>>, %arg5: memref<80xi32, #tpu.memory_space<vmem>>, %arg6: memref<80x128xf32, #tpu.memory_space<vmem>>, %arg7: memref<!tpu.dma_semaphore, #tpu.memory_space<semaphore_mem>>) attributes {dimension_semantics = [#tpu.dimension_semantics<core_parallel>, #tpu.dimension_semantics<subcore_parallel>], iteration_bounds = array<i64: 2, 16>, scalar_prefetch = 0 : i64, scratch_operands = 3 : i64, tpu.core_type = #tpu.core_type<sc_vector_subcore>, window_params = [{transform_indices = #map}, {transform_indices = #map1}, {transform_indices = #map}]} {
    %mul3A = arith.constant 2 : i32
    %mul3A_0 = arith.muli %arg1, %mul3A : i32
    %add3A = arith.addi %mul3A_0, %arg0 : i32
    %scan3A = arith.constant 0 : i32
    %scan3A_1 = arith.constant 125 : i32
    %scan3A_2 = arith.addi %scan3A, %scan3A_1 : i32
    %scan3A_3 = arith.constant 1 : i32
    scf.for %scan3A_5 = %scan3A to %scan3A_2 step %scan3A_3  : i32 {
      %mul3A_6 = arith.constant 1 : i32
      %mul3A_7 = arith.muli %scan3A_5, %mul3A_6 : i32
      %add3A_8 = arith.constant 0 : i32
      %add3A_9 = arith.addi %add3A_8, %mul3A_7 : i32
      %mul3A_10 = arith.constant 125 : i32
      %mul3A_11 = arith.muli %add3A, %mul3A_10 : i32
      %add3A_12 = arith.addi %mul3A_11, %add3A_9 : i32
      %mul3A_13 = arith.constant 80 : i32
      %mul3A_14 = arith.muli %add3A_12, %mul3A_13 : i32
      "tpu.region"() ({
        %run_scoped3A = tpu.sem_alloc : memref<!tpu.dma_semaphore, #tpu.memory_space<semaphore_mem>>
        %dma_start3A_19 = tpu.memref_slice %arg3[%mul3A_14] : memref<320000xi32, #tpu.memory_space<hbm>> -> memref<80xi32, #tpu.memory_space<hbm>>
        %dma_start3A_20 = tpu.memref_slice %arg3[%mul3A_14] : memref<320000xi32, #tpu.memory_space<hbm>> -> memref<80xi32, #tpu.memory_space<hbm>>
        tpu.enqueue_dma source(%dma_start3A_20 : memref<80xi32, #tpu.memory_space<hbm>>) target(%arg5 : memref<80xi32, #tpu.memory_space<vmem>>) target_semaphore(%run_scoped3A : memref<!tpu.dma_semaphore, #tpu.memory_space<semaphore_mem>>)
        %dma_wait3A_21 = tpu.memref_slice %arg3[%mul3A_14] : memref<320000xi32, #tpu.memory_space<hbm>> -> memref<80xi32, #tpu.memory_space<hbm>>
        %dma_wait3A_22 = tpu.memref_slice %arg3[%mul3A_14] : memref<320000xi32, #tpu.memory_space<hbm>> -> memref<80xi32, #tpu.memory_space<hbm>>
        tpu.wait_dma2 semaphore(%run_scoped3A : memref<!tpu.dma_semaphore, #tpu.memory_space<semaphore_mem>>) src(%dma_wait3A_22 : memref<80xi32, #tpu.memory_space<hbm>>) dst(%arg5 : memref<80xi32, #tpu.memory_space<vmem>>)
        tpu.yield
      }) : () -> ()
      %dma_start3A = arith.constant 0 : i32
      %dma_start3A_15 = arith.constant 0 : i32
      %dma_start3A_16 = tpu.memref_slice %arg2[%dma_start3A, %dma_start3A_15] : memref<10000x128xf32, #tpu.memory_space<hbm>> -> memref<10000x128xf32, #tpu.memory_space<hbm>>
      tpu.enqueue_indirect_dma source(%dma_start3A_16 : memref<10000x128xf32, #tpu.memory_space<hbm>>) target(%arg6 : memref<80x128xf32, #tpu.memory_space<vmem>>) offsets(%arg5 : memref<80xi32, #tpu.memory_space<vmem>>) semaphore(%arg7 : memref<!tpu.dma_semaphore, #tpu.memory_space<semaphore_mem>>)
      %dma_wait3A = arith.constant 0 : i32
      %dma_wait3A_17 = arith.constant 0 : i32
      %dma_wait3A_18 = tpu.memref_slice %arg2[%dma_wait3A, %dma_wait3A_17] : memref<10000x128xf32, #tpu.memory_space<hbm>> -> memref<10000x128xf32, #tpu.memory_space<hbm>>
      tpu.wait_indirect_dma semaphore(%arg7 : memref<!tpu.dma_semaphore, #tpu.memory_space<semaphore_mem>>) src(%dma_wait3A_18 : memref<10000x128xf32, #tpu.memory_space<hbm>>) dst(%arg6 : memref<80x128xf32, #tpu.memory_space<vmem>>)
      "tpu.region"() ({
        %run_scoped3A = tpu.sem_alloc : memref<!tpu.dma_semaphore, #tpu.memory_space<semaphore_mem>>
        %dma_start3A_19 = arith.constant 0 : i32
        %dma_start3A_20 = tpu.memref_slice %arg4[%mul3A_14, %dma_start3A_19] : memref<320000x128xf32, #tpu.memory_space<hbm>> -> memref<80x128xf32, #tpu.memory_space<hbm>>
        %dma_start3A_21 = arith.constant 0 : i32
        %dma_start3A_22 = tpu.memref_slice %arg4[%mul3A_14, %dma_start3A_21] : memref<320000x128xf32, #tpu.memory_space<hbm>> -> memref<80x128xf32, #tpu.memory_space<hbm>>
        tpu.enqueue_dma source(%arg6 : memref<80x128xf32, #tpu.memory_space<vmem>>) target(%dma_start3A_22 : memref<80x128xf32, #tpu.memory_space<hbm>>) target_semaphore(%run_scoped3A : memref<!tpu.dma_semaphore, #tpu.memory_space<semaphore_mem>>)
        %dma_wait3A_23 = arith.constant 0 : i32
        %dma_wait3A_24 = tpu.memref_slice %arg4[%mul3A_14, %dma_wait3A_23] : memref<320000x128xf32, #tpu.memory_space<hbm>> -> memref<80x128xf32, #tpu.memory_space<hbm>>
        %dma_wait3A_25 = arith.constant 0 : i32
        %dma_wait3A_26 = tpu.memref_slice %arg4[%mul3A_14, %dma_wait3A_25] : memref<320000x128xf32, #tpu.memory_space<hbm>> -> memref<80x128xf32, #tpu.memory_space<hbm>>
        tpu.wait_dma2 semaphore(%run_scoped3A : memref<!tpu.dma_semaphore, #tpu.memory_space<semaphore_mem>>) src(%arg6 : memref<80x128xf32, #tpu.memory_space<vmem>>) dst(%dma_wait3A_26 : memref<80x128xf32, #tpu.memory_space<hbm>>)
        tpu.yield
      }) : () -> ()
    }
    %scan3A_4 = arith.constant 125 : i32
    return
  }
}

#map = affine_map<(d0, d1) -> (0, 0)>
#map1 = affine_map<(d0, d1) -> (0)>
#map2 = affine_map<(d0, d1) -> (0, 0, 0)>
module attributes {stable_mosaic.version = 14 : i64} {
  func.func @k(%arg0: i32, %arg1: i32, %arg2: memref<320000x128xf32, #tpu.memory_space<hbm>>, %arg3: memref<320000xi32, #tpu.memory_space<hbm>>, %arg4: memref<2x10112x128xf32, #tpu.memory_space<hbm>>, %arg5: memref<80xi32, #tpu.memory_space<vmem>>, %arg6: memref<80x128xf32, #tpu.memory_space<vmem>>, %arg7: memref<8x128xf32, #tpu.memory_space<vmem>>, %arg8: memref<10112x128xf32, #tpu.memory_space<vmem_shared>>, %arg9: memref<!tpu.dma_semaphore, #tpu.memory_space<semaphore_mem>>) attributes {dimension_semantics = [#tpu.dimension_semantics<core_parallel>, #tpu.dimension_semantics<subcore_parallel>], iteration_bounds = array<i64: 2, 16>, scalar_prefetch = 0 : i64, scratch_operands = 5 : i64, tpu.core_type = #tpu.core_type<sc_vector_subcore>, window_params = [{transform_indices = #map}, {transform_indices = #map1}, {transform_indices = #map2}]} {
    %mul3A = arith.constant 16 : i32
    %mul3A_0 = arith.muli %arg0, %mul3A : i32
    %add3A = arith.addi %mul3A_0, %arg1 : i32
    %scan3A = arith.constant 0 : i32
    %scan3A_1 = arith.constant 8 : i32
    %scan3A_2 = arith.addi %scan3A, %scan3A_1 : i32
    %scan3A_3 = arith.constant 1 : i32
    scf.for %scan3A_20 = %scan3A to %scan3A_2 step %scan3A_3  : i32 {
      %mul3A_21 = arith.constant 1 : i32
      %mul3A_22 = arith.muli %scan3A_20, %mul3A_21 : i32
      %add3A_23 = arith.constant 0 : i32
      %add3A_24 = arith.addi %add3A_23, %mul3A_22 : i32
      %broadcast_in_dim3A = arith.constant 0.000000e+00 : f32
      %broadcast_in_dim3A_25 = vector.broadcast %broadcast_in_dim3A : f32 to vector<16xf32>
      %swap3A = arith.index_cast %add3A_24 : i32 to index
      %swap3A_26 = arith.constant 0 : index
      %swap3A_27 = tpu.vector_load %arg7[%swap3A, %swap3A_26] {strides = array<i32>} : memref<8x128xf32, #tpu.memory_space<vmem>>, vector<1x16xf32>,
      %swap3A_28 = vector.shape_cast %swap3A_27 : vector<1x16xf32> to vector<16xf32>
      %swap3A_29 = vector.shape_cast %broadcast_in_dim3A_25 : vector<16xf32> to vector<1x16xf32>
      tpu.vector_store %arg7[%swap3A, %swap3A_26], %swap3A_29 {strides = array<i32>} : memref<8x128xf32, #tpu.memory_space<vmem>>, vector<1x16xf32>,
      %broadcast_in_dim3A_30 = arith.constant 0.000000e+00 : f32
      %broadcast_in_dim3A_31 = vector.broadcast %broadcast_in_dim3A_30 : f32 to vector<16xf32>
      %swap3A_32 = arith.index_cast %add3A_24 : i32 to index
      %swap3A_33 = arith.constant 16 : index
      %swap3A_34 = tpu.vector_load %arg7[%swap3A_32, %swap3A_33] {strides = array<i32>} : memref<8x128xf32, #tpu.memory_space<vmem>>, vector<1x16xf32>,
      %swap3A_35 = vector.shape_cast %swap3A_34 : vector<1x16xf32> to vector<16xf32>
      %swap3A_36 = vector.shape_cast %broadcast_in_dim3A_31 : vector<16xf32> to vector<1x16xf32>
      tpu.vector_store %arg7[%swap3A_32, %swap3A_33], %swap3A_36 {strides = array<i32>} : memref<8x128xf32, #tpu.memory_space<vmem>>, vector<1x16xf32>,
      %broadcast_in_dim3A_37 = arith.constant 0.000000e+00 : f32
      %broadcast_in_dim3A_38 = vector.broadcast %broadcast_in_dim3A_37 : f32 to vector<16xf32>
      %swap3A_39 = arith.index_cast %add3A_24 : i32 to index
      %swap3A_40 = arith.constant 32 : index
      %swap3A_41 = tpu.vector_load %arg7[%swap3A_39, %swap3A_40] {strides = array<i32>} : memref<8x128xf32, #tpu.memory_space<vmem>>, vector<1x16xf32>,
      %swap3A_42 = vector.shape_cast %swap3A_41 : vector<1x16xf32> to vector<16xf32>
      %swap3A_43 = vector.shape_cast %broadcast_in_dim3A_38 : vector<16xf32> to vector<1x16xf32>
      tpu.vector_store %arg7[%swap3A_39, %swap3A_40], %swap3A_43 {strides = array<i32>} : memref<8x128xf32, #tpu.memory_space<vmem>>, vector<1x16xf32>,
      %broadcast_in_dim3A_44 = arith.constant 0.000000e+00 : f32
      %broadcast_in_dim3A_45 = vector.broadcast %broadcast_in_dim3A_44 : f32 to vector<16xf32>
      %swap3A_46 = arith.index_cast %add3A_24 : i32 to index
      %swap3A_47 = arith.constant 48 : index
      %swap3A_48 = tpu.vector_load %arg7[%swap3A_46, %swap3A_47] {strides = array<i32>} : memref<8x128xf32, #tpu.memory_space<vmem>>, vector<1x16xf32>,
      %swap3A_49 = vector.shape_cast %swap3A_48 : vector<1x16xf32> to vector<16xf32>
      %swap3A_50 = vector.shape_cast %broadcast_in_dim3A_45 : vector<16xf32> to vector<1x16xf32>
      tpu.vector_store %arg7[%swap3A_46, %swap3A_47], %swap3A_50 {strides = array<i32>} : memref<8x128xf32, #tpu.memory_space<vmem>>, vector<1x16xf32>,
      %broadcast_in_dim3A_51 = arith.constant 0.000000e+00 : f32
      %broadcast_in_dim3A_52 = vector.broadcast %broadcast_in_dim3A_51 : f32 to vector<16xf32>
      %swap3A_53 = arith.index_cast %add3A_24 : i32 to index
      %swap3A_54 = arith.constant 64 : index
      %swap3A_55 = tpu.vector_load %arg7[%swap3A_53, %swap3A_54] {strides = array<i32>} : memref<8x128xf32, #tpu.memory_space<vmem>>, vector<1x16xf32>,
      %swap3A_56 = vector.shape_cast %swap3A_55 : vector<1x16xf32> to vector<16xf32>
      %swap3A_57 = vector.shape_cast %broadcast_in_dim3A_52 : vector<16xf32> to vector<1x16xf32>
      tpu.vector_store %arg7[%swap3A_53, %swap3A_54], %swap3A_57 {strides = array<i32>} : memref<8x128xf32, #tpu.memory_space<vmem>>, vector<1x16xf32>,
      %broadcast_in_dim3A_58 = arith.constant 0.000000e+00 : f32
      %broadcast_in_dim3A_59 = vector.broadcast %broadcast_in_dim3A_58 : f32 to vector<16xf32>
      %swap3A_60 = arith.index_cast %add3A_24 : i32 to index
      %swap3A_61 = arith.constant 80 : index
      %swap3A_62 = tpu.vector_load %arg7[%swap3A_60, %swap3A_61] {strides = array<i32>} : memref<8x128xf32, #tpu.memory_space<vmem>>, vector<1x16xf32>,
      %swap3A_63 = vector.shape_cast %swap3A_62 : vector<1x16xf32> to vector<16xf32>
      %swap3A_64 = vector.shape_cast %broadcast_in_dim3A_59 : vector<16xf32> to vector<1x16xf32>
      tpu.vector_store %arg7[%swap3A_60, %swap3A_61], %swap3A_64 {strides = array<i32>} : memref<8x128xf32, #tpu.memory_space<vmem>>, vector<1x16xf32>,
      %broadcast_in_dim3A_65 = arith.constant 0.000000e+00 : f32
      %broadcast_in_dim3A_66 = vector.broadcast %broadcast_in_dim3A_65 : f32 to vector<16xf32>
      %swap3A_67 = arith.index_cast %add3A_24 : i32 to index
      %swap3A_68 = arith.constant 96 : index
      %swap3A_69 = tpu.vector_load %arg7[%swap3A_67, %swap3A_68] {strides = array<i32>} : memref<8x128xf32, #tpu.memory_space<vmem>>, vector<1x16xf32>,
      %swap3A_70 = vector.shape_cast %swap3A_69 : vector<1x16xf32> to vector<16xf32>
      %swap3A_71 = vector.shape_cast %broadcast_in_dim3A_66 : vector<16xf32> to vector<1x16xf32>
      tpu.vector_store %arg7[%swap3A_67, %swap3A_68], %swap3A_71 {strides = array<i32>} : memref<8x128xf32, #tpu.memory_space<vmem>>, vector<1x16xf32>,
      %broadcast_in_dim3A_72 = arith.constant 0.000000e+00 : f32
      %broadcast_in_dim3A_73 = vector.broadcast %broadcast_in_dim3A_72 : f32 to vector<16xf32>
      %swap3A_74 = arith.index_cast %add3A_24 : i32 to index
      %swap3A_75 = arith.constant 112 : index
      %swap3A_76 = tpu.vector_load %arg7[%swap3A_74, %swap3A_75] {strides = array<i32>} : memref<8x128xf32, #tpu.memory_space<vmem>>, vector<1x16xf32>,
      %swap3A_77 = vector.shape_cast %swap3A_76 : vector<1x16xf32> to vector<16xf32>
      %swap3A_78 = vector.shape_cast %broadcast_in_dim3A_73 : vector<16xf32> to vector<1x16xf32>
      tpu.vector_store %arg7[%swap3A_74, %swap3A_75], %swap3A_78 {strides = array<i32>} : memref<8x128xf32, #tpu.memory_space<vmem>>, vector<1x16xf32>,
    }
    %scan3A_4 = arith.constant 8 : i32
    %scan3A_5 = arith.constant 0 : i32
    %scan3A_6 = arith.constant 79 : i32
    %scan3A_7 = arith.addi %scan3A_5, %scan3A_6 : i32
    %scan3A_8 = arith.constant 1 : i32
    scf.for %scan3A_20 = %scan3A_5 to %scan3A_7 step %scan3A_8  : i32 {
      %mul3A_21 = arith.constant 1 : i32
      %mul3A_22 = arith.muli %scan3A_20, %mul3A_21 : i32
      %add3A_23 = arith.constant 0 : i32
      %add3A_24 = arith.addi %add3A_23, %mul3A_22 : i32
      %mul3A_25 = arith.constant 632 : i32
      %mul3A_26 = arith.muli %arg1, %mul3A_25 : i32
      %mul3A_27 = arith.constant 8 : i32
      %mul3A_28 = arith.muli %add3A_24, %mul3A_27 : i32
      %add3A_29 = arith.addi %mul3A_26, %mul3A_28 : i32
      "tpu.region"() ({
        %run_scoped3A = tpu.sem_alloc : memref<!tpu.dma_semaphore, #tpu.memory_space<semaphore_mem>>
        %dma_start3A = arith.constant 0 : i32
        %dma_start3A_30 = tpu.memref_slice %arg8[%add3A_29, %dma_start3A] : memref<10112x128xf32, #tpu.memory_space<vmem_shared>> -> memref<8x128xf32, #tpu.memory_space<vmem_shared>>
        %dma_start3A_31 = arith.constant 0 : i32
        %dma_start3A_32 = tpu.memref_slice %arg8[%add3A_29, %dma_start3A_31] : memref<10112x128xf32, #tpu.memory_space<vmem_shared>> -> memref<8x128xf32, #tpu.memory_space<vmem_shared>>
        tpu.enqueue_dma source(%arg7 : memref<8x128xf32, #tpu.memory_space<vmem>>) target(%dma_start3A_32 : memref<8x128xf32, #tpu.memory_space<vmem_shared>>) target_semaphore(%run_scoped3A : memref<!tpu.dma_semaphore, #tpu.memory_space<semaphore_mem>>)
        %dma_wait3A = arith.constant 0 : i32
        %dma_wait3A_33 = tpu.memref_slice %arg8[%add3A_29, %dma_wait3A] : memref<10112x128xf32, #tpu.memory_space<vmem_shared>> -> memref<8x128xf32, #tpu.memory_space<vmem_shared>>
        %dma_wait3A_34 = arith.constant 0 : i32
        %dma_wait3A_35 = tpu.memref_slice %arg8[%add3A_29, %dma_wait3A_34] : memref<10112x128xf32, #tpu.memory_space<vmem_shared>> -> memref<8x128xf32, #tpu.memory_space<vmem_shared>>
        tpu.wait_dma2 semaphore(%run_scoped3A : memref<!tpu.dma_semaphore, #tpu.memory_space<semaphore_mem>>) src(%arg7 : memref<8x128xf32, #tpu.memory_space<vmem>>) dst(%dma_wait3A_35 : memref<8x128xf32, #tpu.memory_space<vmem_shared>>)
        tpu.yield
      }) : () -> ()
    }
    %scan3A_9 = arith.constant 79 : i32
    %barrier3A = arith.constant 0 : index
    tpu.barrier barrier_id(%barrier3A)
    %scan3A_10 = arith.constant 0 : i32
    %scan3A_11 = arith.constant 125 : i32
    %scan3A_12 = arith.addi %scan3A_10, %scan3A_11 : i32
    %scan3A_13 = arith.constant 1 : i32
    scf.for %scan3A_20 = %scan3A_10 to %scan3A_12 step %scan3A_13  : i32 {
      %mul3A_21 = arith.constant 1 : i32
      %mul3A_22 = arith.muli %scan3A_20, %mul3A_21 : i32
      %add3A_23 = arith.constant 0 : i32
      %add3A_24 = arith.addi %add3A_23, %mul3A_22 : i32
      %mul3A_25 = arith.constant 125 : i32
      %mul3A_26 = arith.muli %add3A, %mul3A_25 : i32
      %add3A_27 = arith.addi %mul3A_26, %add3A_24 : i32
      %mul3A_28 = arith.constant 80 : i32
      %mul3A_29 = arith.muli %add3A_27, %mul3A_28 : i32
      "tpu.region"() ({
        %run_scoped3A = tpu.sem_alloc : memref<!tpu.dma_semaphore, #tpu.memory_space<semaphore_mem>>
        %dma_start3A = tpu.memref_slice %arg3[%mul3A_29] : memref<320000xi32, #tpu.memory_space<hbm>> -> memref<80xi32, #tpu.memory_space<hbm>>
        %dma_start3A_30 = tpu.memref_slice %arg3[%mul3A_29] : memref<320000xi32, #tpu.memory_space<hbm>> -> memref<80xi32, #tpu.memory_space<hbm>>
        tpu.enqueue_dma source(%dma_start3A_30 : memref<80xi32, #tpu.memory_space<hbm>>) target(%arg5 : memref<80xi32, #tpu.memory_space<vmem>>) target_semaphore(%run_scoped3A : memref<!tpu.dma_semaphore, #tpu.memory_space<semaphore_mem>>)
        %dma_wait3A = tpu.memref_slice %arg3[%mul3A_29] : memref<320000xi32, #tpu.memory_space<hbm>> -> memref<80xi32, #tpu.memory_space<hbm>>
        %dma_wait3A_31 = tpu.memref_slice %arg3[%mul3A_29] : memref<320000xi32, #tpu.memory_space<hbm>> -> memref<80xi32, #tpu.memory_space<hbm>>
        tpu.wait_dma2 semaphore(%run_scoped3A : memref<!tpu.dma_semaphore, #tpu.memory_space<semaphore_mem>>) src(%dma_wait3A_31 : memref<80xi32, #tpu.memory_space<hbm>>) dst(%arg5 : memref<80xi32, #tpu.memory_space<vmem>>)
        tpu.yield
      }) : () -> ()
      "tpu.region"() ({
        %run_scoped3A = tpu.sem_alloc : memref<!tpu.dma_semaphore, #tpu.memory_space<semaphore_mem>>
        %dma_start3A = arith.constant 0 : i32
        %dma_start3A_30 = tpu.memref_slice %arg2[%mul3A_29, %dma_start3A] : memref<320000x128xf32, #tpu.memory_space<hbm>> -> memref<80x128xf32, #tpu.memory_space<hbm>>
        %dma_start3A_31 = arith.constant 0 : i32
        %dma_start3A_32 = tpu.memref_slice %arg2[%mul3A_29, %dma_start3A_31] : memref<320000x128xf32, #tpu.memory_space<hbm>> -> memref<80x128xf32, #tpu.memory_space<hbm>>
        tpu.enqueue_dma source(%dma_start3A_32 : memref<80x128xf32, #tpu.memory_space<hbm>>) target(%arg6 : memref<80x128xf32, #tpu.memory_space<vmem>>) target_semaphore(%run_scoped3A : memref<!tpu.dma_semaphore, #tpu.memory_space<semaphore_mem>>)
        %dma_wait3A = arith.constant 0 : i32
        %dma_wait3A_33 = tpu.memref_slice %arg2[%mul3A_29, %dma_wait3A] : memref<320000x128xf32, #tpu.memory_space<hbm>> -> memref<80x128xf32, #tpu.memory_space<hbm>>
        %dma_wait3A_34 = arith.constant 0 : i32
        %dma_wait3A_35 = tpu.memref_slice %arg2[%mul3A_29, %dma_wait3A_34] : memref<320000x128xf32, #tpu.memory_space<hbm>> -> memref<80x128xf32, #tpu.memory_space<hbm>>
        tpu.wait_dma2 semaphore(%run_scoped3A : memref<!tpu.dma_semaphore, #tpu.memory_space<semaphore_mem>>) src(%dma_wait3A_35 : memref<80x128xf32, #tpu.memory_space<hbm>>) dst(%arg6 : memref<80x128xf32, #tpu.memory_space<vmem>>)
        tpu.yield
      }) : () -> ()
      "tpu.region"() ({
        %run_scoped3A = tpu.sem_alloc : memref<!tpu.dma_semaphore, #tpu.memory_space<semaphore_mem>>
        %dma_start3A = arith.constant 0 : i32
        %dma_start3A_30 = arith.constant 0 : i32
        %dma_start3A_31 = tpu.memref_slice %arg8[%dma_start3A, %dma_start3A_30] : memref<10112x128xf32, #tpu.memory_space<vmem_shared>> -> memref<10112x128xf32, #tpu.memory_space<vmem_shared>>
        tpu.enqueue_indirect_dma source(%arg6 : memref<80x128xf32, #tpu.memory_space<vmem>>) target(%dma_start3A_31 : memref<10112x128xf32, #tpu.memory_space<vmem_shared>>) offsets(%arg5 : memref<80xi32, #tpu.memory_space<vmem>>) semaphore(%run_scoped3A : memref<!tpu.dma_semaphore, #tpu.memory_space<semaphore_mem>>) {add = true}
        %dma_wait3A = arith.constant 0 : i32
        %dma_wait3A_32 = arith.constant 0 : i32
        %dma_wait3A_33 = tpu.memref_slice %arg8[%dma_wait3A, %dma_wait3A_32] : memref<10112x128xf32, #tpu.memory_space<vmem_shared>> -> memref<10112x128xf32, #tpu.memory_space<vmem_shared>>
        tpu.wait_indirect_dma semaphore(%run_scoped3A : memref<!tpu.dma_semaphore, #tpu.memory_space<semaphore_mem>>) src(%arg6 : memref<80x128xf32, #tpu.memory_space<vmem>>) dst(%dma_wait3A_33 : memref<10112x128xf32, #tpu.memory_space<vmem_shared>>)
        tpu.yield
      }) : () -> ()
    }
    %scan3A_14 = arith.constant 125 : i32
    %barrier3A_15 = arith.constant 0 : index
    tpu.barrier barrier_id(%barrier3A_15)
    %mul3A_16 = arith.constant 632 : i32
    %mul3A_17 = arith.muli %arg1, %mul3A_16 : i32
    %mul3A_18 = arith.constant 632 : i32
    %mul3A_19 = arith.muli %arg1, %mul3A_18 : i32
    "tpu.region"() ({
      %run_scoped3A = tpu.sem_alloc : memref<!tpu.dma_semaphore, #tpu.memory_space<semaphore_mem>>
      %dma_start3A = arith.constant 0 : i32
      %dma_start3A_20 = tpu.memref_slice %arg4[%arg0, %mul3A_19, %dma_start3A] : memref<2x10112x128xf32, #tpu.memory_space<hbm>> -> memref<1x632x128xf32, #tpu.memory_space<hbm>>
      %dma_start3A_21 = tpu.memref_squeeze %dma_start3A_20 : memref<1x632x128xf32, #tpu.memory_space<hbm>> -> memref<632x128xf32, #tpu.memory_space<hbm>>
      %dma_start3A_22 = arith.constant 0 : i32
      %dma_start3A_23 = tpu.memref_slice %arg8[%mul3A_17, %dma_start3A_22] : memref<10112x128xf32, #tpu.memory_space<vmem_shared>> -> memref<632x128xf32, #tpu.memory_space<vmem_shared>>
      tpu.enqueue_dma source(%dma_start3A_23 : memref<632x128xf32, #tpu.memory_space<vmem_shared>>) target(%dma_start3A_21 : memref<632x128xf32, #tpu.memory_space<hbm>>) target_semaphore(%run_scoped3A : memref<!tpu.dma_semaphore, #tpu.memory_space<semaphore_mem>>)
      %dma_wait3A = arith.constant 0 : i32
      %dma_wait3A_24 = tpu.memref_slice %arg4[%arg0, %mul3A_19, %dma_wait3A] : memref<2x10112x128xf32, #tpu.memory_space<hbm>> -> memref<1x632x128xf32, #tpu.memory_space<hbm>>
      %dma_wait3A_25 = tpu.memref_squeeze %dma_wait3A_24 : memref<1x632x128xf32, #tpu.memory_space<hbm>> -> memref<632x128xf32, #tpu.memory_space<hbm>>
      %dma_wait3A_26 = arith.constant 0 : i32
      %dma_wait3A_27 = tpu.memref_slice %arg8[%mul3A_17, %dma_wait3A_26] : memref<10112x128xf32, #tpu.memory_space<vmem_shared>> -> memref<632x128xf32, #tpu.memory_space<vmem_shared>>
      tpu.wait_dma2 semaphore(%run_scoped3A : memref<!tpu.dma_semaphore, #tpu.memory_space<semaphore_mem>>) src(%dma_wait3A_27 : memref<632x128xf32, #tpu.memory_space<vmem_shared>>) dst(%dma_wait3A_25 : memref<632x128xf32, #tpu.memory_space<hbm>>)
      tpu.yield
    }) : () -> ()
    return
  }
}

#map = affine_map<(d0, d1) -> (0, 0)>
#map1 = affine_map<(d0, d1) -> (0)>
module attributes {stable_mosaic.version = 14 : i64} {
  func.func @k(%arg0: i32, %arg1: i32, %arg2: memref<10000x128xf32, #tpu.memory_space<hbm>>, %arg3: memref<320000xi32, #tpu.memory_space<hbm>>, %arg4: memref<320000x128xf32, #tpu.memory_space<hbm>>, %arg5: memref<80xi32, #tpu.memory_space<vmem>>, %arg6: memref<80x128xf32, #tpu.memory_space<vmem>>, %arg7: memref<!tpu.dma_semaphore, #tpu.memory_space<semaphore_mem>>) attributes {dimension_semantics = [#tpu.dimension_semantics<core_parallel>, #tpu.dimension_semantics<subcore_parallel>], iteration_bounds = array<i64: 2, 16>, scalar_prefetch = 0 : i64, scratch_operands = 3 : i64, tpu.core_type = #tpu.core_type<sc_vector_subcore>, window_params = [{transform_indices = #map}, {transform_indices = #map1}, {transform_indices = #map}]} {
    %mul3A = arith.constant 2 : i32
    %mul3A_0 = arith.muli %arg1, %mul3A : i32
    %add3A = arith.addi %mul3A_0, %arg0 : i32
    %scan3A = arith.constant 0 : i32
    %scan3A_1 = arith.constant 125 : i32
    %scan3A_2 = arith.addi %scan3A, %scan3A_1 : i32
    %scan3A_3 = arith.constant 1 : i32
    scf.for %scan3A_5 = %scan3A to %scan3A_2 step %scan3A_3  : i32 {
      %mul3A_6 = arith.constant 1 : i32
      %mul3A_7 = arith.muli %scan3A_5, %mul3A_6 : i32
      %add3A_8 = arith.constant 0 : i32
      %add3A_9 = arith.addi %add3A_8, %mul3A_7 : i32
      %mul3A_10 = arith.constant 125 : i32
      %mul3A_11 = arith.muli %add3A, %mul3A_10 : i32
      %add3A_12 = arith.addi %mul3A_11, %add3A_9 : i32
      %mul3A_13 = arith.constant 80 : i32
      %mul3A_14 = arith.muli %add3A_12, %mul3A_13 : i32
      "tpu.region"() ({
        %run_scoped3A = tpu.sem_alloc : memref<!tpu.dma_semaphore, #tpu.memory_space<semaphore_mem>>
        %dma_start3A_19 = tpu.memref_slice %arg3[%mul3A_14] : memref<320000xi32, #tpu.memory_space<hbm>> -> memref<80xi32, #tpu.memory_space<hbm>>
        %dma_start3A_20 = tpu.memref_slice %arg3[%mul3A_14] : memref<320000xi32, #tpu.memory_space<hbm>> -> memref<80xi32, #tpu.memory_space<hbm>>
        tpu.enqueue_dma source(%dma_start3A_20 : memref<80xi32, #tpu.memory_space<hbm>>) target(%arg5 : memref<80xi32, #tpu.memory_space<vmem>>) target_semaphore(%run_scoped3A : memref<!tpu.dma_semaphore, #tpu.memory_space<semaphore_mem>>)
        %dma_wait3A_21 = tpu.memref_slice %arg3[%mul3A_14] : memref<320000xi32, #tpu.memory_space<hbm>> -> memref<80xi32, #tpu.memory_space<hbm>>
        %dma_wait3A_22 = tpu.memref_slice %arg3[%mul3A_14] : memref<320000xi32, #tpu.memory_space<hbm>> -> memref<80xi32, #tpu.memory_space<hbm>>
        tpu.wait_dma2 semaphore(%run_scoped3A : memref<!tpu.dma_semaphore, #tpu.memory_space<semaphore_mem>>) src(%dma_wait3A_22 : memref<80xi32, #tpu.memory_space<hbm>>) dst(%arg5 : memref<80xi32, #tpu.memory_space<vmem>>)
        tpu.yield
      }) : () -> ()
      %dma_start3A = arith.constant 0 : i32
      %dma_start3A_15 = arith.constant 0 : i32
      %dma_start3A_16 = tpu.memref_slice %arg2[%dma_start3A, %dma_start3A_15] : memref<10000x128xf32, #tpu.memory_space<hbm>> -> memref<10000x128xf32, #tpu.memory_space<hbm>>
      tpu.enqueue_indirect_dma source(%dma_start3A_16 : memref<10000x128xf32, #tpu.memory_space<hbm>>) target(%arg6 : memref<80x128xf32, #tpu.memory_space<vmem>>) offsets(%arg5 : memref<80xi32, #tpu.memory_space<vmem>>) semaphore(%arg7 : memref<!tpu.dma_semaphore, #tpu.memory_space<semaphore_mem>>)
      %dma_wait3A = arith.constant 0 : i32
      %dma_wait3A_17 = arith.constant 0 : i32
      %dma_wait3A_18 = tpu.memref_slice %arg2[%dma_wait3A, %dma_wait3A_17] : memref<10000x128xf32, #tpu.memory_space<hbm>> -> memref<10000x128xf32, #tpu.memory_space<hbm>>
      tpu.wait_indirect_dma semaphore(%arg7 : memref<!tpu.dma_semaphore, #tpu.memory_space<semaphore_mem>>) src(%dma_wait3A_18 : memref<10000x128xf32, #tpu.memory_space<hbm>>) dst(%arg6 : memref<80x128xf32, #tpu.memory_space<vmem>>)
      "tpu.region"() ({
        %run_scoped3A = tpu.sem_alloc : memref<!tpu.dma_semaphore, #tpu.memory_space<semaphore_mem>>
        %dma_start3A_19 = arith.constant 0 : i32
        %dma_start3A_20 = tpu.memref_slice %arg4[%mul3A_14, %dma_start3A_19] : memref<320000x128xf32, #tpu.memory_space<hbm>> -> memref<80x128xf32, #tpu.memory_space<hbm>>
        %dma_start3A_21 = arith.constant 0 : i32
        %dma_start3A_22 = tpu.memref_slice %arg4[%mul3A_14, %dma_start3A_21] : memref<320000x128xf32, #tpu.memory_space<hbm>> -> memref<80x128xf32, #tpu.memory_space<hbm>>
        tpu.enqueue_dma source(%arg6 : memref<80x128xf32, #tpu.memory_space<vmem>>) target(%dma_start3A_22 : memref<80x128xf32, #tpu.memory_space<hbm>>) target_semaphore(%run_scoped3A : memref<!tpu.dma_semaphore, #tpu.memory_space<semaphore_mem>>)
        %dma_wait3A_23 = arith.constant 0 : i32
        %dma_wait3A_24 = tpu.memref_slice %arg4[%mul3A_14, %dma_wait3A_23] : memref<320000x128xf32, #tpu.memory_space<hbm>> -> memref<80x128xf32, #tpu.memory_space<hbm>>
        %dma_wait3A_25 = arith.constant 0 : i32
        %dma_wait3A_26 = tpu.memref_slice %arg4[%mul3A_14, %dma_wait3A_25] : memref<320000x128xf32, #tpu.memory_space<hbm>> -> memref<80x128xf32, #tpu.memory_space<hbm>>
        tpu.wait_dma2 semaphore(%run_scoped3A : memref<!tpu.dma_semaphore, #tpu.memory_space<semaphore_mem>>) src(%arg6 : memref<80x128xf32, #tpu.memory_space<vmem>>) dst(%dma_wait3A_26 : memref<80x128xf32, #tpu.memory_space<hbm>>)
        tpu.yield
      }) : () -> ()
    }
    %scan3A_4 = arith.constant 125 : i32
    return
  }
}

#map = affine_map<(d0, d1) -> (0, 0)>
#map1 = affine_map<(d0, d1) -> (0)>
#map2 = affine_map<(d0, d1) -> (0, 0, 0)>
module attributes {stable_mosaic.version = 14 : i64} {
  func.func @k(%arg0: i32, %arg1: i32, %arg2: memref<320000x128xf32, #tpu.memory_space<hbm>>, %arg3: memref<320000xi32, #tpu.memory_space<hbm>>, %arg4: memref<2x10112x128xf32, #tpu.memory_space<hbm>>, %arg5: memref<80xi32, #tpu.memory_space<vmem>>, %arg6: memref<80x128xf32, #tpu.memory_space<vmem>>, %arg7: memref<8x128xf32, #tpu.memory_space<vmem>>, %arg8: memref<10112x128xf32, #tpu.memory_space<vmem_shared>>, %arg9: memref<!tpu.dma_semaphore, #tpu.memory_space<semaphore_mem>>) attributes {dimension_semantics = [#tpu.dimension_semantics<core_parallel>, #tpu.dimension_semantics<subcore_parallel>], iteration_bounds = array<i64: 2, 16>, scalar_prefetch = 0 : i64, scratch_operands = 5 : i64, tpu.core_type = #tpu.core_type<sc_vector_subcore>, window_params = [{transform_indices = #map}, {transform_indices = #map1}, {transform_indices = #map2}]} {
    %mul3A = arith.constant 16 : i32
    %mul3A_0 = arith.muli %arg0, %mul3A : i32
    %add3A = arith.addi %mul3A_0, %arg1 : i32
    %scan3A = arith.constant 0 : i32
    %scan3A_1 = arith.constant 8 : i32
    %scan3A_2 = arith.addi %scan3A, %scan3A_1 : i32
    %scan3A_3 = arith.constant 1 : i32
    scf.for %scan3A_20 = %scan3A to %scan3A_2 step %scan3A_3  : i32 {
      %mul3A_21 = arith.constant 1 : i32
      %mul3A_22 = arith.muli %scan3A_20, %mul3A_21 : i32
      %add3A_23 = arith.constant 0 : i32
      %add3A_24 = arith.addi %add3A_23, %mul3A_22 : i32
      %broadcast_in_dim3A = arith.constant 0.000000e+00 : f32
      %broadcast_in_dim3A_25 = vector.broadcast %broadcast_in_dim3A : f32 to vector<16xf32>
      %swap3A = arith.index_cast %add3A_24 : i32 to index
      %swap3A_26 = arith.constant 0 : index
      %swap3A_27 = tpu.vector_load %arg7[%swap3A, %swap3A_26] {strides = array<i32>} : memref<8x128xf32, #tpu.memory_space<vmem>>, vector<1x16xf32>,
      %swap3A_28 = vector.shape_cast %swap3A_27 : vector<1x16xf32> to vector<16xf32>
      %swap3A_29 = vector.shape_cast %broadcast_in_dim3A_25 : vector<16xf32> to vector<1x16xf32>
      tpu.vector_store %arg7[%swap3A, %swap3A_26], %swap3A_29 {strides = array<i32>} : memref<8x128xf32, #tpu.memory_space<vmem>>, vector<1x16xf32>,
      %broadcast_in_dim3A_30 = arith.constant 0.000000e+00 : f32
      %broadcast_in_dim3A_31 = vector.broadcast %broadcast_in_dim3A_30 : f32 to vector<16xf32>
      %swap3A_32 = arith.index_cast %add3A_24 : i32 to index
      %swap3A_33 = arith.constant 16 : index
      %swap3A_34 = tpu.vector_load %arg7[%swap3A_32, %swap3A_33] {strides = array<i32>} : memref<8x128xf32, #tpu.memory_space<vmem>>, vector<1x16xf32>,
      %swap3A_35 = vector.shape_cast %swap3A_34 : vector<1x16xf32> to vector<16xf32>
      %swap3A_36 = vector.shape_cast %broadcast_in_dim3A_31 : vector<16xf32> to vector<1x16xf32>
      tpu.vector_store %arg7[%swap3A_32, %swap3A_33], %swap3A_36 {strides = array<i32>} : memref<8x128xf32, #tpu.memory_space<vmem>>, vector<1x16xf32>,
      %broadcast_in_dim3A_37 = arith.constant 0.000000e+00 : f32
      %broadcast_in_dim3A_38 = vector.broadcast %broadcast_in_dim3A_37 : f32 to vector<16xf32>
      %swap3A_39 = arith.index_cast %add3A_24 : i32 to index
      %swap3A_40 = arith.constant 32 : index
      %swap3A_41 = tpu.vector_load %arg7[%swap3A_39, %swap3A_40] {strides = array<i32>} : memref<8x128xf32, #tpu.memory_space<vmem>>, vector<1x16xf32>,
      %swap3A_42 = vector.shape_cast %swap3A_41 : vector<1x16xf32> to vector<16xf32>
      %swap3A_43 = vector.shape_cast %broadcast_in_dim3A_38 : vector<16xf32> to vector<1x16xf32>
      tpu.vector_store %arg7[%swap3A_39, %swap3A_40], %swap3A_43 {strides = array<i32>} : memref<8x128xf32, #tpu.memory_space<vmem>>, vector<1x16xf32>,
      %broadcast_in_dim3A_44 = arith.constant 0.000000e+00 : f32
      %broadcast_in_dim3A_45 = vector.broadcast %broadcast_in_dim3A_44 : f32 to vector<16xf32>
      %swap3A_46 = arith.index_cast %add3A_24 : i32 to index
      %swap3A_47 = arith.constant 48 : index
      %swap3A_48 = tpu.vector_load %arg7[%swap3A_46, %swap3A_47] {strides = array<i32>} : memref<8x128xf32, #tpu.memory_space<vmem>>, vector<1x16xf32>,
      %swap3A_49 = vector.shape_cast %swap3A_48 : vector<1x16xf32> to vector<16xf32>
      %swap3A_50 = vector.shape_cast %broadcast_in_dim3A_45 : vector<16xf32> to vector<1x16xf32>
      tpu.vector_store %arg7[%swap3A_46, %swap3A_47], %swap3A_50 {strides = array<i32>} : memref<8x128xf32, #tpu.memory_space<vmem>>, vector<1x16xf32>,
      %broadcast_in_dim3A_51 = arith.constant 0.000000e+00 : f32
      %broadcast_in_dim3A_52 = vector.broadcast %broadcast_in_dim3A_51 : f32 to vector<16xf32>
      %swap3A_53 = arith.index_cast %add3A_24 : i32 to index
      %swap3A_54 = arith.constant 64 : index
      %swap3A_55 = tpu.vector_load %arg7[%swap3A_53, %swap3A_54] {strides = array<i32>} : memref<8x128xf32, #tpu.memory_space<vmem>>, vector<1x16xf32>,
      %swap3A_56 = vector.shape_cast %swap3A_55 : vector<1x16xf32> to vector<16xf32>
      %swap3A_57 = vector.shape_cast %broadcast_in_dim3A_52 : vector<16xf32> to vector<1x16xf32>
      tpu.vector_store %arg7[%swap3A_53, %swap3A_54], %swap3A_57 {strides = array<i32>} : memref<8x128xf32, #tpu.memory_space<vmem>>, vector<1x16xf32>,
      %broadcast_in_dim3A_58 = arith.constant 0.000000e+00 : f32
      %broadcast_in_dim3A_59 = vector.broadcast %broadcast_in_dim3A_58 : f32 to vector<16xf32>
      %swap3A_60 = arith.index_cast %add3A_24 : i32 to index
      %swap3A_61 = arith.constant 80 : index
      %swap3A_62 = tpu.vector_load %arg7[%swap3A_60, %swap3A_61] {strides = array<i32>} : memref<8x128xf32, #tpu.memory_space<vmem>>, vector<1x16xf32>,
      %swap3A_63 = vector.shape_cast %swap3A_62 : vector<1x16xf32> to vector<16xf32>
      %swap3A_64 = vector.shape_cast %broadcast_in_dim3A_59 : vector<16xf32> to vector<1x16xf32>
      tpu.vector_store %arg7[%swap3A_60, %swap3A_61], %swap3A_64 {strides = array<i32>} : memref<8x128xf32, #tpu.memory_space<vmem>>, vector<1x16xf32>,
      %broadcast_in_dim3A_65 = arith.constant 0.000000e+00 : f32
      %broadcast_in_dim3A_66 = vector.broadcast %broadcast_in_dim3A_65 : f32 to vector<16xf32>
      %swap3A_67 = arith.index_cast %add3A_24 : i32 to index
      %swap3A_68 = arith.constant 96 : index
      %swap3A_69 = tpu.vector_load %arg7[%swap3A_67, %swap3A_68] {strides = array<i32>} : memref<8x128xf32, #tpu.memory_space<vmem>>, vector<1x16xf32>,
      %swap3A_70 = vector.shape_cast %swap3A_69 : vector<1x16xf32> to vector<16xf32>
      %swap3A_71 = vector.shape_cast %broadcast_in_dim3A_66 : vector<16xf32> to vector<1x16xf32>
      tpu.vector_store %arg7[%swap3A_67, %swap3A_68], %swap3A_71 {strides = array<i32>} : memref<8x128xf32, #tpu.memory_space<vmem>>, vector<1x16xf32>,
      %broadcast_in_dim3A_72 = arith.constant 0.000000e+00 : f32
      %broadcast_in_dim3A_73 = vector.broadcast %broadcast_in_dim3A_72 : f32 to vector<16xf32>
      %swap3A_74 = arith.index_cast %add3A_24 : i32 to index
      %swap3A_75 = arith.constant 112 : index
      %swap3A_76 = tpu.vector_load %arg7[%swap3A_74, %swap3A_75] {strides = array<i32>} : memref<8x128xf32, #tpu.memory_space<vmem>>, vector<1x16xf32>,
      %swap3A_77 = vector.shape_cast %swap3A_76 : vector<1x16xf32> to vector<16xf32>
      %swap3A_78 = vector.shape_cast %broadcast_in_dim3A_73 : vector<16xf32> to vector<1x16xf32>
      tpu.vector_store %arg7[%swap3A_74, %swap3A_75], %swap3A_78 {strides = array<i32>} : memref<8x128xf32, #tpu.memory_space<vmem>>, vector<1x16xf32>,
    }
    %scan3A_4 = arith.constant 8 : i32
    %scan3A_5 = arith.constant 0 : i32
    %scan3A_6 = arith.constant 79 : i32
    %scan3A_7 = arith.addi %scan3A_5, %scan3A_6 : i32
    %scan3A_8 = arith.constant 1 : i32
    scf.for %scan3A_20 = %scan3A_5 to %scan3A_7 step %scan3A_8  : i32 {
      %mul3A_21 = arith.constant 1 : i32
      %mul3A_22 = arith.muli %scan3A_20, %mul3A_21 : i32
      %add3A_23 = arith.constant 0 : i32
      %add3A_24 = arith.addi %add3A_23, %mul3A_22 : i32
      %mul3A_25 = arith.constant 632 : i32
      %mul3A_26 = arith.muli %arg1, %mul3A_25 : i32
      %mul3A_27 = arith.constant 8 : i32
      %mul3A_28 = arith.muli %add3A_24, %mul3A_27 : i32
      %add3A_29 = arith.addi %mul3A_26, %mul3A_28 : i32
      "tpu.region"() ({
        %run_scoped3A = tpu.sem_alloc : memref<!tpu.dma_semaphore, #tpu.memory_space<semaphore_mem>>
        %dma_start3A = arith.constant 0 : i32
        %dma_start3A_30 = tpu.memref_slice %arg8[%add3A_29, %dma_start3A] : memref<10112x128xf32, #tpu.memory_space<vmem_shared>> -> memref<8x128xf32, #tpu.memory_space<vmem_shared>>
        %dma_start3A_31 = arith.constant 0 : i32
        %dma_start3A_32 = tpu.memref_slice %arg8[%add3A_29, %dma_start3A_31] : memref<10112x128xf32, #tpu.memory_space<vmem_shared>> -> memref<8x128xf32, #tpu.memory_space<vmem_shared>>
        tpu.enqueue_dma source(%arg7 : memref<8x128xf32, #tpu.memory_space<vmem>>) target(%dma_start3A_32 : memref<8x128xf32, #tpu.memory_space<vmem_shared>>) target_semaphore(%run_scoped3A : memref<!tpu.dma_semaphore, #tpu.memory_space<semaphore_mem>>)
        %dma_wait3A = arith.constant 0 : i32
        %dma_wait3A_33 = tpu.memref_slice %arg8[%add3A_29, %dma_wait3A] : memref<10112x128xf32, #tpu.memory_space<vmem_shared>> -> memref<8x128xf32, #tpu.memory_space<vmem_shared>>
        %dma_wait3A_34 = arith.constant 0 : i32
        %dma_wait3A_35 = tpu.memref_slice %arg8[%add3A_29, %dma_wait3A_34] : memref<10112x128xf32, #tpu.memory_space<vmem_shared>> -> memref<8x128xf32, #tpu.memory_space<vmem_shared>>
        tpu.wait_dma2 semaphore(%run_scoped3A : memref<!tpu.dma_semaphore, #tpu.memory_space<semaphore_mem>>) src(%arg7 : memref<8x128xf32, #tpu.memory_space<vmem>>) dst(%dma_wait3A_35 : memref<8x128xf32, #tpu.memory_space<vmem_shared>>)
        tpu.yield
      }) : () -> ()
    }
    %scan3A_9 = arith.constant 79 : i32
    %barrier3A = arith.constant 0 : index
    tpu.barrier barrier_id(%barrier3A)
    %scan3A_10 = arith.constant 0 : i32
    %scan3A_11 = arith.constant 125 : i32
    %scan3A_12 = arith.addi %scan3A_10, %scan3A_11 : i32
    %scan3A_13 = arith.constant 1 : i32
    scf.for %scan3A_20 = %scan3A_10 to %scan3A_12 step %scan3A_13  : i32 {
      %mul3A_21 = arith.constant 1 : i32
      %mul3A_22 = arith.muli %scan3A_20, %mul3A_21 : i32
      %add3A_23 = arith.constant 0 : i32
      %add3A_24 = arith.addi %add3A_23, %mul3A_22 : i32
      %mul3A_25 = arith.constant 125 : i32
      %mul3A_26 = arith.muli %add3A, %mul3A_25 : i32
      %add3A_27 = arith.addi %mul3A_26, %add3A_24 : i32
      %mul3A_28 = arith.constant 80 : i32
      %mul3A_29 = arith.muli %add3A_27, %mul3A_28 : i32
      "tpu.region"() ({
        %run_scoped3A = tpu.sem_alloc : memref<!tpu.dma_semaphore, #tpu.memory_space<semaphore_mem>>
        %dma_start3A = tpu.memref_slice %arg3[%mul3A_29] : memref<320000xi32, #tpu.memory_space<hbm>> -> memref<80xi32, #tpu.memory_space<hbm>>
        %dma_start3A_30 = tpu.memref_slice %arg3[%mul3A_29] : memref<320000xi32, #tpu.memory_space<hbm>> -> memref<80xi32, #tpu.memory_space<hbm>>
        tpu.enqueue_dma source(%dma_start3A_30 : memref<80xi32, #tpu.memory_space<hbm>>) target(%arg5 : memref<80xi32, #tpu.memory_space<vmem>>) target_semaphore(%run_scoped3A : memref<!tpu.dma_semaphore, #tpu.memory_space<semaphore_mem>>)
        %dma_wait3A = tpu.memref_slice %arg3[%mul3A_29] : memref<320000xi32, #tpu.memory_space<hbm>> -> memref<80xi32, #tpu.memory_space<hbm>>
        %dma_wait3A_31 = tpu.memref_slice %arg3[%mul3A_29] : memref<320000xi32, #tpu.memory_space<hbm>> -> memref<80xi32, #tpu.memory_space<hbm>>
        tpu.wait_dma2 semaphore(%run_scoped3A : memref<!tpu.dma_semaphore, #tpu.memory_space<semaphore_mem>>) src(%dma_wait3A_31 : memref<80xi32, #tpu.memory_space<hbm>>) dst(%arg5 : memref<80xi32, #tpu.memory_space<vmem>>)
        tpu.yield
      }) : () -> ()
      "tpu.region"() ({
        %run_scoped3A = tpu.sem_alloc : memref<!tpu.dma_semaphore, #tpu.memory_space<semaphore_mem>>
        %dma_start3A = arith.constant 0 : i32
        %dma_start3A_30 = tpu.memref_slice %arg2[%mul3A_29, %dma_start3A] : memref<320000x128xf32, #tpu.memory_space<hbm>> -> memref<80x128xf32, #tpu.memory_space<hbm>>
        %dma_start3A_31 = arith.constant 0 : i32
        %dma_start3A_32 = tpu.memref_slice %arg2[%mul3A_29, %dma_start3A_31] : memref<320000x128xf32, #tpu.memory_space<hbm>> -> memref<80x128xf32, #tpu.memory_space<hbm>>
        tpu.enqueue_dma source(%dma_start3A_32 : memref<80x128xf32, #tpu.memory_space<hbm>>) target(%arg6 : memref<80x128xf32, #tpu.memory_space<vmem>>) target_semaphore(%run_scoped3A : memref<!tpu.dma_semaphore, #tpu.memory_space<semaphore_mem>>)
        %dma_wait3A = arith.constant 0 : i32
        %dma_wait3A_33 = tpu.memref_slice %arg2[%mul3A_29, %dma_wait3A] : memref<320000x128xf32, #tpu.memory_space<hbm>> -> memref<80x128xf32, #tpu.memory_space<hbm>>
        %dma_wait3A_34 = arith.constant 0 : i32
        %dma_wait3A_35 = tpu.memref_slice %arg2[%mul3A_29, %dma_wait3A_34] : memref<320000x128xf32, #tpu.memory_space<hbm>> -> memref<80x128xf32, #tpu.memory_space<hbm>>
        tpu.wait_dma2 semaphore(%run_scoped3A : memref<!tpu.dma_semaphore, #tpu.memory_space<semaphore_mem>>) src(%dma_wait3A_35 : memref<80x128xf32, #tpu.memory_space<hbm>>) dst(%arg6 : memref<80x128xf32, #tpu.memory_space<vmem>>)
        tpu.yield
      }) : () -> ()
      "tpu.region"() ({
        %run_scoped3A = tpu.sem_alloc : memref<!tpu.dma_semaphore, #tpu.memory_space<semaphore_mem>>
        %dma_start3A = arith.constant 0 : i32
        %dma_start3A_30 = arith.constant 0 : i32
        %dma_start3A_31 = tpu.memref_slice %arg8[%dma_start3A, %dma_start3A_30] : memref<10112x128xf32, #tpu.memory_space<vmem_shared>> -> memref<10112x128xf32, #tpu.memory_space<vmem_shared>>
        tpu.enqueue_indirect_dma source(%arg6 : memref<80x128xf32, #tpu.memory_space<vmem>>) target(%dma_start3A_31 : memref<10112x128xf32, #tpu.memory_space<vmem_shared>>) offsets(%arg5 : memref<80xi32, #tpu.memory_space<vmem>>) semaphore(%run_scoped3A : memref<!tpu.dma_semaphore, #tpu.memory_space<semaphore_mem>>) {add = true}
        %dma_wait3A = arith.constant 0 : i32
        %dma_wait3A_32 = arith.constant 0 : i32
        %dma_wait3A_33 = tpu.memref_slice %arg8[%dma_wait3A, %dma_wait3A_32] : memref<10112x128xf32, #tpu.memory_space<vmem_shared>> -> memref<10112x128xf32, #tpu.memory_space<vmem_shared>>
        tpu.wait_indirect_dma semaphore(%run_scoped3A : memref<!tpu.dma_semaphore, #tpu.memory_space<semaphore_mem>>) src(%arg6 : memref<80x128xf32, #tpu.memory_space<vmem>>) dst(%dma_wait3A_33 : memref<10112x128xf32, #tpu.memory_space<vmem_shared>>)
        tpu.yield
      }) : () -> ()
    }
    %scan3A_14 = arith.constant 125 : i32
    %barrier3A_15 = arith.constant 0 : index
    tpu.barrier barrier_id(%barrier3A_15)
    %mul3A_16 = arith.constant 632 : i32
    %mul3A_17 = arith.muli %arg1, %mul3A_16 : i32
    %mul3A_18 = arith.constant 632 : i32
    %mul3A_19 = arith.muli %arg1, %mul3A_18 : i32
    "tpu.region"() ({
      %run_scoped3A = tpu.sem_alloc : memref<!tpu.dma_semaphore, #tpu.memory_space<semaphore_mem>>
      %dma_start3A = arith.constant 0 : i32
      %dma_start3A_20 = tpu.memref_slice %arg4[%arg0, %mul3A_19, %dma_start3A] : memref<2x10112x128xf32, #tpu.memory_space<hbm>> -> memref<1x632x128xf32, #tpu.memory_space<hbm>>
      %dma_start3A_21 = tpu.memref_squeeze %dma_start3A_20 : memref<1x632x128xf32, #tpu.memory_space<hbm>> -> memref<632x128xf32, #tpu.memory_space<hbm>>
      %dma_start3A_22 = arith.constant 0 : i32
      %dma_start3A_23 = tpu.memref_slice %arg8[%mul3A_17, %dma_start3A_22] : memref<10112x128xf32, #tpu.memory_space<vmem_shared>> -> memref<632x128xf32, #tpu.memory_space<vmem_shared>>
      tpu.enqueue_dma source(%dma_start3A_23 : memref<632x128xf32, #tpu.memory_space<vmem_shared>>) target(%dma_start3A_21 : memref<632x128xf32, #tpu.memory_space<hbm>>) target_semaphore(%run_scoped3A : memref<!tpu.dma_semaphore, #tpu.memory_space<semaphore_mem>>)
      %dma_wait3A = arith.constant 0 : i32
      %dma_wait3A_24 = tpu.memref_slice %arg4[%arg0, %mul3A_19, %dma_wait3A] : memref<2x10112x128xf32, #tpu.memory_space<hbm>> -> memref<1x632x128xf32, #tpu.memory_space<hbm>>
      %dma_wait3A_25 = tpu.memref_squeeze %dma_wait3A_24 : memref<1x632x128xf32, #tpu.memory_space<hbm>> -> memref<632x128xf32, #tpu.memory_space<hbm>>
      %dma_wait3A_26 = arith.constant 0 : i32
      %dma_wait3A_27 = tpu.memref_slice %arg8[%mul3A_17, %dma_wait3A_26] : memref<10112x128xf32, #tpu.memory_space<vmem_shared>> -> memref<632x128xf32, #tpu.memory_space<vmem_shared>>
      tpu.wait_dma2 semaphore(%run_scoped3A : memref<!tpu.dma_semaphore, #tpu.memory_space<semaphore_mem>>) src(%dma_wait3A_27 : memref<632x128xf32, #tpu.memory_space<vmem_shared>>) dst(%dma_wait3A_25 : memref<632x128xf32, #tpu.memory_space<hbm>>)
      tpu.yield
    }) : () -> ()
    return
  }
}

#map = affine_map<(d0, d1) -> (0, 0)>
#map1 = affine_map<(d0, d1) -> (0)>
#map2 = affine_map<(d0, d1) -> (0, 0, 0)>
module attributes {stable_mosaic.version = 14 : i64} {
  func.func @k(%arg0: i32, %arg1: i32, %arg2: memref<320000x128xf32, #tpu.memory_space<hbm>>, %arg3: memref<320000xi32, #tpu.memory_space<hbm>>, %arg4: memref<2x10112x128xf32, #tpu.memory_space<hbm>>, %arg5: memref<80xi32, #tpu.memory_space<vmem>>, %arg6: memref<80x128xf32, #tpu.memory_space<vmem>>, %arg7: memref<8x128xf32, #tpu.memory_space<vmem>>, %arg8: memref<10112x128xf32, #tpu.memory_space<vmem_shared>>, %arg9: memref<!tpu.dma_semaphore, #tpu.memory_space<semaphore_mem>>) attributes {dimension_semantics = [#tpu.dimension_semantics<core_parallel>, #tpu.dimension_semantics<subcore_parallel>], iteration_bounds = array<i64: 2, 16>, scalar_prefetch = 0 : i64, scratch_operands = 5 : i64, tpu.core_type = #tpu.core_type<sc_vector_subcore>, window_params = [{transform_indices = #map}, {transform_indices = #map1}, {transform_indices = #map2}]} {
    %mul3A = arith.constant 16 : i32
    %mul3A_0 = arith.muli %arg0, %mul3A : i32
    %add3A = arith.addi %mul3A_0, %arg1 : i32
    %scan3A = arith.constant 0 : i32
    %scan3A_1 = arith.constant 8 : i32
    %scan3A_2 = arith.addi %scan3A, %scan3A_1 : i32
    %scan3A_3 = arith.constant 1 : i32
    scf.for %scan3A_20 = %scan3A to %scan3A_2 step %scan3A_3  : i32 {
      %mul3A_21 = arith.constant 1 : i32
      %mul3A_22 = arith.muli %scan3A_20, %mul3A_21 : i32
      %add3A_23 = arith.constant 0 : i32
      %add3A_24 = arith.addi %add3A_23, %mul3A_22 : i32
      %broadcast_in_dim3A = arith.constant 0.000000e+00 : f32
      %broadcast_in_dim3A_25 = vector.broadcast %broadcast_in_dim3A : f32 to vector<16xf32>
      %swap3A = arith.index_cast %add3A_24 : i32 to index
      %swap3A_26 = arith.constant 0 : index
      %swap3A_27 = tpu.vector_load %arg7[%swap3A, %swap3A_26] {strides = array<i32>} : memref<8x128xf32, #tpu.memory_space<vmem>>, vector<1x16xf32>,
      %swap3A_28 = vector.shape_cast %swap3A_27 : vector<1x16xf32> to vector<16xf32>
      %swap3A_29 = vector.shape_cast %broadcast_in_dim3A_25 : vector<16xf32> to vector<1x16xf32>
      tpu.vector_store %arg7[%swap3A, %swap3A_26], %swap3A_29 {strides = array<i32>} : memref<8x128xf32, #tpu.memory_space<vmem>>, vector<1x16xf32>,
      %broadcast_in_dim3A_30 = arith.constant 0.000000e+00 : f32
      %broadcast_in_dim3A_31 = vector.broadcast %broadcast_in_dim3A_30 : f32 to vector<16xf32>
      %swap3A_32 = arith.index_cast %add3A_24 : i32 to index
      %swap3A_33 = arith.constant 16 : index
      %swap3A_34 = tpu.vector_load %arg7[%swap3A_32, %swap3A_33] {strides = array<i32>} : memref<8x128xf32, #tpu.memory_space<vmem>>, vector<1x16xf32>,
      %swap3A_35 = vector.shape_cast %swap3A_34 : vector<1x16xf32> to vector<16xf32>
      %swap3A_36 = vector.shape_cast %broadcast_in_dim3A_31 : vector<16xf32> to vector<1x16xf32>
      tpu.vector_store %arg7[%swap3A_32, %swap3A_33], %swap3A_36 {strides = array<i32>} : memref<8x128xf32, #tpu.memory_space<vmem>>, vector<1x16xf32>,
      %broadcast_in_dim3A_37 = arith.constant 0.000000e+00 : f32
      %broadcast_in_dim3A_38 = vector.broadcast %broadcast_in_dim3A_37 : f32 to vector<16xf32>
      %swap3A_39 = arith.index_cast %add3A_24 : i32 to index
      %swap3A_40 = arith.constant 32 : index
      %swap3A_41 = tpu.vector_load %arg7[%swap3A_39, %swap3A_40] {strides = array<i32>} : memref<8x128xf32, #tpu.memory_space<vmem>>, vector<1x16xf32>,
      %swap3A_42 = vector.shape_cast %swap3A_41 : vector<1x16xf32> to vector<16xf32>
      %swap3A_43 = vector.shape_cast %broadcast_in_dim3A_38 : vector<16xf32> to vector<1x16xf32>
      tpu.vector_store %arg7[%swap3A_39, %swap3A_40], %swap3A_43 {strides = array<i32>} : memref<8x128xf32, #tpu.memory_space<vmem>>, vector<1x16xf32>,
      %broadcast_in_dim3A_44 = arith.constant 0.000000e+00 : f32
      %broadcast_in_dim3A_45 = vector.broadcast %broadcast_in_dim3A_44 : f32 to vector<16xf32>
      %swap3A_46 = arith.index_cast %add3A_24 : i32 to index
      %swap3A_47 = arith.constant 48 : index
      %swap3A_48 = tpu.vector_load %arg7[%swap3A_46, %swap3A_47] {strides = array<i32>} : memref<8x128xf32, #tpu.memory_space<vmem>>, vector<1x16xf32>,
      %swap3A_49 = vector.shape_cast %swap3A_48 : vector<1x16xf32> to vector<16xf32>
      %swap3A_50 = vector.shape_cast %broadcast_in_dim3A_45 : vector<16xf32> to vector<1x16xf32>
      tpu.vector_store %arg7[%swap3A_46, %swap3A_47], %swap3A_50 {strides = array<i32>} : memref<8x128xf32, #tpu.memory_space<vmem>>, vector<1x16xf32>,
      %broadcast_in_dim3A_51 = arith.constant 0.000000e+00 : f32
      %broadcast_in_dim3A_52 = vector.broadcast %broadcast_in_dim3A_51 : f32 to vector<16xf32>
      %swap3A_53 = arith.index_cast %add3A_24 : i32 to index
      %swap3A_54 = arith.constant 64 : index
      %swap3A_55 = tpu.vector_load %arg7[%swap3A_53, %swap3A_54] {strides = array<i32>} : memref<8x128xf32, #tpu.memory_space<vmem>>, vector<1x16xf32>,
      %swap3A_56 = vector.shape_cast %swap3A_55 : vector<1x16xf32> to vector<16xf32>
      %swap3A_57 = vector.shape_cast %broadcast_in_dim3A_52 : vector<16xf32> to vector<1x16xf32>
      tpu.vector_store %arg7[%swap3A_53, %swap3A_54], %swap3A_57 {strides = array<i32>} : memref<8x128xf32, #tpu.memory_space<vmem>>, vector<1x16xf32>,
      %broadcast_in_dim3A_58 = arith.constant 0.000000e+00 : f32
      %broadcast_in_dim3A_59 = vector.broadcast %broadcast_in_dim3A_58 : f32 to vector<16xf32>
      %swap3A_60 = arith.index_cast %add3A_24 : i32 to index
      %swap3A_61 = arith.constant 80 : index
      %swap3A_62 = tpu.vector_load %arg7[%swap3A_60, %swap3A_61] {strides = array<i32>} : memref<8x128xf32, #tpu.memory_space<vmem>>, vector<1x16xf32>,
      %swap3A_63 = vector.shape_cast %swap3A_62 : vector<1x16xf32> to vector<16xf32>
      %swap3A_64 = vector.shape_cast %broadcast_in_dim3A_59 : vector<16xf32> to vector<1x16xf32>
      tpu.vector_store %arg7[%swap3A_60, %swap3A_61], %swap3A_64 {strides = array<i32>} : memref<8x128xf32, #tpu.memory_space<vmem>>, vector<1x16xf32>,
      %broadcast_in_dim3A_65 = arith.constant 0.000000e+00 : f32
      %broadcast_in_dim3A_66 = vector.broadcast %broadcast_in_dim3A_65 : f32 to vector<16xf32>
      %swap3A_67 = arith.index_cast %add3A_24 : i32 to index
      %swap3A_68 = arith.constant 96 : index
      %swap3A_69 = tpu.vector_load %arg7[%swap3A_67, %swap3A_68] {strides = array<i32>} : memref<8x128xf32, #tpu.memory_space<vmem>>, vector<1x16xf32>,
      %swap3A_70 = vector.shape_cast %swap3A_69 : vector<1x16xf32> to vector<16xf32>
      %swap3A_71 = vector.shape_cast %broadcast_in_dim3A_66 : vector<16xf32> to vector<1x16xf32>
      tpu.vector_store %arg7[%swap3A_67, %swap3A_68], %swap3A_71 {strides = array<i32>} : memref<8x128xf32, #tpu.memory_space<vmem>>, vector<1x16xf32>,
      %broadcast_in_dim3A_72 = arith.constant 0.000000e+00 : f32
      %broadcast_in_dim3A_73 = vector.broadcast %broadcast_in_dim3A_72 : f32 to vector<16xf32>
      %swap3A_74 = arith.index_cast %add3A_24 : i32 to index
      %swap3A_75 = arith.constant 112 : index
      %swap3A_76 = tpu.vector_load %arg7[%swap3A_74, %swap3A_75] {strides = array<i32>} : memref<8x128xf32, #tpu.memory_space<vmem>>, vector<1x16xf32>,
      %swap3A_77 = vector.shape_cast %swap3A_76 : vector<1x16xf32> to vector<16xf32>
      %swap3A_78 = vector.shape_cast %broadcast_in_dim3A_73 : vector<16xf32> to vector<1x16xf32>
      tpu.vector_store %arg7[%swap3A_74, %swap3A_75], %swap3A_78 {strides = array<i32>} : memref<8x128xf32, #tpu.memory_space<vmem>>, vector<1x16xf32>,
    }
    %scan3A_4 = arith.constant 8 : i32
    %scan3A_5 = arith.constant 0 : i32
    %scan3A_6 = arith.constant 79 : i32
    %scan3A_7 = arith.addi %scan3A_5, %scan3A_6 : i32
    %scan3A_8 = arith.constant 1 : i32
    scf.for %scan3A_20 = %scan3A_5 to %scan3A_7 step %scan3A_8  : i32 {
      %mul3A_21 = arith.constant 1 : i32
      %mul3A_22 = arith.muli %scan3A_20, %mul3A_21 : i32
      %add3A_23 = arith.constant 0 : i32
      %add3A_24 = arith.addi %add3A_23, %mul3A_22 : i32
      %mul3A_25 = arith.constant 632 : i32
      %mul3A_26 = arith.muli %arg1, %mul3A_25 : i32
      %mul3A_27 = arith.constant 8 : i32
      %mul3A_28 = arith.muli %add3A_24, %mul3A_27 : i32
      %add3A_29 = arith.addi %mul3A_26, %mul3A_28 : i32
      "tpu.region"() ({
        %run_scoped3A = tpu.sem_alloc : memref<!tpu.dma_semaphore, #tpu.memory_space<semaphore_mem>>
        %dma_start3A = arith.constant 0 : i32
        %dma_start3A_30 = tpu.memref_slice %arg8[%add3A_29, %dma_start3A] : memref<10112x128xf32, #tpu.memory_space<vmem_shared>> -> memref<8x128xf32, #tpu.memory_space<vmem_shared>>
        %dma_start3A_31 = arith.constant 0 : i32
        %dma_start3A_32 = tpu.memref_slice %arg8[%add3A_29, %dma_start3A_31] : memref<10112x128xf32, #tpu.memory_space<vmem_shared>> -> memref<8x128xf32, #tpu.memory_space<vmem_shared>>
        tpu.enqueue_dma source(%arg7 : memref<8x128xf32, #tpu.memory_space<vmem>>) target(%dma_start3A_32 : memref<8x128xf32, #tpu.memory_space<vmem_shared>>) target_semaphore(%run_scoped3A : memref<!tpu.dma_semaphore, #tpu.memory_space<semaphore_mem>>)
        %dma_wait3A = arith.constant 0 : i32
        %dma_wait3A_33 = tpu.memref_slice %arg8[%add3A_29, %dma_wait3A] : memref<10112x128xf32, #tpu.memory_space<vmem_shared>> -> memref<8x128xf32, #tpu.memory_space<vmem_shared>>
        %dma_wait3A_34 = arith.constant 0 : i32
        %dma_wait3A_35 = tpu.memref_slice %arg8[%add3A_29, %dma_wait3A_34] : memref<10112x128xf32, #tpu.memory_space<vmem_shared>> -> memref<8x128xf32, #tpu.memory_space<vmem_shared>>
        tpu.wait_dma2 semaphore(%run_scoped3A : memref<!tpu.dma_semaphore, #tpu.memory_space<semaphore_mem>>) src(%arg7 : memref<8x128xf32, #tpu.memory_space<vmem>>) dst(%dma_wait3A_35 : memref<8x128xf32, #tpu.memory_space<vmem_shared>>)
        tpu.yield
      }) : () -> ()
    }
    %scan3A_9 = arith.constant 79 : i32
    %barrier3A = arith.constant 0 : index
    tpu.barrier barrier_id(%barrier3A)
    %scan3A_10 = arith.constant 0 : i32
    %scan3A_11 = arith.constant 125 : i32
    %scan3A_12 = arith.addi %scan3A_10, %scan3A_11 : i32
    %scan3A_13 = arith.constant 1 : i32
    scf.for %scan3A_20 = %scan3A_10 to %scan3A_12 step %scan3A_13  : i32 {
      %mul3A_21 = arith.constant 1 : i32
      %mul3A_22 = arith.muli %scan3A_20, %mul3A_21 : i32
      %add3A_23 = arith.constant 0 : i32
      %add3A_24 = arith.addi %add3A_23, %mul3A_22 : i32
      %mul3A_25 = arith.constant 125 : i32
      %mul3A_26 = arith.muli %add3A, %mul3A_25 : i32
      %add3A_27 = arith.addi %mul3A_26, %add3A_24 : i32
      %mul3A_28 = arith.constant 80 : i32
      %mul3A_29 = arith.muli %add3A_27, %mul3A_28 : i32
      "tpu.region"() ({
        %run_scoped3A = tpu.sem_alloc : memref<!tpu.dma_semaphore, #tpu.memory_space<semaphore_mem>>
        %dma_start3A = tpu.memref_slice %arg3[%mul3A_29] : memref<320000xi32, #tpu.memory_space<hbm>> -> memref<80xi32, #tpu.memory_space<hbm>>
        %dma_start3A_30 = tpu.memref_slice %arg3[%mul3A_29] : memref<320000xi32, #tpu.memory_space<hbm>> -> memref<80xi32, #tpu.memory_space<hbm>>
        tpu.enqueue_dma source(%dma_start3A_30 : memref<80xi32, #tpu.memory_space<hbm>>) target(%arg5 : memref<80xi32, #tpu.memory_space<vmem>>) target_semaphore(%run_scoped3A : memref<!tpu.dma_semaphore, #tpu.memory_space<semaphore_mem>>)
        %dma_wait3A = tpu.memref_slice %arg3[%mul3A_29] : memref<320000xi32, #tpu.memory_space<hbm>> -> memref<80xi32, #tpu.memory_space<hbm>>
        %dma_wait3A_31 = tpu.memref_slice %arg3[%mul3A_29] : memref<320000xi32, #tpu.memory_space<hbm>> -> memref<80xi32, #tpu.memory_space<hbm>>
        tpu.wait_dma2 semaphore(%run_scoped3A : memref<!tpu.dma_semaphore, #tpu.memory_space<semaphore_mem>>) src(%dma_wait3A_31 : memref<80xi32, #tpu.memory_space<hbm>>) dst(%arg5 : memref<80xi32, #tpu.memory_space<vmem>>)
        tpu.yield
      }) : () -> ()
      "tpu.region"() ({
        %run_scoped3A = tpu.sem_alloc : memref<!tpu.dma_semaphore, #tpu.memory_space<semaphore_mem>>
        %dma_start3A = arith.constant 0 : i32
        %dma_start3A_30 = tpu.memref_slice %arg2[%mul3A_29, %dma_start3A] : memref<320000x128xf32, #tpu.memory_space<hbm>> -> memref<80x128xf32, #tpu.memory_space<hbm>>
        %dma_start3A_31 = arith.constant 0 : i32
        %dma_start3A_32 = tpu.memref_slice %arg2[%mul3A_29, %dma_start3A_31] : memref<320000x128xf32, #tpu.memory_space<hbm>> -> memref<80x128xf32, #tpu.memory_space<hbm>>
        tpu.enqueue_dma source(%dma_start3A_32 : memref<80x128xf32, #tpu.memory_space<hbm>>) target(%arg6 : memref<80x128xf32, #tpu.memory_space<vmem>>) target_semaphore(%run_scoped3A : memref<!tpu.dma_semaphore, #tpu.memory_space<semaphore_mem>>)
        %dma_wait3A = arith.constant 0 : i32
        %dma_wait3A_33 = tpu.memref_slice %arg2[%mul3A_29, %dma_wait3A] : memref<320000x128xf32, #tpu.memory_space<hbm>> -> memref<80x128xf32, #tpu.memory_space<hbm>>
        %dma_wait3A_34 = arith.constant 0 : i32
        %dma_wait3A_35 = tpu.memref_slice %arg2[%mul3A_29, %dma_wait3A_34] : memref<320000x128xf32, #tpu.memory_space<hbm>> -> memref<80x128xf32, #tpu.memory_space<hbm>>
        tpu.wait_dma2 semaphore(%run_scoped3A : memref<!tpu.dma_semaphore, #tpu.memory_space<semaphore_mem>>) src(%dma_wait3A_35 : memref<80x128xf32, #tpu.memory_space<hbm>>) dst(%arg6 : memref<80x128xf32, #tpu.memory_space<vmem>>)
        tpu.yield
      }) : () -> ()
      "tpu.region"() ({
        %run_scoped3A = tpu.sem_alloc : memref<!tpu.dma_semaphore, #tpu.memory_space<semaphore_mem>>
        %dma_start3A = arith.constant 0 : i32
        %dma_start3A_30 = arith.constant 0 : i32
        %dma_start3A_31 = tpu.memref_slice %arg8[%dma_start3A, %dma_start3A_30] : memref<10112x128xf32, #tpu.memory_space<vmem_shared>> -> memref<10112x128xf32, #tpu.memory_space<vmem_shared>>
        tpu.enqueue_indirect_dma source(%arg6 : memref<80x128xf32, #tpu.memory_space<vmem>>) target(%dma_start3A_31 : memref<10112x128xf32, #tpu.memory_space<vmem_shared>>) offsets(%arg5 : memref<80xi32, #tpu.memory_space<vmem>>) semaphore(%run_scoped3A : memref<!tpu.dma_semaphore, #tpu.memory_space<semaphore_mem>>) {add = true}
        %dma_wait3A = arith.constant 0 : i32
        %dma_wait3A_32 = arith.constant 0 : i32
        %dma_wait3A_33 = tpu.memref_slice %arg8[%dma_wait3A, %dma_wait3A_32] : memref<10112x128xf32, #tpu.memory_space<vmem_shared>> -> memref<10112x128xf32, #tpu.memory_space<vmem_shared>>
        tpu.wait_indirect_dma semaphore(%run_scoped3A : memref<!tpu.dma_semaphore, #tpu.memory_space<semaphore_mem>>) src(%arg6 : memref<80x128xf32, #tpu.memory_space<vmem>>) dst(%dma_wait3A_33 : memref<10112x128xf32, #tpu.memory_space<vmem_shared>>)
        tpu.yield
      }) : () -> ()
    }
    %scan3A_14 = arith.constant 125 : i32
    %barrier3A_15 = arith.constant 0 : index
    tpu.barrier barrier_id(%barrier3A_15)
    %mul3A_16 = arith.constant 632 : i32
    %mul3A_17 = arith.muli %arg1, %mul3A_16 : i32
    %mul3A_18 = arith.constant 632 : i32
    %mul3A_19 = arith.muli %arg1, %mul3A_18 : i32
    "tpu.region"() ({
      %run_scoped3A = tpu.sem_alloc : memref<!tpu.dma_semaphore, #tpu.memory_space<semaphore_mem>>
      %dma_start3A = arith.constant 0 : i32
      %dma_start3A_20 = tpu.memref_slice %arg4[%arg0, %mul3A_19, %dma_start3A] : memref<2x10112x128xf32, #tpu.memory_space<hbm>> -> memref<1x632x128xf32, #tpu.memory_space<hbm>>
      %dma_start3A_21 = tpu.memref_squeeze %dma_start3A_20 : memref<1x632x128xf32, #tpu.memory_space<hbm>> -> memref<632x128xf32, #tpu.memory_space<hbm>>
      %dma_start3A_22 = arith.constant 0 : i32
      %dma_start3A_23 = tpu.memref_slice %arg8[%mul3A_17, %dma_start3A_22] : memref<10112x128xf32, #tpu.memory_space<vmem_shared>> -> memref<632x128xf32, #tpu.memory_space<vmem_shared>>
      tpu.enqueue_dma source(%dma_start3A_23 : memref<632x128xf32, #tpu.memory_space<vmem_shared>>) target(%dma_start3A_21 : memref<632x128xf32, #tpu.memory_space<hbm>>) target_semaphore(%run_scoped3A : memref<!tpu.dma_semaphore, #tpu.memory_space<semaphore_mem>>)
      %dma_wait3A = arith.constant 0 : i32
      %dma_wait3A_24 = tpu.memref_slice %arg4[%arg0, %mul3A_19, %dma_wait3A] : memref<2x10112x128xf32, #tpu.memory_space<hbm>> -> memref<1x632x128xf32, #tpu.memory_space<hbm>>
      %dma_wait3A_25 = tpu.memref_squeeze %dma_wait3A_24 : memref<1x632x128xf32, #tpu.memory_space<hbm>> -> memref<632x128xf32, #tpu.memory_space<hbm>>
      %dma_wait3A_26 = arith.constant 0 : i32
      %dma_wait3A_27 = tpu.memref_slice %arg8[%mul3A_17, %dma_wait3A_26] : memref<10112x128xf32, #tpu.memory_space<vmem_shared>> -> memref<632x128xf32, #tpu.memory_space<vmem_shared>>
      tpu.wait_dma2 semaphore(%run_scoped3A : memref<!tpu.dma_semaphore, #tpu.memory_space<semaphore_mem>>) src(%dma_wait3A_27 : memref<632x128xf32, #tpu.memory_space<vmem_shared>>) dst(%dma_wait3A_25 : memref<632x128xf32, #tpu.memory_space<hbm>>)
      tpu.yield
    }) : () -> ()
    return
  }
}

module attributes {stable_mosaic.version = 14 : i64} {
  func.func @_embed_body(%arg0: i32, %arg1: memref<1000x1xi32, #tpu.memory_space<vmem>>, %arg2: memref<64x128xf32, #tpu.memory_space<vmem>>, %arg3: memref<128x128xf32, #tpu.memory_space<vmem>>, %arg4: memref<1000x128xf32, #tpu.memory_space<vmem>>) attributes {dimension_semantics = [#tpu.dimension_semantics<arbitrary>], iteration_bounds = array<i64: 10>, scalar_prefetch = 0 : i64, scratch_operands = 0 : i64, tpu.core_type = #tpu.core_type<tc>, window_params = [{transform_indices = @transform_0, window_bounds = array<i64: 1000, 1>}, {pipeline_mode = #tpu.pipeline_mode<synchronous>, transform_indices = @transform_1, window_bounds = array<i64: 64, 128>}, {pipeline_mode = #tpu.pipeline_mode<synchronous>, transform_indices = @transform_2, window_bounds = array<i64: 128, 128>}, {transform_indices = @transform_3, window_bounds = array<i64: 1000, 128>}]} {
    %get3A = arith.constant 0 : index
    %get3A_0 = arith.constant 0 : index
    %get3A_1 = vector.load %arg1[%get3A, %get3A_0] : memref<1000x1xi32, #tpu.memory_space<vmem>>, vector<1000x1xi32>
    %iota3A = tpu.iota {dimensions = array<i32: 1>} : vector<1000x64xi32>
    %eq3A = vector.broadcast %get3A_1 : vector<1000x1xi32> to vector<1000x64xi32>
    %eq3A_2 = arith.cmpi eq, %eq3A, %iota3A : vector<1000x64xi32>
    %convert_element_type3A = arith.extui %eq3A_2 : vector<1000x64xi1> to vector<1000x64xi32>
    %convert_element_type3A_3 = arith.sitofp %convert_element_type3A : vector<1000x64xi32> to vector<1000x64xf32>
    %get3A_4 = arith.constant 0 : index
    %get3A_5 = arith.constant 0 : index
    %get3A_6 = vector.load %arg2[%get3A_4, %get3A_5] : memref<64x128xf32, #tpu.memory_space<vmem>>, vector<64x128xf32>
    %dot_general3A = arith.constant dense<0.000000e+00> : vector<1000x128xf32>
    %dot_general3A_7 = tpu.matmul %convert_element_type3A_3, %get3A_6, %dot_general3A {dimension_numbers = #tpu.dot_dimension_numbers<[1], [0], [0], [1], [0, 0, 1, 1], [], []>, transpose_lhs_hint = false} : vector<1000x64xf32>, vector<64x128xf32>, vector<1000x128xf32> -> vector<1000x128xf32>
    %get3A_8 = arith.constant 0 : index
    %get3A_9 = arith.constant 0 : index
    %get3A_10 = vector.load %arg3[%get3A_8, %get3A_9] : memref<128x128xf32, #tpu.memory_space<vmem>>, vector<128x128xf32>
    %dot_general3A_11 = arith.constant dense<0.000000e+00> : vector<1000x128xf32>
    %dot_general3A_12 = tpu.matmul %dot_general3A_7, %get3A_10, %dot_general3A_11 {dimension_numbers = #tpu.dot_dimension_numbers<[1], [0], [0], [1], [0, 0, 1, 1], [], []>, transpose_lhs_hint = false} : vector<1000x128xf32>, vector<128x128xf32>, vector<1000x128xf32> -> vector<1000x128xf32>
    %swap3A = arith.constant 0 : index
    %swap3A_13 = arith.constant 0 : index
    %swap3A_14 = vector.load %arg4[%swap3A, %swap3A_13] : memref<1000x128xf32, #tpu.memory_space<vmem>>, vector<1000x128xf32>
    tpu.vector_store %arg4[%swap3A, %swap3A_13], %dot_general3A_12 {strides = array<i32>} : memref<1000x128xf32, #tpu.memory_space<vmem>>, vector<1000x128xf32>,
    return
  }
  func.func @transform_0(%arg0: i32) -> (i32, i32) {
    %c0_i32 = arith.constant 0 : i32
    %c0_i32_0 = arith.constant 0 : i32
    return %arg0, %c0_i32 : i32, i32
  }
  func.func @transform_1(%arg0: i32) -> (i32, i32) {
    %c0_i32 = arith.constant 0 : i32
    %c0_i32_0 = arith.constant 0 : i32
    %c0_i32_1 = arith.constant 0 : i32
    return %c0_i32, %c0_i32_0 : i32, i32
  }
  func.func @transform_2(%arg0: i32) -> (i32, i32) {
    %c0_i32 = arith.constant 0 : i32
    %c0_i32_0 = arith.constant 0 : i32
    %c0_i32_1 = arith.constant 0 : i32
    return %c0_i32, %c0_i32_0 : i32, i32
  }
  func.func @transform_3(%arg0: i32) -> (i32, i32) {
    %c0_i32 = arith.constant 0 : i32
    %c0_i32_0 = arith.constant 0 : i32
    return %arg0, %c0_i32 : i32, i32
  }
}

module attributes {stable_mosaic.version = 14 : i64} {
  func.func @_pre0_body(%arg0: i32, %arg1: memref<1000x128xf32, #tpu.memory_space<vmem>>, %arg2: memref<1000x16xf32, #tpu.memory_space<vmem>>, %arg3: memref<128x32xf32, #tpu.memory_space<vmem>>, %arg4: memref<1000x128xf32, #tpu.memory_space<vmem>>) attributes {dimension_semantics = [#tpu.dimension_semantics<arbitrary>], iteration_bounds = array<i64: 10>, scalar_prefetch = 0 : i64, scratch_operands = 0 : i64, tpu.core_type = #tpu.core_type<tc>, window_params = [{transform_indices = @transform_0, window_bounds = array<i64: 1000, 128>}, {transform_indices = @transform_1, window_bounds = array<i64: 1000, 16>}, {pipeline_mode = #tpu.pipeline_mode<synchronous>, transform_indices = @transform_2, window_bounds = array<i64: 128, 32>}, {transform_indices = @transform_3, window_bounds = array<i64: 1000, 128>}]} {
    %get3A = arith.constant 0 : index
    %get3A_0 = arith.constant 0 : index
    %get3A_1 = vector.load %arg1[%get3A, %get3A_0] : memref<1000x128xf32, #tpu.memory_space<vmem>>, vector<1000x128xf32>
    %get3A_2 = arith.constant 0 : index
    %get3A_3 = arith.constant 0 : index
    %get3A_4 = vector.load %arg3[%get3A_2, %get3A_3] : memref<128x32xf32, #tpu.memory_space<vmem>>, vector<128x32xf32>
    %dot_general3A = arith.constant dense<0.000000e+00> : vector<1000x32xf32>
    %dot_general3A_5 = tpu.matmul %get3A_1, %get3A_4, %dot_general3A {dimension_numbers = #tpu.dot_dimension_numbers<[1], [0], [0], [1], [0, 0, 1, 1], [], []>, transpose_lhs_hint = false} : vector<1000x128xf32>, vector<128x32xf32>, vector<1000x32xf32> -> vector<1000x32xf32>
    %broadcast_in_dim3A = arith.constant 0.000000e+00 : f32
    %broadcast_in_dim3A_6 = vector.broadcast %broadcast_in_dim3A : f32 to vector<1000x80xf32>
    %get3A_7 = arith.constant 0 : index
    %get3A_8 = arith.constant 0 : index
    %get3A_9 = vector.load %arg2[%get3A_7, %get3A_8] : memref<1000x16xf32, #tpu.memory_space<vmem>>, vector<1000x16xf32>
    %concatenate3A = tpu.concatenate %dot_general3A_5, %get3A_9, %broadcast_in_dim3A_6 in 1 : vector<1000x32xf32>, vector<1000x16xf32>, vector<1000x80xf32> -> vector<1000x128xf32>
    %swap3A = arith.constant 0 : index
    %swap3A_10 = arith.constant 0 : index
    %swap3A_11 = vector.load %arg4[%swap3A, %swap3A_10] : memref<1000x128xf32, #tpu.memory_space<vmem>>, vector<1000x128xf32>
    tpu.vector_store %arg4[%swap3A, %swap3A_10], %concatenate3A {strides = array<i32>} : memref<1000x128xf32, #tpu.memory_space<vmem>>, vector<1000x128xf32>,
    return
  }
  func.func @transform_0(%arg0: i32) -> (i32, i32) {
    %c0_i32 = arith.constant 0 : i32
    %c0_i32_0 = arith.constant 0 : i32
    return %arg0, %c0_i32 : i32, i32
  }
  func.func @transform_1(%arg0: i32) -> (i32, i32) {
    %c0_i32 = arith.constant 0 : i32
    %c0_i32_0 = arith.constant 0 : i32
    return %arg0, %c0_i32 : i32, i32
  }
  func.func @transform_2(%arg0: i32) -> (i32, i32) {
    %c0_i32 = arith.constant 0 : i32
    %c0_i32_0 = arith.constant 0 : i32
    %c0_i32_1 = arith.constant 0 : i32
    return %c0_i32, %c0_i32_0 : i32, i32
  }
  func.func @transform_3(%arg0: i32) -> (i32, i32) {
    %c0_i32 = arith.constant 0 : i32
    %c0_i32_0 = arith.constant 0 : i32
    return %arg0, %c0_i32 : i32, i32
  }
}

module attributes {stable_mosaic.version = 14 : i64} {
  func.func @_geom_body(%arg0: i32, %arg1: memref<2000x128xf32, #tpu.memory_space<vmem>>, %arg2: memref<2000x128xf32, #tpu.memory_space<vmem>>, %arg3: memref<1x32xf32, #tpu.memory_space<vmem>>, %arg4: memref<2000x8xf32, #tpu.memory_space<vmem>>, %arg5: memref<2000x32xf32, #tpu.memory_space<vmem>>) attributes {dimension_semantics = [#tpu.dimension_semantics<arbitrary>], iteration_bounds = array<i64: 160>, scalar_prefetch = 0 : i64, scratch_operands = 0 : i64, tpu.core_type = #tpu.core_type<tc>, window_params = [{transform_indices = @transform_0, window_bounds = array<i64: 2000, 128>}, {transform_indices = @transform_1, window_bounds = array<i64: 2000, 128>}, {pipeline_mode = #tpu.pipeline_mode<synchronous>, transform_indices = @transform_2, window_bounds = array<i64: 1, 32>}, {transform_indices = @transform_3, window_bounds = array<i64: 2000, 8>}, {transform_indices = @transform_4, window_bounds = array<i64: 2000, 32>}]} {
    %get3A = arith.constant 0 : index
    %get3A_0 = arith.constant 32 : index
    %get3A_1 = vector.load %arg1[%get3A, %get3A_0] : memref<2000x128xf32, #tpu.memory_space<vmem>>, vector<2000x3xf32>
    %get3A_2 = arith.constant 0 : index
    %get3A_3 = arith.constant 0 : index
    %get3A_4 = vector.load %arg2[%get3A_2, %get3A_3] : memref<2000x128xf32, #tpu.memory_space<vmem>>, vector<2000x3xf32>
    %sub3A = arith.subf %get3A_4, %get3A_1 : vector<2000x3xf32>
    %mul3A = arith.mulf %sub3A, %sub3A : vector<2000x3xf32>
    %reduce_sum3A = arith.constant dense<0.000000e+00> : vector<2000xf32>
    %reduce_sum3A_5 = vector.multi_reduction <add>, %mul3A, %reduce_sum3A [1] : vector<2000x3xf32> to vector<2000xf32>
    %broadcast_in_dim3A = vector.shape_cast %reduce_sum3A_5 : vector<2000xf32> to vector<2000x1xf32>
    %add3A = arith.constant 9.99999996E-13 : f32
    %add3A_6 = vector.broadcast %add3A : f32 to vector<2000x1xf32>
    %add3A_7 = arith.addf %broadcast_in_dim3A, %add3A_6 : vector<2000x1xf32>
    %sqrt3A = math.sqrt %add3A_7 : vector<2000x1xf32>
    %mul3A_8 = arith.constant 0.628318548 : f32
    %mul3A_9 = vector.broadcast %mul3A_8 : f32 to vector<2000x1xf32>
    %mul3A_10 = arith.mulf %sqrt3A, %mul3A_9 : vector<2000x1xf32>
    %cos3A = math.cos %mul3A_10 : vector<2000x1xf32>
    %add3A_11 = arith.constant 1.000000e+00 : f32
    %add3A_12 = vector.broadcast %add3A_11 : f32 to vector<2000x1xf32>
    %add3A_13 = arith.addf %cos3A, %add3A_12 : vector<2000x1xf32>
    %mul3A_14 = arith.constant 5.000000e-01 : f32
    %mul3A_15 = vector.broadcast %mul3A_14 : f32 to vector<2000x1xf32>
    %mul3A_16 = arith.mulf %mul3A_15, %add3A_13 : vector<2000x1xf32>
    %lt3A = arith.constant 5.000000e+00 : f32
    %lt3A_17 = vector.broadcast %lt3A : f32 to vector<2000x1xf32>
    %lt3A_18 = arith.cmpf olt, %sqrt3A, %lt3A_17 : vector<2000x1xf32>
    %convert_element_type3A = arith.extui %lt3A_18 : vector<2000x1xi1> to vector<2000x1xi32>
    %convert_element_type3A_19 = arith.sitofp %convert_element_type3A : vector<2000x1xi32> to vector<2000x1xf32>
    %mul3A_20 = arith.mulf %mul3A_16, %convert_element_type3A_19 : vector<2000x1xf32>
    %mul3A_21 = vector.broadcast %mul3A_20 : vector<2000x1xf32> to vector<2000x3xf32>
    %mul3A_22 = arith.mulf %sub3A, %mul3A_21 : vector<2000x3xf32>
    %mul3A_23 = arith.mulf %mul3A_22, %mul3A_22 : vector<2000x3xf32>
    %reduce_sum3A_24 = arith.constant dense<0.000000e+00> : vector<2000xf32>
    %reduce_sum3A_25 = vector.multi_reduction <add>, %mul3A_23, %reduce_sum3A_24 [1] : vector<2000x3xf32> to vector<2000xf32>
    %broadcast_in_dim3A_26 = vector.shape_cast %reduce_sum3A_25 : vector<2000xf32> to vector<2000x1xf32>
    %add3A_27 = arith.constant 9.99999996E-13 : f32
    %add3A_28 = vector.broadcast %add3A_27 : f32 to vector<2000x1xf32>
    %add3A_29 = arith.addf %broadcast_in_dim3A_26, %add3A_28 : vector<2000x1xf32>
    %sqrt3A_30 = math.sqrt %add3A_29 : vector<2000x1xf32>
    %mul3A_31 = arith.constant 1.73205078 : f32
    %mul3A_32 = vector.broadcast %mul3A_31 : f32 to vector<2000x3xf32>
    %mul3A_33 = arith.mulf %mul3A_32, %mul3A_22 : vector<2000x3xf32>
    %max3A = arith.constant 9.99999971E-10 : f32
    %max3A_34 = vector.broadcast %max3A : f32 to vector<2000x1xf32>
    %max3A_35 = arith.maximumf %sqrt3A_30, %max3A_34 : vector<2000x1xf32>
    %div3A = vector.broadcast %max3A_35 : vector<2000x1xf32> to vector<2000x3xf32>
    %div3A_36 = arith.divf %mul3A_33, %div3A : vector<2000x3xf32>
    %broadcast_in_dim3A_37 = arith.constant 0.000000e+00 : f32
    %broadcast_in_dim3A_38 = vector.broadcast %broadcast_in_dim3A_37 : f32 to vector<2000x3xf32>
    %concatenate3A = tpu.concatenate %sqrt3A, %mul3A_20, %div3A_36, %broadcast_in_dim3A_38 in 1 : vector<2000x1xf32>, vector<2000x1xf32>, vector<2000x3xf32>, vector<2000x3xf32> -> vector<2000x8xf32>
    %swap3A = arith.constant 0 : index
    %swap3A_39 = arith.constant 0 : index
    %swap3A_40 = vector.load %arg4[%swap3A, %swap3A_39] : memref<2000x8xf32, #tpu.memory_space<vmem>>, vector<2000x8xf32>
    tpu.vector_store %arg4[%swap3A, %swap3A_39], %concatenate3A {strides = array<i32>} : memref<2000x8xf32, #tpu.memory_space<vmem>>, vector<2000x8xf32>,
    %get3A_41 = arith.constant 0 : index
    %get3A_42 = arith.constant 0 : index
    %get3A_43 = vector.load %arg3[%get3A_41, %get3A_42] : memref<1x32xf32, #tpu.memory_space<vmem>>, vector<1x32xf32>
    %sub3A_44 = vector.broadcast %sqrt3A : vector<2000x1xf32> to vector<2000x32xf32>
    %sub3A_45 = vector.broadcast %get3A_43 : vector<1x32xf32> to vector<2000x32xf32>
    %sub3A_46 = arith.subf %sub3A_44, %sub3A_45 : vector<2000x32xf32>
    %mul3A_47 = arith.constant 5.200000e+00 : f32
    %mul3A_48 = vector.broadcast %mul3A_47 : f32 to vector<2000x32xf32>
    %mul3A_49 = arith.mulf %sub3A_46, %mul3A_48 : vector<2000x32xf32>
    %neg3A = arith.constant 0.000000e+00 : f32
    %neg3A_50 = vector.broadcast %neg3A : f32 to vector<2000x32xf32>
    %neg3A_51 = arith.subf %neg3A_50, %mul3A_49 : vector<2000x32xf32>
    %mul3A_52 = arith.mulf %neg3A_51, %mul3A_49 : vector<2000x32xf32>
    %exp3A = math.exp %mul3A_52 : vector<2000x32xf32>
    %mul3A_53 = arith.constant 0.892857134 : f32
    %mul3A_54 = vector.broadcast %mul3A_53 : f32 to vector<2000x32xf32>
    %mul3A_55 = arith.mulf %exp3A, %mul3A_54 : vector<2000x32xf32>
    %swap3A_56 = arith.constant 0 : index
    %swap3A_57 = arith.constant 0 : index
    %swap3A_58 = vector.load %arg5[%swap3A_56, %swap3A_57] : memref<2000x32xf32, #tpu.memory_space<vmem>>, vector<2000x32xf32>
    tpu.vector_store %arg5[%swap3A_56, %swap3A_57], %mul3A_55 {strides = array<i32>} : memref<2000x32xf32, #tpu.memory_space<vmem>>, vector<2000x32xf32>,
    return
  }
  func.func @transform_0(%arg0: i32) -> (i32, i32) {
    %c0_i32 = arith.constant 0 : i32
    %c0_i32_0 = arith.constant 0 : i32
    return %arg0, %c0_i32 : i32, i32
  }
  func.func @transform_1(%arg0: i32) -> (i32, i32) {
    %c0_i32 = arith.constant 0 : i32
    %c0_i32_0 = arith.constant 0 : i32
    return %arg0, %c0_i32 : i32, i32
  }
  func.func @transform_2(%arg0: i32) -> (i32, i32) {
    %c0_i32 = arith.constant 0 : i32
    %c0_i32_0 = arith.constant 0 : i32
    %c0_i32_1 = arith.constant 0 : i32
    return %c0_i32, %c0_i32_0 : i32, i32
  }
  func.func @transform_3(%arg0: i32) -> (i32, i32) {
    %c0_i32 = arith.constant 0 : i32
    %c0_i32_0 = arith.constant 0 : i32
    return %arg0, %c0_i32 : i32, i32
  }
  func.func @transform_4(%arg0: i32) -> (i32, i32) {
    %c0_i32 = arith.constant 0 : i32
    %c0_i32_0 = arith.constant 0 : i32
    return %arg0, %c0_i32 : i32, i32
  }
}

module attributes {stable_mosaic.version = 14 : i64} {
  func.func @_msg0_body(%arg0: i32, %arg1: memref<2000x128xf32, #tpu.memory_space<vmem>>, %arg2: memref<2000x8xf32, #tpu.memory_space<vmem>>, %arg3: memref<2000x32xf32, #tpu.memory_space<vmem>>, %arg4: memref<32x32xf32, #tpu.memory_space<vmem>>, %arg5: memref<1x32xf32, #tpu.memory_space<vmem>>, %arg6: memref<32x128xf32, #tpu.memory_space<vmem>>, %arg7: memref<1x128xf32, #tpu.memory_space<vmem>>, %arg8: memref<2000x128xf32, #tpu.memory_space<vmem>>) attributes {dimension_semantics = [#tpu.dimension_semantics<arbitrary>], iteration_bounds = array<i64: 160>, scalar_prefetch = 0 : i64, scratch_operands = 0 : i64, tpu.core_type = #tpu.core_type<tc>, window_params = [{transform_indices = @transform_0, window_bounds = array<i64: 2000, 128>}, {transform_indices = @transform_1, window_bounds = array<i64: 2000, 8>}, {transform_indices = @transform_2, window_bounds = array<i64: 2000, 32>}, {pipeline_mode = #tpu.pipeline_mode<synchronous>, transform_indices = @transform_3, window_bounds = array<i64: 32, 32>}, {pipeline_mode = #tpu.pipeline_mode<synchronous>, transform_indices = @transform_4, window_bounds = array<i64: 1, 32>}, {pipeline_mode = #tpu.pipeline_mode<synchronous>, transform_indices = @transform_5, window_bounds = array<i64: 32, 128>}, {pipeline_mode = #tpu.pipeline_mode<synchronous>, transform_indices = @transform_6, window_bounds = array<i64: 1, 128>}, {transform_indices = @transform_7, window_bounds = array<i64: 2000, 128>}]} {
    %get3A = arith.constant 0 : index
    %get3A_0 = arith.constant 0 : index
    %get3A_1 = vector.load %arg2[%get3A, %get3A_0] : memref<2000x8xf32, #tpu.memory_space<vmem>>, vector<2000x8xf32>
    %get3A_2 = arith.constant 0 : index
    %get3A_3 = arith.constant 0 : index
    %get3A_4 = vector.load %arg3[%get3A_2, %get3A_3] : memref<2000x32xf32, #tpu.memory_space<vmem>>, vector<2000x32xf32>
    %get3A_5 = arith.constant 0 : index
    %get3A_6 = arith.constant 0 : index
    %get3A_7 = vector.load %arg4[%get3A_5, %get3A_6] : memref<32x32xf32, #tpu.memory_space<vmem>>, vector<32x32xf32>
    %get3A_8 = arith.constant 0 : index
    %get3A_9 = arith.constant 0 : index
    %get3A_10 = vector.load %arg5[%get3A_8, %get3A_9] : memref<1x32xf32, #tpu.memory_space<vmem>>, vector<1x32xf32>
    %get3A_11 = arith.constant 0 : index
    %get3A_12 = arith.constant 0 : index
    %get3A_13 = vector.load %arg6[%get3A_11, %get3A_12] : memref<32x128xf32, #tpu.memory_space<vmem>>, vector<32x128xf32>
    %get3A_14 = arith.constant 0 : index
    %get3A_15 = arith.constant 0 : index
    %get3A_16 = vector.load %arg7[%get3A_14, %get3A_15] : memref<1x128xf32, #tpu.memory_space<vmem>>, vector<1x128xf32>
    %slice3A = vector.extract_strided_slice %get3A_1 {offsets = [0, 1], sizes = [2000, 1], strides = [1, 1]} : vector<2000x8xf32> to vector<2000x1xf32>
    %dot_general3A = arith.constant dense<0.000000e+00> : vector<2000x32xf32>
    %dot_general3A_17 = tpu.matmul %get3A_4, %get3A_7, %dot_general3A {dimension_numbers = #tpu.dot_dimension_numbers<[1], [0], [0], [1], [0, 0, 1, 1], [], []>, transpose_lhs_hint = false} : vector<2000x32xf32>, vector<32x32xf32>, vector<2000x32xf32> -> vector<2000x32xf32>
    %add3A = vector.broadcast %get3A_10 : vector<1x32xf32> to vector<2000x32xf32>
    %add3A_18 = arith.addf %dot_general3A_17, %add3A : vector<2000x32xf32>
    %neg3A = arith.constant 0.000000e+00 : f32
    %neg3A_19 = vector.broadcast %neg3A : f32 to vector<2000x32xf32>
    %neg3A_20 = arith.subf %neg3A_19, %add3A_18 : vector<2000x32xf32>
    %exp3A = math.exp %neg3A_20 : vector<2000x32xf32>
    %add3A_21 = arith.constant 1.000000e+00 : f32
    %add3A_22 = vector.broadcast %add3A_21 : f32 to vector<2000x32xf32>
    %add3A_23 = arith.addf %add3A_22, %exp3A : vector<2000x32xf32>
    %div3A = arith.divf %add3A_18, %add3A_23 : vector<2000x32xf32>
    %dot_general3A_24 = arith.constant dense<0.000000e+00> : vector<2000x128xf32>
    %dot_general3A_25 = tpu.matmul %div3A, %get3A_13, %dot_general3A_24 {dimension_numbers = #tpu.dot_dimension_numbers<[1], [0], [0], [1], [0, 0, 1, 1], [], []>, transpose_lhs_hint = false} : vector<2000x32xf32>, vector<32x128xf32>, vector<2000x128xf32> -> vector<2000x128xf32>
    %add3A_26 = vector.broadcast %get3A_16 : vector<1x128xf32> to vector<2000x128xf32>
    %add3A_27 = arith.addf %dot_general3A_25, %add3A_26 : vector<2000x128xf32>
    %mul3A = vector.broadcast %slice3A : vector<2000x1xf32> to vector<2000x128xf32>
    %mul3A_28 = arith.mulf %add3A_27, %mul3A : vector<2000x128xf32>
    %get3A_29 = arith.constant 0 : index
    %get3A_30 = arith.constant 0 : index
    %get3A_31 = vector.load %arg1[%get3A_29, %get3A_30] : memref<2000x128xf32, #tpu.memory_space<vmem>>, vector<2000x32xf32>
    %slice3A_32 = vector.extract_strided_slice %mul3A_28 {offsets = [0, 0], sizes = [2000, 32], strides = [1, 1]} : vector<2000x128xf32> to vector<2000x32xf32>
    %slice3A_33 = vector.extract_strided_slice %mul3A_28 {offsets = [0, 64], sizes = [2000, 32], strides = [1, 1]} : vector<2000x128xf32> to vector<2000x32xf32>
    %mul3A_34 = arith.mulf %get3A_31, %slice3A_33 : vector<2000x32xf32>
    %mul3A_35 = arith.mulf %get3A_31, %slice3A_32 : vector<2000x32xf32>
    %slice3A_36 = vector.extract_strided_slice %get3A_1 {offsets = [0, 2], sizes = [2000, 1], strides = [1, 1]} : vector<2000x8xf32> to vector<2000x1xf32>
    %mul3A_37 = vector.broadcast %slice3A_36 : vector<2000x1xf32> to vector<2000x32xf32>
    %mul3A_38 = arith.mulf %mul3A_34, %mul3A_37 : vector<2000x32xf32>
    %slice3A_39 = vector.extract_strided_slice %get3A_1 {offsets = [0, 3], sizes = [2000, 1], strides = [1, 1]} : vector<2000x8xf32> to vector<2000x1xf32>
    %mul3A_40 = vector.broadcast %slice3A_39 : vector<2000x1xf32> to vector<2000x32xf32>
    %mul3A_41 = arith.mulf %mul3A_34, %mul3A_40 : vector<2000x32xf32>
    %slice3A_42 = vector.extract_strided_slice %get3A_1 {offsets = [0, 4], sizes = [2000, 1], strides = [1, 1]} : vector<2000x8xf32> to vector<2000x1xf32>
    %mul3A_43 = vector.broadcast %slice3A_42 : vector<2000x1xf32> to vector<2000x32xf32>
    %mul3A_44 = arith.mulf %mul3A_34, %mul3A_43 : vector<2000x32xf32>
    %concatenate3A = tpu.concatenate %mul3A_35, %mul3A_38, %mul3A_41, %mul3A_44 in 1 : vector<2000x32xf32>, vector<2000x32xf32>, vector<2000x32xf32>, vector<2000x32xf32> -> vector<2000x128xf32>
    %swap3A = arith.constant 0 : index
    %swap3A_45 = arith.constant 0 : index
    %swap3A_46 = vector.load %arg8[%swap3A, %swap3A_45] : memref<2000x128xf32, #tpu.memory_space<vmem>>, vector<2000x128xf32>
    tpu.vector_store %arg8[%swap3A, %swap3A_45], %concatenate3A {strides = array<i32>} : memref<2000x128xf32, #tpu.memory_space<vmem>>, vector<2000x128xf32>,
    return
  }
  func.func @transform_0(%arg0: i32) -> (i32, i32) {
    %c0_i32 = arith.constant 0 : i32
    %c0_i32_0 = arith.constant 0 : i32
    return %arg0, %c0_i32 : i32, i32
  }
  func.func @transform_1(%arg0: i32) -> (i32, i32) {
    %c0_i32 = arith.constant 0 : i32
    %c0_i32_0 = arith.constant 0 : i32
    return %arg0, %c0_i32 : i32, i32
  }
  func.func @transform_2(%arg0: i32) -> (i32, i32) {
    %c0_i32 = arith.constant 0 : i32
    %c0_i32_0 = arith.constant 0 : i32
    return %arg0, %c0_i32 : i32, i32
  }
  func.func @transform_3(%arg0: i32) -> (i32, i32) {
    %c0_i32 = arith.constant 0 : i32
    %c0_i32_0 = arith.constant 0 : i32
    %c0_i32_1 = arith.constant 0 : i32
    return %c0_i32, %c0_i32_0 : i32, i32
  }
  func.func @transform_4(%arg0: i32) -> (i32, i32) {
    %c0_i32 = arith.constant 0 : i32
    %c0_i32_0 = arith.constant 0 : i32
    %c0_i32_1 = arith.constant 0 : i32
    return %c0_i32, %c0_i32_0 : i32, i32
  }
  func.func @transform_5(%arg0: i32) -> (i32, i32) {
    %c0_i32 = arith.constant 0 : i32
    %c0_i32_0 = arith.constant 0 : i32
    %c0_i32_1 = arith.constant 0 : i32
    return %c0_i32, %c0_i32_0 : i32, i32
  }
  func.func @transform_6(%arg0: i32) -> (i32, i32) {
    %c0_i32 = arith.constant 0 : i32
    %c0_i32_0 = arith.constant 0 : i32
    %c0_i32_1 = arith.constant 0 : i32
    return %c0_i32, %c0_i32_0 : i32, i32
  }
  func.func @transform_7(%arg0: i32) -> (i32, i32) {
    %c0_i32 = arith.constant 0 : i32
    %c0_i32_0 = arith.constant 0 : i32
    return %arg0, %c0_i32 : i32, i32
  }
}

module attributes {stable_mosaic.version = 14 : i64} {
  func.func @_post0_body(%arg0: i32, %arg1: memref<2x1000x128xf32, #tpu.memory_space<vmem>>, %arg2: memref<1000x128xf32, #tpu.memory_space<vmem>>, %arg3: memref<32x128xf32, #tpu.memory_space<vmem>>, %arg4: memref<32x128xf32, #tpu.memory_space<vmem>>, %arg5: memref<128x128xf32, #tpu.memory_space<vmem>>, %arg6: memref<128x128xf32, #tpu.memory_space<vmem>>, %arg7: memref<1000x128xf32, #tpu.memory_space<vmem>>, %arg8: memref<3x1000x128xf32, #tpu.memory_space<vmem>>) attributes {dimension_semantics = [#tpu.dimension_semantics<arbitrary>], iteration_bounds = array<i64: 10>, scalar_prefetch = 0 : i64, scratch_operands = 0 : i64, tpu.core_type = #tpu.core_type<tc>, window_params = [{transform_indices = @transform_0, window_bounds = array<i64: 2, 1000, 128>}, {transform_indices = @transform_1, window_bounds = array<i64: 1000, 128>}, {pipeline_mode = #tpu.pipeline_mode<synchronous>, transform_indices = @transform_2, window_bounds = array<i64: 32, 128>}, {pipeline_mode = #tpu.pipeline_mode<synchronous>, transform_indices = @transform_3, window_bounds = array<i64: 32, 128>}, {pipeline_mode = #tpu.pipeline_mode<synchronous>, transform_indices = @transform_4, window_bounds = array<i64: 128, 128>}, {pipeline_mode = #tpu.pipeline_mode<synchronous>, transform_indices = @transform_5, window_bounds = array<i64: 128, 128>}, {transform_indices = @transform_6, window_bounds = array<i64: 1000, 128>}, {transform_indices = @transform_7, window_bounds = array<i64: 3, 1000, 128>}]} {
    %get3A = arith.constant 0 : index
    %get3A_0 = arith.constant 0 : index
    %get3A_1 = arith.constant 0 : index
    %get3A_2 = vector.load %arg1[%get3A, %get3A_0, %get3A_1] : memref<2x1000x128xf32, #tpu.memory_space<vmem>>, vector<1x1000x128xf32>
    %get3A_3 = vector.shape_cast %get3A_2 : vector<1x1000x128xf32> to vector<1000x128xf32>
    %get3A_4 = arith.constant 1 : index
    %get3A_5 = arith.constant 0 : index
    %get3A_6 = arith.constant 0 : index
    %get3A_7 = vector.load %arg1[%get3A_4, %get3A_5, %get3A_6] : memref<2x1000x128xf32, #tpu.memory_space<vmem>>, vector<1x1000x128xf32>
    %get3A_8 = vector.shape_cast %get3A_7 : vector<1x1000x128xf32> to vector<1000x128xf32>
    %add3A = arith.addf %get3A_3, %get3A_8 : vector<1000x128xf32>
    %slice3A = vector.extract_strided_slice %add3A {offsets = [0, 0], sizes = [1000, 32], strides = [1, 1]} : vector<1000x128xf32> to vector<1000x32xf32>
    %get3A_9 = arith.constant 0 : index
    %get3A_10 = arith.constant 0 : index
    %get3A_11 = vector.load %arg3[%get3A_9, %get3A_10] : memref<32x128xf32, #tpu.memory_space<vmem>>, vector<32x128xf32>
    %dot_general3A = arith.constant dense<0.000000e+00> : vector<1000x128xf32>
    %dot_general3A_12 = tpu.matmul %slice3A, %get3A_11, %dot_general3A {dimension_numbers = #tpu.dot_dimension_numbers<[1], [0], [0], [1], [0, 0, 1, 1], [], []>, transpose_lhs_hint = false} : vector<1000x32xf32>, vector<32x128xf32>, vector<1000x128xf32> -> vector<1000x128xf32>
    %neg3A = arith.constant 0.000000e+00 : f32
    %neg3A_13 = vector.broadcast %neg3A : f32 to vector<1000x128xf32>
    %neg3A_14 = arith.subf %neg3A_13, %dot_general3A_12 : vector<1000x128xf32>
    %exp3A = math.exp %neg3A_14 : vector<1000x128xf32>
    %add3A_15 = arith.constant 1.000000e+00 : f32
    %add3A_16 = vector.broadcast %add3A_15 : f32 to vector<1000x128xf32>
    %add3A_17 = arith.addf %add3A_16, %exp3A : vector<1000x128xf32>
    %div3A = arith.divf %dot_general3A_12, %add3A_17 : vector<1000x128xf32>
    %get3A_18 = arith.constant 0 : index
    %get3A_19 = arith.constant 0 : index
    %get3A_20 = vector.load %arg2[%get3A_18, %get3A_19] : memref<1000x128xf32, #tpu.memory_space<vmem>>, vector<1000x128xf32>
    %get3A_21 = arith.constant 0 : index
    %get3A_22 = arith.constant 0 : index
    %get3A_23 = vector.load %arg5[%get3A_21, %get3A_22] : memref<128x128xf32, #tpu.memory_space<vmem>>, vector<128x128xf32>
    %dot_general3A_24 = arith.constant dense<0.000000e+00> : vector<1000x128xf32>
    %dot_general3A_25 = tpu.matmul %div3A, %get3A_23, %dot_general3A_24 {dimension_numbers = #tpu.dot_dimension_numbers<[1], [0], [0], [1], [0, 0, 1, 1], [], []>, transpose_lhs_hint = false} : vector<1000x128xf32>, vector<128x128xf32>, vector<1000x128xf32> -> vector<1000x128xf32>
    %add3A_26 = arith.addf %get3A_20, %dot_general3A_25 : vector<1000x128xf32>
    %swap3A = arith.constant 0 : index
    %swap3A_27 = arith.constant 0 : index
    %swap3A_28 = vector.load %arg7[%swap3A, %swap3A_27] : memref<1000x128xf32, #tpu.memory_space<vmem>>, vector<1000x128xf32>
    tpu.vector_store %arg7[%swap3A, %swap3A_27], %add3A_26 {strides = array<i32>} : memref<1000x128xf32, #tpu.memory_space<vmem>>, vector<1000x128xf32>,
    %get3A_29 = arith.constant 0 : index
    %get3A_30 = arith.constant 0 : index
    %get3A_31 = vector.load %arg4[%get3A_29, %get3A_30] : memref<32x128xf32, #tpu.memory_space<vmem>>, vector<32x128xf32>
    %get3A_32 = arith.constant 0 : index
    %get3A_33 = arith.constant 0 : index
    %get3A_34 = vector.load %arg6[%get3A_32, %get3A_33] : memref<128x128xf32, #tpu.memory_space<vmem>>, vector<128x128xf32>
    %slice3A_35 = vector.extract_strided_slice %add3A {offsets = [0, 32], sizes = [1000, 32], strides = [1, 1]} : vector<1000x128xf32> to vector<1000x32xf32>
    %dot_general3A_36 = arith.constant dense<0.000000e+00> : vector<1000x128xf32>
    %dot_general3A_37 = tpu.matmul %slice3A_35, %get3A_31, %dot_general3A_36 {dimension_numbers = #tpu.dot_dimension_numbers<[1], [0], [0], [1], [0, 0, 1, 1], [], []>, transpose_lhs_hint = false} : vector<1000x32xf32>, vector<32x128xf32>, vector<1000x128xf32> -> vector<1000x128xf32>
    %dot_general3A_38 = arith.constant dense<0.000000e+00> : vector<1000x128xf32>
    %dot_general3A_39 = tpu.matmul %dot_general3A_37, %get3A_34, %dot_general3A_38 {dimension_numbers = #tpu.dot_dimension_numbers<[1], [0], [0], [1], [0, 0, 1, 1], [], []>, transpose_lhs_hint = false} : vector<1000x128xf32>, vector<128x128xf32>, vector<1000x128xf32> -> vector<1000x128xf32>
    %slice3A_40 = vector.extract_strided_slice %add3A {offsets = [0, 64], sizes = [1000, 32], strides = [1, 1]} : vector<1000x128xf32> to vector<1000x32xf32>
    %dot_general3A_41 = arith.constant dense<0.000000e+00> : vector<1000x128xf32>
    %dot_general3A_42 = tpu.matmul %slice3A_40, %get3A_31, %dot_general3A_41 {dimension_numbers = #tpu.dot_dimension_numbers<[1], [0], [0], [1], [0, 0, 1, 1], [], []>, transpose_lhs_hint = false} : vector<1000x32xf32>, vector<32x128xf32>, vector<1000x128xf32> -> vector<1000x128xf32>
    %dot_general3A_43 = arith.constant dense<0.000000e+00> : vector<1000x128xf32>
    %dot_general3A_44 = tpu.matmul %dot_general3A_42, %get3A_34, %dot_general3A_43 {dimension_numbers = #tpu.dot_dimension_numbers<[1], [0], [0], [1], [0, 0, 1, 1], [], []>, transpose_lhs_hint = false} : vector<1000x128xf32>, vector<128x128xf32>, vector<1000x128xf32> -> vector<1000x128xf32>
    %slice3A_45 = vector.extract_strided_slice %add3A {offsets = [0, 96], sizes = [1000, 32], strides = [1, 1]} : vector<1000x128xf32> to vector<1000x32xf32>
    %dot_general3A_46 = arith.constant dense<0.000000e+00> : vector<1000x128xf32>
    %dot_general3A_47 = tpu.matmul %slice3A_45, %get3A_31, %dot_general3A_46 {dimension_numbers = #tpu.dot_dimension_numbers<[1], [0], [0], [1], [0, 0, 1, 1], [], []>, transpose_lhs_hint = false} : vector<1000x32xf32>, vector<32x128xf32>, vector<1000x128xf32> -> vector<1000x128xf32>
    %dot_general3A_48 = arith.constant dense<0.000000e+00> : vector<1000x128xf32>
    %dot_general3A_49 = tpu.matmul %dot_general3A_47, %get3A_34, %dot_general3A_48 {dimension_numbers = #tpu.dot_dimension_numbers<[1], [0], [0], [1], [0, 0, 1, 1], [], []>, transpose_lhs_hint = false} : vector<1000x128xf32>, vector<128x128xf32>, vector<1000x128xf32> -> vector<1000x128xf32>
    %stack3A = vector.shape_cast %dot_general3A_39 : vector<1000x128xf32> to vector<1x1000x128xf32>
    %stack3A_50 = vector.shape_cast %dot_general3A_44 : vector<1000x128xf32> to vector<1x1000x128xf32>
    %stack3A_51 = vector.shape_cast %dot_general3A_49 : vector<1000x128xf32> to vector<1x1000x128xf32>
    %stack3A_52 = tpu.concatenate %stack3A, %stack3A_50, %stack3A_51 in 0 : vector<1x1000x128xf32>, vector<1x1000x128xf32>, vector<1x1000x128xf32> -> vector<3x1000x128xf32>
    %swap3A_53 = arith.constant 0 : index
    %swap3A_54 = arith.constant 0 : index
    %swap3A_55 = arith.constant 0 : index
    %swap3A_56 = vector.load %arg8[%swap3A_53, %swap3A_54, %swap3A_55] : memref<3x1000x128xf32, #tpu.memory_space<vmem>>, vector<3x1000x128xf32>
    tpu.vector_store %arg8[%swap3A_53, %swap3A_54, %swap3A_55], %stack3A_52 {strides = array<i32>} : memref<3x1000x128xf32, #tpu.memory_space<vmem>>, vector<3x1000x128xf32>,
    return
  }
  func.func @transform_0(%arg0: i32) -> (i32, i32, i32) {
    %c0_i32 = arith.constant 0 : i32
    %c0_i32_0 = arith.constant 0 : i32
    %c0_i32_1 = arith.constant 0 : i32
    return %c0_i32, %arg0, %c0_i32_0 : i32, i32, i32
  }
  func.func @transform_1(%arg0: i32) -> (i32, i32) {
    %c0_i32 = arith.constant 0 : i32
    %c0_i32_0 = arith.constant 0 : i32
    return %arg0, %c0_i32 : i32, i32
  }
  func.func @transform_2(%arg0: i32) -> (i32, i32) {
    %c0_i32 = arith.constant 0 : i32
    %c0_i32_0 = arith.constant 0 : i32
    %c0_i32_1 = arith.constant 0 : i32
    return %c0_i32, %c0_i32_0 : i32, i32
  }
  func.func @transform_3(%arg0: i32) -> (i32, i32) {
    %c0_i32 = arith.constant 0 : i32
    %c0_i32_0 = arith.constant 0 : i32
    %c0_i32_1 = arith.constant 0 : i32
    return %c0_i32, %c0_i32_0 : i32, i32
  }
  func.func @transform_4(%arg0: i32) -> (i32, i32) {
    %c0_i32 = arith.constant 0 : i32
    %c0_i32_0 = arith.constant 0 : i32
    %c0_i32_1 = arith.constant 0 : i32
    return %c0_i32, %c0_i32_0 : i32, i32
  }
  func.func @transform_5(%arg0: i32) -> (i32, i32) {
    %c0_i32 = arith.constant 0 : i32
    %c0_i32_0 = arith.constant 0 : i32
    %c0_i32_1 = arith.constant 0 : i32
    return %c0_i32, %c0_i32_0 : i32, i32
  }
  func.func @transform_6(%arg0: i32) -> (i32, i32) {
    %c0_i32 = arith.constant 0 : i32
    %c0_i32_0 = arith.constant 0 : i32
    return %arg0, %c0_i32 : i32, i32
  }
  func.func @transform_7(%arg0: i32) -> (i32, i32, i32) {
    %c0_i32 = arith.constant 0 : i32
    %c0_i32_0 = arith.constant 0 : i32
    %c0_i32_1 = arith.constant 0 : i32
    return %c0_i32, %arg0, %c0_i32_0 : i32, i32, i32
  }
}

module attributes {stable_mosaic.version = 14 : i64} {
  func.func @_pre1_body(%arg0: i32, %arg1: memref<1000x128xf32, #tpu.memory_space<vmem>>, %arg2: memref<3x1000x128xf32, #tpu.memory_space<vmem>>, %arg3: memref<128x32xf32, #tpu.memory_space<vmem>>, %arg4: memref<128x32xf32, #tpu.memory_space<vmem>>, %arg5: memref<1000x128xf32, #tpu.memory_space<vmem>>) attributes {dimension_semantics = [#tpu.dimension_semantics<arbitrary>], iteration_bounds = array<i64: 10>, scalar_prefetch = 0 : i64, scratch_operands = 0 : i64, tpu.core_type = #tpu.core_type<tc>, window_params = [{transform_indices = @transform_0, window_bounds = array<i64: 1000, 128>}, {transform_indices = @transform_1, window_bounds = array<i64: 3, 1000, 128>}, {pipeline_mode = #tpu.pipeline_mode<synchronous>, transform_indices = @transform_2, window_bounds = array<i64: 128, 32>}, {pipeline_mode = #tpu.pipeline_mode<synchronous>, transform_indices = @transform_3, window_bounds = array<i64: 128, 32>}, {transform_indices = @transform_4, window_bounds = array<i64: 1000, 128>}]} {
    %get3A = arith.constant 0 : index
    %get3A_0 = arith.constant 0 : index
    %get3A_1 = vector.load %arg1[%get3A, %get3A_0] : memref<1000x128xf32, #tpu.memory_space<vmem>>, vector<1000x128xf32>
    %get3A_2 = arith.constant 0 : index
    %get3A_3 = arith.constant 0 : index
    %get3A_4 = vector.load %arg3[%get3A_2, %get3A_3] : memref<128x32xf32, #tpu.memory_space<vmem>>, vector<128x32xf32>
    %dot_general3A = arith.constant dense<0.000000e+00> : vector<1000x32xf32>
    %dot_general3A_5 = tpu.matmul %get3A_1, %get3A_4, %dot_general3A {dimension_numbers = #tpu.dot_dimension_numbers<[1], [0], [0], [1], [0, 0, 1, 1], [], []>, transpose_lhs_hint = false} : vector<1000x128xf32>, vector<128x32xf32>, vector<1000x32xf32> -> vector<1000x32xf32>
    %get3A_6 = arith.constant 0 : index
    %get3A_7 = arith.constant 0 : index
    %get3A_8 = vector.load %arg4[%get3A_6, %get3A_7] : memref<128x32xf32, #tpu.memory_space<vmem>>, vector<128x32xf32>
    %get3A_9 = arith.constant 0 : index
    %get3A_10 = arith.constant 0 : index
    %get3A_11 = arith.constant 0 : index
    %get3A_12 = vector.load %arg2[%get3A_9, %get3A_10, %get3A_11] : memref<3x1000x128xf32, #tpu.memory_space<vmem>>, vector<1x1000x128xf32>
    %get3A_13 = vector.shape_cast %get3A_12 : vector<1x1000x128xf32> to vector<1000x128xf32>
    %dot_general3A_14 = arith.constant dense<0.000000e+00> : vector<1000x32xf32>
    %dot_general3A_15 = tpu.matmul %get3A_13, %get3A_8, %dot_general3A_14 {dimension_numbers = #tpu.dot_dimension_numbers<[1], [0], [0], [1], [0, 0, 1, 1], [], []>, transpose_lhs_hint = false} : vector<1000x128xf32>, vector<128x32xf32>, vector<1000x32xf32> -> vector<1000x32xf32>
    %get3A_16 = arith.constant 1 : index
    %get3A_17 = arith.constant 0 : index
    %get3A_18 = arith.constant 0 : index
    %get3A_19 = vector.load %arg2[%get3A_16, %get3A_17, %get3A_18] : memref<3x1000x128xf32, #tpu.memory_space<vmem>>, vector<1x1000x128xf32>
    %get3A_20 = vector.shape_cast %get3A_19 : vector<1x1000x128xf32> to vector<1000x128xf32>
    %dot_general3A_21 = arith.constant dense<0.000000e+00> : vector<1000x32xf32>
    %dot_general3A_22 = tpu.matmul %get3A_20, %get3A_8, %dot_general3A_21 {dimension_numbers = #tpu.dot_dimension_numbers<[1], [0], [0], [1], [0, 0, 1, 1], [], []>, transpose_lhs_hint = false} : vector<1000x128xf32>, vector<128x32xf32>, vector<1000x32xf32> -> vector<1000x32xf32>
    %get3A_23 = arith.constant 2 : index
    %get3A_24 = arith.constant 0 : index
    %get3A_25 = arith.constant 0 : index
    %get3A_26 = vector.load %arg2[%get3A_23, %get3A_24, %get3A_25] : memref<3x1000x128xf32, #tpu.memory_space<vmem>>, vector<1x1000x128xf32>
    %get3A_27 = vector.shape_cast %get3A_26 : vector<1x1000x128xf32> to vector<1000x128xf32>
    %dot_general3A_28 = arith.constant dense<0.000000e+00> : vector<1000x32xf32>
    %dot_general3A_29 = tpu.matmul %get3A_27, %get3A_8, %dot_general3A_28 {dimension_numbers = #tpu.dot_dimension_numbers<[1], [0], [0], [1], [0, 0, 1, 1], [], []>, transpose_lhs_hint = false} : vector<1000x128xf32>, vector<128x32xf32>, vector<1000x32xf32> -> vector<1000x32xf32>
    %concatenate3A = tpu.concatenate %dot_general3A_5, %dot_general3A_15, %dot_general3A_22, %dot_general3A_29 in 1 : vector<1000x32xf32>, vector<1000x32xf32>, vector<1000x32xf32>, vector<1000x32xf32> -> vector<1000x128xf32>
    %swap3A = arith.constant 0 : index
    %swap3A_30 = arith.constant 0 : index
    %swap3A_31 = vector.load %arg5[%swap3A, %swap3A_30] : memref<1000x128xf32, #tpu.memory_space<vmem>>, vector<1000x128xf32>
    tpu.vector_store %arg5[%swap3A, %swap3A_30], %concatenate3A {strides = array<i32>} : memref<1000x128xf32, #tpu.memory_space<vmem>>, vector<1000x128xf32>,
    return
  }
  func.func @transform_0(%arg0: i32) -> (i32, i32) {
    %c0_i32 = arith.constant 0 : i32
    %c0_i32_0 = arith.constant 0 : i32
    return %arg0, %c0_i32 : i32, i32
  }
  func.func @transform_1(%arg0: i32) -> (i32, i32, i32) {
    %c0_i32 = arith.constant 0 : i32
    %c0_i32_0 = arith.constant 0 : i32
    %c0_i32_1 = arith.constant 0 : i32
    return %c0_i32, %arg0, %c0_i32_0 : i32, i32, i32
  }
  func.func @transform_2(%arg0: i32) -> (i32, i32) {
    %c0_i32 = arith.constant 0 : i32
    %c0_i32_0 = arith.constant 0 : i32
    %c0_i32_1 = arith.constant 0 : i32
    return %c0_i32, %c0_i32_0 : i32, i32
  }
  func.func @transform_3(%arg0: i32) -> (i32, i32) {
    %c0_i32 = arith.constant 0 : i32
    %c0_i32_0 = arith.constant 0 : i32
    %c0_i32_1 = arith.constant 0 : i32
    return %c0_i32, %c0_i32_0 : i32, i32
  }
  func.func @transform_4(%arg0: i32) -> (i32, i32) {
    %c0_i32 = arith.constant 0 : i32
    %c0_i32_0 = arith.constant 0 : i32
    return %arg0, %c0_i32 : i32, i32
  }
}

module attributes {stable_mosaic.version = 14 : i64} {
  func.func @_msg1_body(%arg0: i32, %arg1: memref<2000x128xf32, #tpu.memory_space<vmem>>, %arg2: memref<2000x8xf32, #tpu.memory_space<vmem>>, %arg3: memref<2000x32xf32, #tpu.memory_space<vmem>>, %arg4: memref<32x32xf32, #tpu.memory_space<vmem>>, %arg5: memref<1x32xf32, #tpu.memory_space<vmem>>, %arg6: memref<32x128xf32, #tpu.memory_space<vmem>>, %arg7: memref<1x128xf32, #tpu.memory_space<vmem>>, %arg8: memref<2000x128xf32, #tpu.memory_space<vmem>>, %arg9: memref<2000x128xf32, #tpu.memory_space<vmem>>) attributes {dimension_semantics = [#tpu.dimension_semantics<arbitrary>], iteration_bounds = array<i64: 160>, scalar_prefetch = 0 : i64, scratch_operands = 0 : i64, tpu.core_type = #tpu.core_type<tc>, window_params = [{transform_indices = @transform_0, window_bounds = array<i64: 2000, 128>}, {transform_indices = @transform_1, window_bounds = array<i64: 2000, 8>}, {transform_indices = @transform_2, window_bounds = array<i64: 2000, 32>}, {pipeline_mode = #tpu.pipeline_mode<synchronous>, transform_indices = @transform_3, window_bounds = array<i64: 32, 32>}, {pipeline_mode = #tpu.pipeline_mode<synchronous>, transform_indices = @transform_4, window_bounds = array<i64: 1, 32>}, {pipeline_mode = #tpu.pipeline_mode<synchronous>, transform_indices = @transform_5, window_bounds = array<i64: 32, 128>}, {pipeline_mode = #tpu.pipeline_mode<synchronous>, transform_indices = @transform_6, window_bounds = array<i64: 1, 128>}, {transform_indices = @transform_7, window_bounds = array<i64: 2000, 128>}, {transform_indices = @transform_8, window_bounds = array<i64: 2000, 128>}]} {
    %get3A = arith.constant 0 : index
    %get3A_0 = arith.constant 0 : index
    %get3A_1 = vector.load %arg2[%get3A, %get3A_0] : memref<2000x8xf32, #tpu.memory_space<vmem>>, vector<2000x8xf32>
    %get3A_2 = arith.constant 0 : index
    %get3A_3 = arith.constant 0 : index
    %get3A_4 = vector.load %arg3[%get3A_2, %get3A_3] : memref<2000x32xf32, #tpu.memory_space<vmem>>, vector<2000x32xf32>
    %get3A_5 = arith.constant 0 : index
    %get3A_6 = arith.constant 0 : index
    %get3A_7 = vector.load %arg4[%get3A_5, %get3A_6] : memref<32x32xf32, #tpu.memory_space<vmem>>, vector<32x32xf32>
    %get3A_8 = arith.constant 0 : index
    %get3A_9 = arith.constant 0 : index
    %get3A_10 = vector.load %arg5[%get3A_8, %get3A_9] : memref<1x32xf32, #tpu.memory_space<vmem>>, vector<1x32xf32>
    %get3A_11 = arith.constant 0 : index
    %get3A_12 = arith.constant 0 : index
    %get3A_13 = vector.load %arg6[%get3A_11, %get3A_12] : memref<32x128xf32, #tpu.memory_space<vmem>>, vector<32x128xf32>
    %get3A_14 = arith.constant 0 : index
    %get3A_15 = arith.constant 0 : index
    %get3A_16 = vector.load %arg7[%get3A_14, %get3A_15] : memref<1x128xf32, #tpu.memory_space<vmem>>, vector<1x128xf32>
    %slice3A = vector.extract_strided_slice %get3A_1 {offsets = [0, 1], sizes = [2000, 1], strides = [1, 1]} : vector<2000x8xf32> to vector<2000x1xf32>
    %dot_general3A = arith.constant dense<0.000000e+00> : vector<2000x32xf32>
    %dot_general3A_17 = tpu.matmul %get3A_4, %get3A_7, %dot_general3A {dimension_numbers = #tpu.dot_dimension_numbers<[1], [0], [0], [1], [0, 0, 1, 1], [], []>, transpose_lhs_hint = false} : vector<2000x32xf32>, vector<32x32xf32>, vector<2000x32xf32> -> vector<2000x32xf32>
    %add3A = vector.broadcast %get3A_10 : vector<1x32xf32> to vector<2000x32xf32>
    %add3A_18 = arith.addf %dot_general3A_17, %add3A : vector<2000x32xf32>
    %neg3A = arith.constant 0.000000e+00 : f32
    %neg3A_19 = vector.broadcast %neg3A : f32 to vector<2000x32xf32>
    %neg3A_20 = arith.subf %neg3A_19, %add3A_18 : vector<2000x32xf32>
    %exp3A = math.exp %neg3A_20 : vector<2000x32xf32>
    %add3A_21 = arith.constant 1.000000e+00 : f32
    %add3A_22 = vector.broadcast %add3A_21 : f32 to vector<2000x32xf32>
    %add3A_23 = arith.addf %add3A_22, %exp3A : vector<2000x32xf32>
    %div3A = arith.divf %add3A_18, %add3A_23 : vector<2000x32xf32>
    %dot_general3A_24 = arith.constant dense<0.000000e+00> : vector<2000x128xf32>
    %dot_general3A_25 = tpu.matmul %div3A, %get3A_13, %dot_general3A_24 {dimension_numbers = #tpu.dot_dimension_numbers<[1], [0], [0], [1], [0, 0, 1, 1], [], []>, transpose_lhs_hint = false} : vector<2000x32xf32>, vector<32x128xf32>, vector<2000x128xf32> -> vector<2000x128xf32>
    %add3A_26 = vector.broadcast %get3A_16 : vector<1x128xf32> to vector<2000x128xf32>
    %add3A_27 = arith.addf %dot_general3A_25, %add3A_26 : vector<2000x128xf32>
    %mul3A = vector.broadcast %slice3A : vector<2000x1xf32> to vector<2000x128xf32>
    %mul3A_28 = arith.mulf %add3A_27, %mul3A : vector<2000x128xf32>
    %get3A_29 = arith.constant 0 : index
    %get3A_30 = arith.constant 0 : index
    %get3A_31 = vector.load %arg1[%get3A_29, %get3A_30] : memref<2000x128xf32, #tpu.memory_space<vmem>>, vector<2000x128xf32>
    %slice3A_32 = vector.extract_strided_slice %get3A_31 {offsets = [0, 0], sizes = [2000, 32], strides = [1, 1]} : vector<2000x128xf32> to vector<2000x32xf32>
    %slice3A_33 = vector.extract_strided_slice %get3A_31 {offsets = [0, 32], sizes = [2000, 32], strides = [1, 1]} : vector<2000x128xf32> to vector<2000x32xf32>
    %slice3A_34 = vector.extract_strided_slice %get3A_31 {offsets = [0, 64], sizes = [2000, 32], strides = [1, 1]} : vector<2000x128xf32> to vector<2000x32xf32>
    %slice3A_35 = vector.extract_strided_slice %get3A_31 {offsets = [0, 96], sizes = [2000, 32], strides = [1, 1]} : vector<2000x128xf32> to vector<2000x32xf32>
    %slice3A_36 = vector.extract_strided_slice %mul3A_28 {offsets = [0, 0], sizes = [2000, 32], strides = [1, 1]} : vector<2000x128xf32> to vector<2000x32xf32>
    %slice3A_37 = vector.extract_strided_slice %mul3A_28 {offsets = [0, 32], sizes = [2000, 32], strides = [1, 1]} : vector<2000x128xf32> to vector<2000x32xf32>
    %slice3A_38 = vector.extract_strided_slice %mul3A_28 {offsets = [0, 64], sizes = [2000, 32], strides = [1, 1]} : vector<2000x128xf32> to vector<2000x32xf32>
    %slice3A_39 = vector.extract_strided_slice %mul3A_28 {offsets = [0, 96], sizes = [2000, 32], strides = [1, 1]} : vector<2000x128xf32> to vector<2000x32xf32>
    %slice3A_40 = vector.extract_strided_slice %get3A_1 {offsets = [0, 2], sizes = [2000, 1], strides = [1, 1]} : vector<2000x8xf32> to vector<2000x1xf32>
    %slice3A_41 = vector.extract_strided_slice %get3A_1 {offsets = [0, 3], sizes = [2000, 1], strides = [1, 1]} : vector<2000x8xf32> to vector<2000x1xf32>
    %slice3A_42 = vector.extract_strided_slice %get3A_1 {offsets = [0, 4], sizes = [2000, 1], strides = [1, 1]} : vector<2000x8xf32> to vector<2000x1xf32>
    %mul3A_43 = vector.broadcast %slice3A_40 : vector<2000x1xf32> to vector<2000x32xf32>
    %mul3A_44 = arith.mulf %slice3A_33, %mul3A_43 : vector<2000x32xf32>
    %mul3A_45 = vector.broadcast %slice3A_41 : vector<2000x1xf32> to vector<2000x32xf32>
    %mul3A_46 = arith.mulf %slice3A_34, %mul3A_45 : vector<2000x32xf32>
    %add3A_47 = arith.addf %mul3A_44, %mul3A_46 : vector<2000x32xf32>
    %mul3A_48 = vector.broadcast %slice3A_42 : vector<2000x1xf32> to vector<2000x32xf32>
    %mul3A_49 = arith.mulf %slice3A_35, %mul3A_48 : vector<2000x32xf32>
    %add3A_50 = arith.addf %add3A_47, %mul3A_49 : vector<2000x32xf32>
    %mul3A_51 = arith.constant 0.577350259 : f32
    %mul3A_52 = vector.broadcast %mul3A_51 : f32 to vector<2000x32xf32>
    %mul3A_53 = arith.mulf %add3A_50, %mul3A_52 : vector<2000x32xf32>
    %mul3A_54 = arith.mulf %slice3A_32, %slice3A_38 : vector<2000x32xf32>
    %mul3A_55 = arith.mulf %slice3A_32, %slice3A_36 : vector<2000x32xf32>
    %mul3A_56 = arith.mulf %mul3A_53, %slice3A_37 : vector<2000x32xf32>
    %mul3A_57 = vector.broadcast %slice3A_40 : vector<2000x1xf32> to vector<2000x32xf32>
    %mul3A_58 = arith.mulf %mul3A_54, %mul3A_57 : vector<2000x32xf32>
    %mul3A_59 = arith.mulf %slice3A_33, %slice3A_39 : vector<2000x32xf32>
    %concatenate3A = tpu.concatenate %mul3A_55, %mul3A_56, %mul3A_58, %mul3A_59 in 1 : vector<2000x32xf32>, vector<2000x32xf32>, vector<2000x32xf32>, vector<2000x32xf32> -> vector<2000x128xf32>
    %swap3A = arith.constant 0 : index
    %swap3A_60 = arith.constant 0 : index
    %swap3A_61 = vector.load %arg8[%swap3A, %swap3A_60] : memref<2000x128xf32, #tpu.memory_space<vmem>>, vector<2000x128xf32>
    tpu.vector_store %arg8[%swap3A, %swap3A_60], %concatenate3A {strides = array<i32>} : memref<2000x128xf32, #tpu.memory_space<vmem>>, vector<2000x128xf32>,
    %mul3A_62 = vector.broadcast %slice3A_41 : vector<2000x1xf32> to vector<2000x32xf32>
    %mul3A_63 = arith.mulf %mul3A_54, %mul3A_62 : vector<2000x32xf32>
    %mul3A_64 = arith.mulf %slice3A_34, %slice3A_39 : vector<2000x32xf32>
    %mul3A_65 = vector.broadcast %slice3A_42 : vector<2000x1xf32> to vector<2000x32xf32>
    %mul3A_66 = arith.mulf %mul3A_54, %mul3A_65 : vector<2000x32xf32>
    %mul3A_67 = arith.mulf %slice3A_35, %slice3A_39 : vector<2000x32xf32>
    %concatenate3A_68 = tpu.concatenate %mul3A_63, %mul3A_64, %mul3A_66, %mul3A_67 in 1 : vector<2000x32xf32>, vector<2000x32xf32>, vector<2000x32xf32>, vector<2000x32xf32> -> vector<2000x128xf32>
    %swap3A_69 = arith.constant 0 : index
    %swap3A_70 = arith.constant 0 : index
    %swap3A_71 = vector.load %arg9[%swap3A_69, %swap3A_70] : memref<2000x128xf32, #tpu.memory_space<vmem>>, vector<2000x128xf32>
    tpu.vector_store %arg9[%swap3A_69, %swap3A_70], %concatenate3A_68 {strides = array<i32>} : memref<2000x128xf32, #tpu.memory_space<vmem>>, vector<2000x128xf32>,
    return
  }
  func.func @transform_0(%arg0: i32) -> (i32, i32) {
    %c0_i32 = arith.constant 0 : i32
    %c0_i32_0 = arith.constant 0 : i32
    return %arg0, %c0_i32 : i32, i32
  }
  func.func @transform_1(%arg0: i32) -> (i32, i32) {
    %c0_i32 = arith.constant 0 : i32
    %c0_i32_0 = arith.constant 0 : i32
    return %arg0, %c0_i32 : i32, i32
  }
  func.func @transform_2(%arg0: i32) -> (i32, i32) {
    %c0_i32 = arith.constant 0 : i32
    %c0_i32_0 = arith.constant 0 : i32
    return %arg0, %c0_i32 : i32, i32
  }
  func.func @transform_3(%arg0: i32) -> (i32, i32) {
    %c0_i32 = arith.constant 0 : i32
    %c0_i32_0 = arith.constant 0 : i32
    %c0_i32_1 = arith.constant 0 : i32
    return %c0_i32, %c0_i32_0 : i32, i32
  }
  func.func @transform_4(%arg0: i32) -> (i32, i32) {
    %c0_i32 = arith.constant 0 : i32
    %c0_i32_0 = arith.constant 0 : i32
    %c0_i32_1 = arith.constant 0 : i32
    return %c0_i32, %c0_i32_0 : i32, i32
  }
  func.func @transform_5(%arg0: i32) -> (i32, i32) {
    %c0_i32 = arith.constant 0 : i32
    %c0_i32_0 = arith.constant 0 : i32
    %c0_i32_1 = arith.constant 0 : i32
    return %c0_i32, %c0_i32_0 : i32, i32
  }
  func.func @transform_6(%arg0: i32) -> (i32, i32) {
    %c0_i32 = arith.constant 0 : i32
    %c0_i32_0 = arith.constant 0 : i32
    %c0_i32_1 = arith.constant 0 : i32
    return %c0_i32, %c0_i32_0 : i32, i32
  }
  func.func @transform_7(%arg0: i32) -> (i32, i32) {
    %c0_i32 = arith.constant 0 : i32
    %c0_i32_0 = arith.constant 0 : i32
    return %arg0, %c0_i32 : i32, i32
  }
  func.func @transform_8(%arg0: i32) -> (i32, i32) {
    %c0_i32 = arith.constant 0 : i32
    %c0_i32_0 = arith.constant 0 : i32
    return %arg0, %c0_i32 : i32, i32
  }
}

module attributes {stable_mosaic.version = 14 : i64} {
  func.func @_post1_body(%arg0: i32, %arg1: memref<2x1000x128xf32, #tpu.memory_space<vmem>>, %arg2: memref<2x1000x128xf32, #tpu.memory_space<vmem>>, %arg3: memref<1000x128xf32, #tpu.memory_space<vmem>>, %arg4: memref<3x1000x128xf32, #tpu.memory_space<vmem>>, %arg5: memref<64x128xf32, #tpu.memory_space<vmem>>, %arg6: memref<64x128xf32, #tpu.memory_space<vmem>>, %arg7: memref<128x128xf32, #tpu.memory_space<vmem>>, %arg8: memref<128x128xf32, #tpu.memory_space<vmem>>, %arg9: memref<1000x128xf32, #tpu.memory_space<vmem>>, %arg10: memref<3x1000x128xf32, #tpu.memory_space<vmem>>) attributes {dimension_semantics = [#tpu.dimension_semantics<arbitrary>], iteration_bounds = array<i64: 10>, scalar_prefetch = 0 : i64, scratch_operands = 0 : i64, tpu.core_type = #tpu.core_type<tc>, window_params = [{transform_indices = @transform_0, window_bounds = array<i64: 2, 1000, 128>}, {transform_indices = @transform_1, window_bounds = array<i64: 2, 1000, 128>}, {transform_indices = @transform_2, window_bounds = array<i64: 1000, 128>}, {transform_indices = @transform_3, window_bounds = array<i64: 3, 1000, 128>}, {pipeline_mode = #tpu.pipeline_mode<synchronous>, transform_indices = @transform_4, window_bounds = array<i64: 64, 128>}, {pipeline_mode = #tpu.pipeline_mode<synchronous>, transform_indices = @transform_5, window_bounds = array<i64: 64, 128>}, {pipeline_mode = #tpu.pipeline_mode<synchronous>, transform_indices = @transform_6, window_bounds = array<i64: 128, 128>}, {pipeline_mode = #tpu.pipeline_mode<synchronous>, transform_indices = @transform_7, window_bounds = array<i64: 128, 128>}, {transform_indices = @transform_8, window_bounds = array<i64: 1000, 128>}, {transform_indices = @transform_9, window_bounds = array<i64: 3, 1000, 128>}]} {
    %get3A = arith.constant 0 : index
    %get3A_0 = arith.constant 0 : index
    %get3A_1 = arith.constant 0 : index
    %get3A_2 = vector.load %arg1[%get3A, %get3A_0, %get3A_1] : memref<2x1000x128xf32, #tpu.memory_space<vmem>>, vector<1x1000x128xf32>
    %get3A_3 = vector.shape_cast %get3A_2 : vector<1x1000x128xf32> to vector<1000x128xf32>
    %get3A_4 = arith.constant 1 : index
    %get3A_5 = arith.constant 0 : index
    %get3A_6 = arith.constant 0 : index
    %get3A_7 = vector.load %arg1[%get3A_4, %get3A_5, %get3A_6] : memref<2x1000x128xf32, #tpu.memory_space<vmem>>, vector<1x1000x128xf32>
    %get3A_8 = vector.shape_cast %get3A_7 : vector<1x1000x128xf32> to vector<1000x128xf32>
    %add3A = arith.addf %get3A_3, %get3A_8 : vector<1000x128xf32>
    %get3A_9 = arith.constant 0 : index
    %get3A_10 = arith.constant 0 : index
    %get3A_11 = arith.constant 0 : index
    %get3A_12 = vector.load %arg2[%get3A_9, %get3A_10, %get3A_11] : memref<2x1000x128xf32, #tpu.memory_space<vmem>>, vector<1x1000x128xf32>
    %get3A_13 = vector.shape_cast %get3A_12 : vector<1x1000x128xf32> to vector<1000x128xf32>
    %get3A_14 = arith.constant 1 : index
    %get3A_15 = arith.constant 0 : index
    %get3A_16 = arith.constant 0 : index
    %get3A_17 = vector.load %arg2[%get3A_14, %get3A_15, %get3A_16] : memref<2x1000x128xf32, #tpu.memory_space<vmem>>, vector<1x1000x128xf32>
    %get3A_18 = vector.shape_cast %get3A_17 : vector<1x1000x128xf32> to vector<1000x128xf32>
    %add3A_19 = arith.addf %get3A_13, %get3A_18 : vector<1000x128xf32>
    %slice3A = vector.extract_strided_slice %add3A {offsets = [0, 0], sizes = [1000, 64], strides = [1, 1]} : vector<1000x128xf32> to vector<1000x64xf32>
    %get3A_20 = arith.constant 0 : index
    %get3A_21 = arith.constant 0 : index
    %get3A_22 = vector.load %arg5[%get3A_20, %get3A_21] : memref<64x128xf32, #tpu.memory_space<vmem>>, vector<64x128xf32>
    %dot_general3A = arith.constant dense<0.000000e+00> : vector<1000x128xf32>
    %dot_general3A_23 = tpu.matmul %slice3A, %get3A_22, %dot_general3A {dimension_numbers = #tpu.dot_dimension_numbers<[1], [0], [0], [1], [0, 0, 1, 1], [], []>, transpose_lhs_hint = false} : vector<1000x64xf32>, vector<64x128xf32>, vector<1000x128xf32> -> vector<1000x128xf32>
    %neg3A = arith.constant 0.000000e+00 : f32
    %neg3A_24 = vector.broadcast %neg3A : f32 to vector<1000x128xf32>
    %neg3A_25 = arith.subf %neg3A_24, %dot_general3A_23 : vector<1000x128xf32>
    %exp3A = math.exp %neg3A_25 : vector<1000x128xf32>
    %add3A_26 = arith.constant 1.000000e+00 : f32
    %add3A_27 = vector.broadcast %add3A_26 : f32 to vector<1000x128xf32>
    %add3A_28 = arith.addf %add3A_27, %exp3A : vector<1000x128xf32>
    %div3A = arith.divf %dot_general3A_23, %add3A_28 : vector<1000x128xf32>
    %get3A_29 = arith.constant 0 : index
    %get3A_30 = arith.constant 0 : index
    %get3A_31 = vector.load %arg3[%get3A_29, %get3A_30] : memref<1000x128xf32, #tpu.memory_space<vmem>>, vector<1000x128xf32>
    %get3A_32 = arith.constant 0 : index
    %get3A_33 = arith.constant 0 : index
    %get3A_34 = vector.load %arg7[%get3A_32, %get3A_33] : memref<128x128xf32, #tpu.memory_space<vmem>>, vector<128x128xf32>
    %dot_general3A_35 = arith.constant dense<0.000000e+00> : vector<1000x128xf32>
    %dot_general3A_36 = tpu.matmul %div3A, %get3A_34, %dot_general3A_35 {dimension_numbers = #tpu.dot_dimension_numbers<[1], [0], [0], [1], [0, 0, 1, 1], [], []>, transpose_lhs_hint = false} : vector<1000x128xf32>, vector<128x128xf32>, vector<1000x128xf32> -> vector<1000x128xf32>
    %add3A_37 = arith.addf %get3A_31, %dot_general3A_36 : vector<1000x128xf32>
    %swap3A = arith.constant 0 : index
    %swap3A_38 = arith.constant 0 : index
    %swap3A_39 = vector.load %arg9[%swap3A, %swap3A_38] : memref<1000x128xf32, #tpu.memory_space<vmem>>, vector<1000x128xf32>
    tpu.vector_store %arg9[%swap3A, %swap3A_38], %add3A_37 {strides = array<i32>} : memref<1000x128xf32, #tpu.memory_space<vmem>>, vector<1000x128xf32>,
    %get3A_40 = arith.constant 0 : index
    %get3A_41 = arith.constant 0 : index
    %get3A_42 = vector.load %arg6[%get3A_40, %get3A_41] : memref<64x128xf32, #tpu.memory_space<vmem>>, vector<64x128xf32>
    %get3A_43 = arith.constant 0 : index
    %get3A_44 = arith.constant 0 : index
    %get3A_45 = vector.load %arg8[%get3A_43, %get3A_44] : memref<128x128xf32, #tpu.memory_space<vmem>>, vector<128x128xf32>
    %slice3A_46 = vector.extract_strided_slice %add3A {offsets = [0, 64], sizes = [1000, 64], strides = [1, 1]} : vector<1000x128xf32> to vector<1000x64xf32>
    %slice3A_47 = vector.extract_strided_slice %add3A_19 {offsets = [0, 0], sizes = [1000, 64], strides = [1, 1]} : vector<1000x128xf32> to vector<1000x64xf32>
    %slice3A_48 = vector.extract_strided_slice %add3A_19 {offsets = [0, 64], sizes = [1000, 64], strides = [1, 1]} : vector<1000x128xf32> to vector<1000x64xf32>
    %dot_general3A_49 = arith.constant dense<0.000000e+00> : vector<1000x128xf32>
    %dot_general3A_50 = tpu.matmul %slice3A_46, %get3A_42, %dot_general3A_49 {dimension_numbers = #tpu.dot_dimension_numbers<[1], [0], [0], [1], [0, 0, 1, 1], [], []>, transpose_lhs_hint = false} : vector<1000x64xf32>, vector<64x128xf32>, vector<1000x128xf32> -> vector<1000x128xf32>
    %get3A_51 = arith.constant 0 : index
    %get3A_52 = arith.constant 0 : index
    %get3A_53 = arith.constant 0 : index
    %get3A_54 = vector.load %arg4[%get3A_51, %get3A_52, %get3A_53] : memref<3x1000x128xf32, #tpu.memory_space<vmem>>, vector<1x1000x128xf32>
    %get3A_55 = vector.shape_cast %get3A_54 : vector<1x1000x128xf32> to vector<1000x128xf32>
    %dot_general3A_56 = arith.constant dense<0.000000e+00> : vector<1000x128xf32>
    %dot_general3A_57 = tpu.matmul %dot_general3A_50, %get3A_45, %dot_general3A_56 {dimension_numbers = #tpu.dot_dimension_numbers<[1], [0], [0], [1], [0, 0, 1, 1], [], []>, transpose_lhs_hint = false} : vector<1000x128xf32>, vector<128x128xf32>, vector<1000x128xf32> -> vector<1000x128xf32>
    %add3A_58 = arith.addf %get3A_55, %dot_general3A_57 : vector<1000x128xf32>
    %dot_general3A_59 = arith.constant dense<0.000000e+00> : vector<1000x128xf32>
    %dot_general3A_60 = tpu.matmul %slice3A_47, %get3A_42, %dot_general3A_59 {dimension_numbers = #tpu.dot_dimension_numbers<[1], [0], [0], [1], [0, 0, 1, 1], [], []>, transpose_lhs_hint = false} : vector<1000x64xf32>, vector<64x128xf32>, vector<1000x128xf32> -> vector<1000x128xf32>
    %get3A_61 = arith.constant 1 : index
    %get3A_62 = arith.constant 0 : index
    %get3A_63 = arith.constant 0 : index
    %get3A_64 = vector.load %arg4[%get3A_61, %get3A_62, %get3A_63] : memref<3x1000x128xf32, #tpu.memory_space<vmem>>, vector<1x1000x128xf32>
    %get3A_65 = vector.shape_cast %get3A_64 : vector<1x1000x128xf32> to vector<1000x128xf32>
    %dot_general3A_66 = arith.constant dense<0.000000e+00> : vector<1000x128xf32>
    %dot_general3A_67 = tpu.matmul %dot_general3A_60, %get3A_45, %dot_general3A_66 {dimension_numbers = #tpu.dot_dimension_numbers<[1], [0], [0], [1], [0, 0, 1, 1], [], []>, transpose_lhs_hint = false} : vector<1000x128xf32>, vector<128x128xf32>, vector<1000x128xf32> -> vector<1000x128xf32>
    %add3A_68 = arith.addf %get3A_65, %dot_general3A_67 : vector<1000x128xf32>
    %dot_general3A_69 = arith.constant dense<0.000000e+00> : vector<1000x128xf32>
    %dot_general3A_70 = tpu.matmul %slice3A_48, %get3A_42, %dot_general3A_69 {dimension_numbers = #tpu.dot_dimension_numbers<[1], [0], [0], [1], [0, 0, 1, 1], [], []>, transpose_lhs_hint = false} : vector<1000x64xf32>, vector<64x128xf32>, vector<1000x128xf32> -> vector<1000x128xf32>
    %get3A_71 = arith.constant 2 : index
    %get3A_72 = arith.constant 0 : index
    %get3A_73 = arith.constant 0 : index
    %get3A_74 = vector.load %arg4[%get3A_71, %get3A_72, %get3A_73] : memref<3x1000x128xf32, #tpu.memory_space<vmem>>, vector<1x1000x128xf32>
    %get3A_75 = vector.shape_cast %get3A_74 : vector<1x1000x128xf32> to vector<1000x128xf32>
    %dot_general3A_76 = arith.constant dense<0.000000e+00> : vector<1000x128xf32>
    %dot_general3A_77 = tpu.matmul %dot_general3A_70, %get3A_45, %dot_general3A_76 {dimension_numbers = #tpu.dot_dimension_numbers<[1], [0], [0], [1], [0, 0, 1, 1], [], []>, transpose_lhs_hint = false} : vector<1000x128xf32>, vector<128x128xf32>, vector<1000x128xf32> -> vector<1000x128xf32>
    %add3A_78 = arith.addf %get3A_75, %dot_general3A_77 : vector<1000x128xf32>
    %stack3A = vector.shape_cast %add3A_58 : vector<1000x128xf32> to vector<1x1000x128xf32>
    %stack3A_79 = vector.shape_cast %add3A_68 : vector<1000x128xf32> to vector<1x1000x128xf32>
    %stack3A_80 = vector.shape_cast %add3A_78 : vector<1000x128xf32> to vector<1x1000x128xf32>
    %stack3A_81 = tpu.concatenate %stack3A, %stack3A_79, %stack3A_80 in 0 : vector<1x1000x128xf32>, vector<1x1000x128xf32>, vector<1x1000x128xf32> -> vector<3x1000x128xf32>
    %swap3A_82 = arith.constant 0 : index
    %swap3A_83 = arith.constant 0 : index
    %swap3A_84 = arith.constant 0 : index
    %swap3A_85 = vector.load %arg10[%swap3A_82, %swap3A_83, %swap3A_84] : memref<3x1000x128xf32, #tpu.memory_space<vmem>>, vector<3x1000x128xf32>
    tpu.vector_store %arg10[%swap3A_82, %swap3A_83, %swap3A_84], %stack3A_81 {strides = array<i32>} : memref<3x1000x128xf32, #tpu.memory_space<vmem>>, vector<3x1000x128xf32>,
    return
  }
  func.func @transform_0(%arg0: i32) -> (i32, i32, i32) {
    %c0_i32 = arith.constant 0 : i32
    %c0_i32_0 = arith.constant 0 : i32
    %c0_i32_1 = arith.constant 0 : i32
    return %c0_i32, %arg0, %c0_i32_0 : i32, i32, i32
  }
  func.func @transform_1(%arg0: i32) -> (i32, i32, i32) {
    %c0_i32 = arith.constant 0 : i32
    %c0_i32_0 = arith.constant 0 : i32
    %c0_i32_1 = arith.constant 0 : i32
    return %c0_i32, %arg0, %c0_i32_0 : i32, i32, i32
  }
  func.func @transform_2(%arg0: i32) -> (i32, i32) {
    %c0_i32 = arith.constant 0 : i32
    %c0_i32_0 = arith.constant 0 : i32
    return %arg0, %c0_i32 : i32, i32
  }
  func.func @transform_3(%arg0: i32) -> (i32, i32, i32) {
    %c0_i32 = arith.constant 0 : i32
    %c0_i32_0 = arith.constant 0 : i32
    %c0_i32_1 = arith.constant 0 : i32
    return %c0_i32, %arg0, %c0_i32_0 : i32, i32, i32
  }
  func.func @transform_4(%arg0: i32) -> (i32, i32) {
    %c0_i32 = arith.constant 0 : i32
    %c0_i32_0 = arith.constant 0 : i32
    %c0_i32_1 = arith.constant 0 : i32
    return %c0_i32, %c0_i32_0 : i32, i32
  }
  func.func @transform_5(%arg0: i32) -> (i32, i32) {
    %c0_i32 = arith.constant 0 : i32
    %c0_i32_0 = arith.constant 0 : i32
    %c0_i32_1 = arith.constant 0 : i32
    return %c0_i32, %c0_i32_0 : i32, i32
  }
  func.func @transform_6(%arg0: i32) -> (i32, i32) {
    %c0_i32 = arith.constant 0 : i32
    %c0_i32_0 = arith.constant 0 : i32
    %c0_i32_1 = arith.constant 0 : i32
    return %c0_i32, %c0_i32_0 : i32, i32
  }
  func.func @transform_7(%arg0: i32) -> (i32, i32) {
    %c0_i32 = arith.constant 0 : i32
    %c0_i32_0 = arith.constant 0 : i32
    %c0_i32_1 = arith.constant 0 : i32
    return %c0_i32, %c0_i32_0 : i32, i32
  }
  func.func @transform_8(%arg0: i32) -> (i32, i32) {
    %c0_i32 = arith.constant 0 : i32
    %c0_i32_0 = arith.constant 0 : i32
    return %arg0, %c0_i32 : i32, i32
  }
  func.func @transform_9(%arg0: i32) -> (i32, i32, i32) {
    %c0_i32 = arith.constant 0 : i32
    %c0_i32_0 = arith.constant 0 : i32
    %c0_i32_1 = arith.constant 0 : i32
    return %c0_i32, %arg0, %c0_i32_0 : i32, i32, i32
  }
}

</mosaic_0001>

<sc_bundles>
// kernel: kernel.16.cloned.1.call-start
scs
__scs_entry_jumppad:
0x0: {  	(pc) =	sbr.rel $0x88, $3  }
0x1: {  	(tag) =	ssettag $0x0;
	lr =	simm.s32 $0x1  }
0x2: {  	[smem:$0x3F88] =	sst lr;
	_ =	strace $0xD0000000  }
0x3: {  	_ = 	snop  }
0x4: {  	_ = 	snop  }
0x5: {  	_ = 	snop  }
0x6: {  	_ = 	snop  }
0x7: {  	_ = 	snop  }
__scs_overlays_trampoline_lowered:
0x8: {  	[smem:$0x3F97] =	sst s0  }
0x9: {  	[smem:$0x3F98] =	sst s1  }
0xa: {  	[smem:$0x3F99] =	sst s2  }
0xb: {  	[smem:$0x3F9A] =	sst s3  }
0xc: {  	[smem:$0x3F9B] =	sst s4  }
0xd: {  	[smem:$0x3F9C] =	sst s5  }
0xe: {  	[smem:$0x3F9D] =	sst s6  }
0xf: {  	[smem:$0x3F9E] =	sst s7  }
0x10: {  	[smem:$0x3F9F] =	sst s8  }
0x11: {  	[smem:$0x3FA0] =	sst s9;
	s0 =	simm.s32 @!p0 $0x0  }
0x12: {  	s1 =	sld [smem:$0x3F86];
	s0 =	simm.s32 @p0 $0x1  }
0x13: {  	[smem:$0x3FA1] =	sst s0;
	s0 =	simm.s32 @!p1 $0x0  }
0x14: {  	s2 =	sld [smem:$0x3F85];
	s0 =	simm.s32 @p1 $0x1  }
0x15: {  	[smem:$0x3FA2] =	sst s0;
	s0 =	simm.s32 @!p2 $0x0  }
0x16: {  	s3 =	sld [smem:$0x3FDB];
	s0 =	simm.s32 @p2 $0x1  }
0x17: {  	s4 =	simm.s32 $0x1BF5;
	[smem:$0x3FA4] =	sst s0  }
0x18: {  	s0 =	sld [smem:$0x3F87];
	_ =	swait.ge [sflag:s4], $0x0  }
0x19: {  	s7 =	sld [smem:$0x3F88]  }
0x1a: {  	s8 =	sadd.s32 $0xFFFFE003, lr  }
0x1b: {  	s9 =	sadd.s32 $0xFFFFFEF7, lr;
	s5 =	simm.s32 $0xFFFFFFFF;
	p2 =	slt.u32 s8, $0xFFFFF086  }
0x1c: {  	p1 =	slt.u32 s9, $0xF7A;
	s5 =	simm.s32 @!p2 $0x0  }
0x1d: {  	s5 =	simm.s32 @p1 $0x1;
	p0 =	seq.s32 s7, s2  }
0x1e: {  	s7 =	smul.u32 @!p0 $0xF7A, s2;
	p2 =	seq.s32 @!p0 s5, $0x0  }
0x1f: {  	s9 =	smul.u32 $0xF7A, s1;
	s8 =	simm.s32 @!p0 $0x1BF5;
	p2 =	por !p2, p0  }
0x20: {  	[sflag:s8] =	ssyncset.s32 @!p0 $0xFFFFF086;
	s6 =	sadd.s32 @!p0 s3, s7;
	s7 =	simm.s32 @!p0 $0x108  }
0x21: {  	s3 =	sadd.s32 s3, s9;
	s6 =	sadd.s32 @!p0 $0x88, s6;
	s7 =	simm.s32 @p2 $0x1082  }
0x22: {  	[simem:s7], [sflag:s8] =	dma.local @!p0 [hbm:s6], $0xF7A  }
0x23: {  	s9 =	sor.u32 $0xD0000000, s2;
	s6 =	simm.s32 $0x108;
	_ =	swait.ge @!p0 [sflag:s8], $0x0  }
0x24: {  	s3 =	sadd.s32 $0x88, s3;
	s6 =	simm.s32 @!p1 $0x1082;
	[sflag:s4] =	ssyncset.s32 $0xFFFFF086  }
0x25: {  	[simem:s6], [sflag:s4] =	dma.local [hbm:s3], $0xF7A  }
0x26: {  	[smem:$0x3F88] =	sst s1;
	(tag) =	ssettag s2;
	_ =	strace s9  }
0x27: {  	s1 =	sld [smem:$0x3F98]  }
0x28: {  	s2 =	sld [smem:$0x3F99]  }
0x29: {  	s4 =	sld [smem:$0x3F9B]  }
0x2a: {  	p0 =	seq.s32 s5, $0x0;
	s5 =	sld [smem:$0x3F9C]  }
0x2b: {  	s6 =	sld [smem:$0x3F9D]  }
0x2c: {  	s7 =	sld [smem:$0x3F9E]  }
0x2d: {  	s3 =	simm.s32 $0x108;
	s8 =	sld [smem:$0x3F9F]  }
0x2e: {  	s3 =	simm.s32 @!p0 $0x1082;
	s9 =	sld [smem:$0x3FA0]  }
0x2f: {  	lr =	sadd.s32 s0, s3;
	s0 =	sld [smem:$0x3F97]  }
0x30: {  	s3 =	sld [smem:$0x3F9A]  }
0x31: {  	[smem:$0x3FA3] =	sst s10  }
0x32: {  	s10 =	sld [smem:$0x3FA1];
	_ =	sdelay $0x3  }
0x33: {  	p0 =	seq.s32 s10, $0x1;
	s10 =	sld [smem:$0x3FA3];
	_ =	sdelay $0x3  }
0x34: {  	[smem:$0x3FA3] =	sst s10  }
0x35: {  	s10 =	sld [smem:$0x3FA2];
	_ =	sdelay $0x3  }
0x36: {  	p1 =	seq.s32 s10, $0x1;
	s10 =	sld [smem:$0x3FA3];
	_ =	sdelay $0x3  }
0x37: {  	[smem:$0x3FA3] =	sst s10  }
0x38: {  	s10 =	sld [smem:$0x3FA4]  }
0x39: {  	_ = 	snop;
	(pc) =	sbr.ind lr, $3  }
0x3a: {  	_ = 	snop  }
0x3b: {  	_ = 	snop  }
0x3c: {  	p2 =	seq.s32 s10, $0x1;
	s10 =	sld [smem:$0x3FA3]  }
0x3d: {  	_ =	shalt  }
0x3e: {  	_ =	shalt  }
0x3f: {  	_ =	shalt  }
0x40: {  	_ =	shalt  }
0x41: {  	_ =	shalt  }
0x42: {  	_ =	shalt  }
0x43: {  	_ =	shalt  }
0x44: {  	_ =	shalt  }
0x45: {  	_ =	shalt  }
0x46: {  	_ =	shalt  }
0x47: {  	_ =	shalt  }
0x48: {  	_ =	shalt  }
0x49: {  	_ =	shalt  }
0x4a: {  	_ =	shalt  }
0x4b: {  	_ =	shalt  }
0x4c: {  	_ =	shalt  }
0x4d: {  	_ =	shalt  }
0x4e: {  	_ =	shalt  }
0x4f: {  	_ =	shalt  }
0x50: {  	_ =	shalt  }
0x51: {  	_ =	shalt  }
0x52: {  	_ =	shalt  }
0x53: {  	_ =	shalt  }
0x54: {  	_ =	shalt  }
0x55: {  	_ =	shalt  }
0x56: {  	_ =	shalt  }
0x57: {  	_ =	shalt  }
0x58: {  	_ =	shalt  }
0x59: {  	_ =	shalt  }
0x5a: {  	_ =	shalt  }
0x5b: {  	_ =	shalt  }
0x5c: {  	_ =	shalt  }
0x5d: {  	_ =	shalt  }
0x5e: {  	_ =	shalt  }
0x5f: {  	_ =	shalt  }
0x60: {  	_ =	shalt  }
0x61: {  	_ =	shalt  }
0x62: {  	_ =	shalt  }
0x63: {  	_ =	shalt  }
0x64: {  	_ =	shalt  }
0x65: {  	_ =	shalt  }
0x66: {  	_ =	shalt  }
0x67: {  	_ =	shalt  }
0x68: {  	_ =	shalt  }
0x69: {  	_ =	shalt  }
0x6a: {  	_ =	shalt  }
0x6b: {  	_ =	shalt  }
0x6c: {  	_ =	shalt  }
0x6d: {  	_ =	shalt  }
0x6e: {  	_ =	shalt  }
0x6f: {  	_ =	shalt  }
0x70: {  	_ =	shalt  }
0x71: {  	_ =	shalt  }
0x72: {  	_ =	shalt  }
0x73: {  	_ =	shalt  }
0x74: {  	_ =	shalt  }
0x75: {  	_ =	shalt  }
0x76: {  	_ =	shalt  }
0x77: {  	_ =	shalt  }
0x78: {  	_ =	shalt  }
0x79: {  	_ =	shalt  }
0x7a: {  	_ =	shalt  }
0x7b: {  	_ =	shalt  }
0x7c: {  	_ =	shalt  }
0x7d: {  	_ =	shalt  }
0x7e: {  	_ =	shalt  }
0x7f: {  	_ =	shalt  }
0x80: {  	_ =	shalt  }
0x81: {  	_ =	shalt  }
0x82: {  	_ =	shalt  }
0x83: {  	_ =	shalt  }
0x84: {  	_ =	shalt  }
0x85: {  	_ =	shalt  }
0x86: {  	_ =	shalt  }
0x87: {  	_ =	shalt  }
.Lfunc_end0:
.L_simem_size_0:
called_computation_lowered:
.L_overlay_start_0:
0x88: {  	s2 =	sld [smem:$0x3FD9]  }
0x89: {  	s3 =	sld [smem:$0x3FFE];
	_ =	sdelay $0x1  }
0x8a: {  	s1 =	srdreg.scid  }
0x8b: {  	s0 =	sand.u32 $0x1, s1  }
0x8c: {  	s17 =	sshll.u32 s0, $0xA;
	s2 =	sadd.s32 s3, s2  }
0x8d: {  	s2 =	sadd.s32 s2, s17  }
0x8e: {  	[smem:$0x3FAF] =	sst s2  }
0x8f: {  	_ = 	snop  }
0x90: {  	s18 =	sld [smem:$0x3FB1]  }
0x91: {  	s4 =	sld [smem:$0x3FD0];
	(tm) =	ssettm $0x1  }
0x92: {  	s19 =	sld [smem:$0x3FFB];
	_ =	sdelay $0x3  }
0x93: {  	_ =	strace s19  }
0x94: {  	s2 =	sld [smem:$0x3FFC];
	_ =	sdelay $0x3  }
0x95: {  	_ =	strace s2  }
0x96: {  	s2 =	sld [smem:$0x3FFD];
	_ =	sdelay $0x3  }
0x97: {  	_ =	strace s2  }
0x98: {  	_ =	strace $0x8FFFFFFF  }
0x99: {  	s20 =	sld [smem:$0x3FDB];
	_ =	sdelay $0x1  }
0x9a: {  	s5 =	simm.s32 $_scs_section_size  }
0x9b: {  	s6 =	simm.s32 $_size__tile_overlayer_lowered;
	s7 =	simm.s32 $_tile_overlayer_lowered  }
0x9c: {  	s8 =	simm.s32 $0x1BFF;
	s21 =	sshll.u32 s7, $0x1;
	s5 =	sadd.s32 s5, s20  }
0x9d: {  	s22 =	simm.s32 $0x0;
	s6 =	sshll.u32 s6, $0x1;
	s7 =	sadd.s32 s21, s5  }
0x9e: {  	[timem:s22], [sflag:s8] =	dma.local [hbm:s7], s6  }
0x9f: {  	_ =	swait.ge [sflag:s8], s6  }
0xa0: {  	s6 =	ssub.s32 $0x0, s6;
	[sflag:s8] =	ssyncset.done $0x0  }
0xa1: {  	[sflag:s8] =	ssyncadd.s32 s6;
	_ =	sdelay $0x1  }
0xa2: {  	s23 =	simm.s32 $0x1B8B  }
0xa3: {  	_ =	swait.ge [sflag:s23], $0x1  }
0xa4: {  	[sflag:s23] =	ssyncset.done $0x0  }
0xa5: {  	[sflag:s23] =	ssyncadd.s32 $0xFFFFFFFF  }
0xa6: {  	s6 =	sld [smem:$0x0]  }
0xa7: {  	s7 =	sand.u32 $0xFFFFFFFE, s1  }
0xa8: {  	p0 =	sne.s32 s1, s7  }
0xa9: {  	s7 =	sshll.u32 @p0 s7, $0xE  }
0xaa: {  	s7 =	sadd.s32 @p0 $0x11B8D, s7;
	s8 =	sshll.u32 @p0 s6, $0x11  }
0xab: {  	s7 =	sor.u32 @p0 s8, s7  }
0xac: {  	[sflag:s7] =	ssyncadd.remote.s32 @p0 $0x1;
	_ =	sdelay $0x1  }
0xad: {  	s7 =	simm.s32 @p0 $0x1B8D  }
0xae: {  	_ =	swait.eq @p0 [sflag:s7], $0x1  }
0xaf: {  	[sflag:s7] =	ssyncadd.s32 @p0 $0xFFFFFFFF  }
0xb0: {  	s8 =	sshll.u32 @!p0 s1, $0xE  }
0xb1: {  	s8 =	sor.u32 @!p0 $0x4000, s8;
	s7 =	simm.s32 @!p0 $0x1B8D  }
0xb2: {  	s6 =	sshll.u32 @!p0 s6, $0x11;
	s8 =	sadd.s32 @!p0 $0x11B8D, s8;
	_ =	swait.eq @!p0 [sflag:s7], $0x1  }
0xb3: {  	s6 =	sor.u32 @!p0 s6, s8;
	[sflag:s7] =	ssyncadd.s32 @!p0 $0xFFFFFFFF  }
0xb4: {  	s25 =	simm.s32 $0x1B8E;
	s24 =	sld [smem:$0x3FFE];
	[sflag:s6] =	ssyncadd.remote.s32 @!p0 $0x1  }
0xb5: {  	s26 =	simm.s32 $execute0_lowered;
	[smem:$0x3FD2] =	sst s25  }
0xb6: {  	s7 =	sshll.u32 s26, $0x1;
	_ =	strace $0x80000049;
	[dreg:$0x1] =	wrdreg $0xFFFFFFFF  }
0xb7: {  	s28 =	simm.s32 $_size_execute0_lowered;
	s5 =	sadd.s32 s5, s7;
	[dreg:$0x0] =	wrdreg $0x0  }
0xb8: {  	s7 =	sshll.u32 s28, $0x1;
	[dreg:$0x2] =	wrdreg s5  }
0xb9: {  	[dreg:$0x3] =	wrdreg s7  }
0xba: {  	[dreg:$0x4] =	wrdreg $0xC0  }
0xbb: {  	_ =	task [dreg:s22], $0x5FFFF  }
0xbc: {  	[dreg:$0x1] =	wrdreg $0xFFFFFFFF  }
0xbd: {  	[dreg:$0x0] =	wrdreg $0x60  }
0xbe: {  	[dreg:$0x2] =	wrdreg s4  }
0xbf: {  	[dreg:$0x3] =	wrdreg s18  }
0xc0: {  	[dreg:$0x4] =	wrdreg s24  }
0xc1: {  	[dreg:$0x5] =	wrdreg $0x9  }
0xc2: {  	_ =	task.clear_ibuf [dreg:s22], $0x6FFFF;
	_ =	strace $0x90000049  }
0xc3: {  	s29 =	simm.s32 $0x9;
	_ =	strace $0x8000004B  }
0xc4: {  	_ =	swait.ge [sflag:s29], $0x1  }
0xc5: {  	[sflag:s29] =	ssyncadd.s32 $0xFFFFFFFF  }
0xc6: {  	_ =	strace $0x9000004B  }
0xc7: {  	_ =	sfence  }
0xc8: {  	s30 =	sld [smem:$0x0];
	_ =	sdelay $0x2  }
0xc9: {  	s31 =	sshll.u32 s1, $0xD;
	s1 =	sshrl.u32 s1, $0x2  }
0xca: {  	s4 =	sand.u32 $0x4000, s31;
	s1 =	sadd.s32 s1, s30  }
0xcb: {  	s0 =	sor.u32 s4, s0;
	s1 =	sshll.u32 s1, $0x11  }
0xcc: {  	s0 =	sor.u32 s1, s0  }
0xcd: {  	s0 =	sadd.s32 $0x8F2B, s0  }
0xce: {  	[sflag:s0] =	ssyncadd.remote.s32 $0x1  }
0xcf: {  	_ =	sfence.sel $0xFFFF  }
0xd0: {  	[dreg:$0x0] =	wrdreg $0xFFFFFFFF;
	(pc) =	sbr.abs _section_cstart, $3  }
0xd1: {  	[dreg:$0x1] =	wrdreg $0xFFFFFFFF  }
0xd2: {  	_ =	task.clear_ibuf [dreg:s22], $0x2FFFF;
	_ =	strace $0x9FFFFFFF  }
0xd3: {  	(tm) =	ssettm $0x7FFFFFFF  }
tec
execute0_lowered:
.L_overlay_start_1:
0x0: {  	(tag) =	ssettag $0x1  }
0x1: {  	s1 =	rddreg [dreg:$0x0]  }
0x2: {  	s6 =	rddreg [dreg:$0x1]  }
0x3: {  	s4 =	rddreg [dreg:$0x2]  }
0x4: {  	s0 =	rddreg [dreg:$0x3];
	s2 =	stileid.u32  }
0x5: {  	s5 =	srdreg.scid;
	s7 =	smul.u32 $0x4E200, s2  }
0x6: {  	s3 =	simm.s32 $0x0;
	s5 =	sand.u32 $0x1, s5;
	s10 =	smul.u32 $0x9C4, s2  }
0x7: {  	s11 =	simm.s32 $0x0;
	[smem:$0x7FF] =	sst s3;
	s9 =	smul.u32 $0x27100, s5  }
0x8: {  	_ =	strace $0x8000004A;
	s8 =	ssub.s32 $0x2, s5;
	s31 =	smul.u32 $0x4E2, s5  }
0x9: {  	s4 =	sadd.s32 s7, s4;
	s29 =	sshrl.u32 s8, $0x1;
	s6 =	sadd.s32 s10, s6  }
0xa: {  	s10 =	simm.s32 $0x1;
	s7 =	ssub.s32 s8, s29;
	s30 =	sadd.s32 s9, s4  }
0xb: {  	s6 =	sadd.s32 s31, s6;
	s8 =	simm.s32 $0x50;
	s9 =	simm.s32 $0x80  }
0xc: {  	s4 =	smax.u32 s7, $0x1;
	s5 =	sadd.s32 $0x535000, s30;
	s7 =	simm.s32 $0x2  }
.LBB2_1:
0xd: {  	s12 =	sadd.s32 $0x0, s6  }
0xe: {  	[tilespmem:s3], [sflag:$0x2] =	stream.linear.gather [hbm4b:s12+s3], $0x50, $0x38;
	[tilespmem:$0x2880] =	vst v63  }
0xf: {  	_ =	swait.ge [sflag:s7], $0x50  }
0x10: {  	[sflag:s7] =	ssyncset.done $0x0  }
0x11: {  	[sflag:s7] =	ssyncadd.s32 $0xFFFFFFB0  }
0x12: {  	[tilespmem:s9], [sflag:$0x1] =	stream.indirect.gather [hbm4b:s1+s8], $0x80, s3, s8, $0xb8;
	[tilespmem:$0x2880] =	vst v63  }
0x13: {  	_ =	swait.ge [sflag:s10], $0x2800  }
0x14: {  	[sflag:s10] =	ssyncset.done $0x0  }
0x15: {  	[sflag:s10] =	ssyncadd.s32 $0xFFFFD800  }
0x16: {  	[hbm4b:s5+s3] =	stream.linear.scatter [tilespmem:s9], [sflag:$0x2], $0x2800, $0x38;
	[tilespmem:$0x2880] =	vst v63  }
0x17: {  	s13 =	simm.s32 $0xA;
	_ =	swait.ge [sflag:s7], $0x2800  }
0x18: {  	s14 =	simm.s32 $0x14;
	s12 =	sadd.s32 $0x500, s5;
	[sflag:s7] =	ssyncset.done $0x0  }
.LBB2_2:
0x19: {  	s15 =	sadd.s32 s13, s6  }
0x1a: {  	[sflag:s7] =	ssyncadd.s32 $0xFFFFD800;
	s13 =	smov.u32 s14;
	s16 =	sadd.s32 $0xA, s14  }
0x1b: {  	[tilespmem:s3], [sflag:$0x2] =	stream.linear.gather [hbm4b:s15+s3], $0x50, $0x38;
	[tilespmem:$0x2880] =	vst v63  }
0x1c: {  	p0 =	sne.s32 s14, $0x4D8;
	_ =	swait.ge [sflag:s7], $0x50  }
0x1d: {  	[sflag:s7] =	ssyncset.done $0x0  }
0x1e: {  	[sflag:s7] =	ssyncadd.s32 $0xFFFFFFB0  }
0x1f: {  	[tilespmem:s9], [sflag:$0x1] =	stream.indirect.gather [hbm4b:s1+s8], $0x80, s3, s8, $0xb8;
	[tilespmem:$0x2880] =	vst v63  }
0x20: {  	_ =	swait.ge [sflag:s10], $0x2800  }
.Ltmp0:
0x21: {  	[sflag:s10] =	ssyncset.done $0x0;
	(pc) =	sbr.rel @p0 .LBB2_2-.Ltmp0, $4  }
0x22: {  	[sflag:s10] =	ssyncadd.s32 $0xFFFFD800  }
0x23: {  	[hbm4b:s12+s3] =	stream.linear.scatter [tilespmem:s9], [sflag:$0x2], $0x2800, $0x38;
	[tilespmem:$0x2880] =	vst v63  }
0x24: {  	_ =	swait.ge [sflag:s7], $0x2800  }
0x25: {  	s14 =	smov.u32 s16;
	s12 =	sadd.s32 $0x500, s12;
	[sflag:s7] =	ssyncset.done $0x0  }
0x26: {  	s13 =	sadd.s32 s13, s6;
	[sflag:s7] =	ssyncadd.s32 $0xFFFFD800  }
0x27: {  	[tilespmem:s3], [sflag:$0x2] =	stream.linear.gather [hbm4b:s13+s3], $0x50, $0x38;
	[tilespmem:$0x2880] =	vst v63  }
0x28: {  	_ =	swait.ge [sflag:s7], $0x50  }
0x29: {  	[sflag:s7] =	ssyncset.done $0x0  }
0x2a: {  	[sflag:s7] =	ssyncadd.s32 $0xFFFFFFB0  }
0x2b: {  	[tilespmem:s9], [sflag:$0x1] =	stream.indirect.gather [hbm4b:s1+s8], $0x80, s3, s8, $0xb8;
	[tilespmem:$0x2880] =	vst v63  }
0x2c: {  	s11 =	sadd.s32 $0x1, s11;
	_ =	swait.ge [sflag:s10], $0x2800  }
0x2d: {  	p0 =	sne.s32 s11, s4;
	[sflag:s10] =	ssyncset.done $0x0  }
.Ltmp1:
0x2e: {  	[sflag:s10] =	ssyncadd.s32 $0xFFFFD800;
	(pc) =	sbr.rel @p0 .LBB2_1-.Ltmp1, $4  }
0x2f: {  	[hbm4b:s12+s3] =	stream.linear.scatter [tilespmem:s9], [sflag:$0x2], $0x2800, $0x38;
	[tilespmem:$0x2880] =	vst v63  }
0x30: {  	_ =	swait.ge [sflag:s7], $0x2800  }
0x31: {  	[sflag:s7] =	ssyncset.done $0x0  }
0x32: {  	[sflag:s7] =	ssyncadd.s32 $0xFFFFD800  }
0x33: {  	_ =	sfence.sel $0x180000  }
0x34: {  	[bflag:$0x0] =	sbarrier.arrive $0xFFFF  }
0x35: {  	p0 =	sne.s32 s2, $0x0;
	_ =	strace $0x9000004A  }
0x36: {  	s0 =	sadd.s32 @!p0 $0x100000, s0;
	[bflag:$0x2] =	sbarrier.arrive $0xFFFF  }
0x37: {  	[sflag:s0] =	ssyncadd.tile.s32 @!p0 $0x1;
	_ =	shalt  }
.Lfunc_end2:
_tile_overlayer_lowered:
.L_overlay_start_2:
0x38: {  	(tag) =	ssettag $0x2  }
0x39: {  	s0 =	rddreg [dreg:$0x0];
	s2 =	stileid.u32  }
0x3a: {  	s1 =	rddreg [dreg:$0x1];
	p0 =	sne.s32 s2, $0x0  }
0x3b: {  	s3 =	rddreg [dreg:$0x2];
	[bflag:$0x3] =	sbarrier.arrive $0xFFFF;
	s2 =	simm.s32 @!p0 $0x1C02  }
0x3c: {  	[timem:s3], [sflag:s2] =	dma.local @!p0 [hbm:s0], s1  }
0x3d: {  	s0 =	simm.s32 @!p0 $0x2  }
0x3e: {  	_ =	swait.ge @!p0 [sflag:s0], s1  }
0x3f: {  	s1 =	ssub.s32 @!p0 $0x0, s1;
	[sflag:s0] =	ssyncset.done @!p0 $0x0  }
0x40: {  	[sflag:s0] =	ssyncadd.s32 @!p0 s1  }
0x41: {  	[bflag:$0x3] =	sbarrier.arrive $0xFFFF  }
0x42: {  	_ =	shalt  }

// kernel: kernel.19.cloned.1.call-start
scs
__scs_entry_jumppad:
0x0: {  	(pc) =	sbr.rel $0x88, $3  }
0x1: {  	(tag) =	ssettag $0x0;
	lr =	simm.s32 $0x1  }
0x2: {  	[smem:$0x3F88] =	sst lr;
	_ =	strace $0xD0000000  }
0x3: {  	_ = 	snop  }
0x4: {  	_ = 	snop  }
0x5: {  	_ = 	snop  }
0x6: {  	_ = 	snop  }
0x7: {  	_ = 	snop  }
__scs_overlays_trampoline_lowered:
0x8: {  	[smem:$0x3F97] =	sst s0  }
0x9: {  	[smem:$0x3F98] =	sst s1  }
0xa: {  	[smem:$0x3F99] =	sst s2  }
0xb: {  	[smem:$0x3F9A] =	sst s3  }
0xc: {  	[smem:$0x3F9B] =	sst s4  }
0xd: {  	[smem:$0x3F9C] =	sst s5  }
0xe: {  	[smem:$0x3F9D] =	sst s6  }
0xf: {  	[smem:$0x3F9E] =	sst s7  }
0x10: {  	[smem:$0x3F9F] =	sst s8  }
0x11: {  	[smem:$0x3FA0] =	sst s9;
	s0 =	simm.s32 @!p0 $0x0  }
0x12: {  	s1 =	sld [smem:$0x3F86];
	s0 =	simm.s32 @p0 $0x1  }
0x13: {  	[smem:$0x3FA1] =	sst s0;
	s0 =	simm.s32 @!p1 $0x0  }
0x14: {  	s2 =	sld [smem:$0x3F85];
	s0 =	simm.s32 @p1 $0x1  }
0x15: {  	[smem:$0x3FA2] =	sst s0;
	s0 =	simm.s32 @!p2 $0x0  }
0x16: {  	s3 =	sld [smem:$0x3FDB];
	s0 =	simm.s32 @p2 $0x1  }
0x17: {  	s4 =	simm.s32 $0x1BF5;
	[smem:$0x3FA4] =	sst s0  }
0x18: {  	s0 =	sld [smem:$0x3F87];
	_ =	swait.ge [sflag:s4], $0x0  }
0x19: {  	s7 =	sld [smem:$0x3F88]  }
0x1a: {  	s8 =	sadd.s32 $0xFFFFE003, lr  }
0x1b: {  	s9 =	sadd.s32 $0xFFFFFEF7, lr;
	s5 =	simm.s32 $0xFFFFFFFF;
	p2 =	slt.u32 s8, $0xFFFFF086  }
0x1c: {  	p1 =	slt.u32 s9, $0xF7A;
	s5 =	simm.s32 @!p2 $0x0  }
0x1d: {  	s5 =	simm.s32 @p1 $0x1;
	p0 =	seq.s32 s7, s2  }
0x1e: {  	s7 =	smul.u32 @!p0 $0xF7A, s2;
	p2 =	seq.s32 @!p0 s5, $0x0  }
0x1f: {  	s9 =	smul.u32 $0xF7A, s1;
	s8 =	simm.s32 @!p0 $0x1BF5;
	p2 =	por !p2, p0  }
0x20: {  	[sflag:s8] =	ssyncset.s32 @!p0 $0xFFFFF086;
	s6 =	sadd.s32 @!p0 s3, s7;
	s7 =	simm.s32 @!p0 $0x108  }
0x21: {  	s3 =	sadd.s32 s3, s9;
	s6 =	sadd.s32 @!p0 $0x88, s6;
	s7 =	simm.s32 @p2 $0x1082  }
0x22: {  	[simem:s7], [sflag:s8] =	dma.local @!p0 [hbm:s6], $0xF7A  }
0x23: {  	s9 =	sor.u32 $0xD0000000, s2;
	s6 =	simm.s32 $0x108;
	_ =	swait.ge @!p0 [sflag:s8], $0x0  }
0x24: {  	s3 =	sadd.s32 $0x88, s3;
	s6 =	simm.s32 @!p1 $0x1082;
	[sflag:s4] =	ssyncset.s32 $0xFFFFF086  }
0x25: {  	[simem:s6], [sflag:s4] =	dma.local [hbm:s3], $0xF7A  }
0x26: {  	[smem:$0x3F88] =	sst s1;
	(tag) =	ssettag s2;
	_ =	strace s9  }
0x27: {  	s1 =	sld [smem:$0x3F98]  }
0x28: {  	s2 =	sld [smem:$0x3F99]  }
0x29: {  	s4 =	sld [smem:$0x3F9B]  }
0x2a: {  	p0 =	seq.s32 s5, $0x0;
	s5 =	sld [smem:$0x3F9C]  }
0x2b: {  	s6 =	sld [smem:$0x3F9D]  }
0x2c: {  	s7 =	sld [smem:$0x3F9E]  }
0x2d: {  	s3 =	simm.s32 $0x108;
	s8 =	sld [smem:$0x3F9F]  }
0x2e: {  	s3 =	simm.s32 @!p0 $0x1082;
	s9 =	sld [smem:$0x3FA0]  }
0x2f: {  	lr =	sadd.s32 s0, s3;
	s0 =	sld [smem:$0x3F97]  }
0x30: {  	s3 =	sld [smem:$0x3F9A]  }
0x31: {  	[smem:$0x3FA3] =	sst s10  }
0x32: {  	s10 =	sld [smem:$0x3FA1];
	_ =	sdelay $0x3  }
0x33: {  	p0 =	seq.s32 s10, $0x1;
	s10 =	sld [smem:$0x3FA3];
	_ =	sdelay $0x3  }
0x34: {  	[smem:$0x3FA3] =	sst s10  }
0x35: {  	s10 =	sld [smem:$0x3FA2];
	_ =	sdelay $0x3  }
0x36: {  	p1 =	seq.s32 s10, $0x1;
	s10 =	sld [smem:$0x3FA3];
	_ =	sdelay $0x3  }
0x37: {  	[smem:$0x3FA3] =	sst s10  }
0x38: {  	s10 =	sld [smem:$0x3FA4]  }
0x39: {  	_ = 	snop;
	(pc) =	sbr.ind lr, $3  }
0x3a: {  	_ = 	snop  }
0x3b: {  	_ = 	snop  }
0x3c: {  	p2 =	seq.s32 s10, $0x1;
	s10 =	sld [smem:$0x3FA3]  }
0x3d: {  	_ =	shalt  }
0x3e: {  	_ =	shalt  }
0x3f: {  	_ =	shalt  }
0x40: {  	_ =	shalt  }
0x41: {  	_ =	shalt  }
0x42: {  	_ =	shalt  }
0x43: {  	_ =	shalt  }
0x44: {  	_ =	shalt  }
0x45: {  	_ =	shalt  }
0x46: {  	_ =	shalt  }
0x47: {  	_ =	shalt  }
0x48: {  	_ =	shalt  }
0x49: {  	_ =	shalt  }
0x4a: {  	_ =	shalt  }
0x4b: {  	_ =	shalt  }
0x4c: {  	_ =	shalt  }
0x4d: {  	_ =	shalt  }
0x4e: {  	_ =	shalt  }
0x4f: {  	_ =	shalt  }
0x50: {  	_ =	shalt  }
0x51: {  	_ =	shalt  }
0x52: {  	_ =	shalt  }
0x53: {  	_ =	shalt  }
0x54: {  	_ =	shalt  }
0x55: {  	_ =	shalt  }
0x56: {  	_ =	shalt  }
0x57: {  	_ =	shalt  }
0x58: {  	_ =	shalt  }
0x59: {  	_ =	shalt  }
0x5a: {  	_ =	shalt  }
0x5b: {  	_ =	shalt  }
0x5c: {  	_ =	shalt  }
0x5d: {  	_ =	shalt  }
0x5e: {  	_ =	shalt  }
0x5f: {  	_ =	shalt  }
0x60: {  	_ =	shalt  }
0x61: {  	_ =	shalt  }
0x62: {  	_ =	shalt  }
0x63: {  	_ =	shalt  }
0x64: {  	_ =	shalt  }
0x65: {  	_ =	shalt  }
0x66: {  	_ =	shalt  }
0x67: {  	_ =	shalt  }
0x68: {  	_ =	shalt  }
0x69: {  	_ =	shalt  }
0x6a: {  	_ =	shalt  }
0x6b: {  	_ =	shalt  }
0x6c: {  	_ =	shalt  }
0x6d: {  	_ =	shalt  }
0x6e: {  	_ =	shalt  }
0x6f: {  	_ =	shalt  }
0x70: {  	_ =	shalt  }
0x71: {  	_ =	shalt  }
0x72: {  	_ =	shalt  }
0x73: {  	_ =	shalt  }
0x74: {  	_ =	shalt  }
0x75: {  	_ =	shalt  }
0x76: {  	_ =	shalt  }
0x77: {  	_ =	shalt  }
0x78: {  	_ =	shalt  }
0x79: {  	_ =	shalt  }
0x7a: {  	_ =	shalt  }
0x7b: {  	_ =	shalt  }
0x7c: {  	_ =	shalt  }
0x7d: {  	_ =	shalt  }
0x7e: {  	_ =	shalt  }
0x7f: {  	_ =	shalt  }
0x80: {  	_ =	shalt  }
0x81: {  	_ =	shalt  }
0x82: {  	_ =	shalt  }
0x83: {  	_ =	shalt  }
0x84: {  	_ =	shalt  }
0x85: {  	_ =	shalt  }
0x86: {  	_ =	shalt  }
0x87: {  	_ =	shalt  }
.Lfunc_end0:
.L_simem_size_0:
called_computation.1_lowered:
.L_overlay_start_0:
0x88: {  	s2 =	sld [smem:$0x3FD9]  }
0x89: {  	s3 =	sld [smem:$0x3FFE];
	_ =	sdelay $0x1  }
0x8a: {  	s1 =	srdreg.scid  }
0x8b: {  	s0 =	sand.u32 $0x1, s1  }
0x8c: {  	s17 =	sshll.u32 s0, $0xA;
	s2 =	sadd.s32 s3, s2  }
0x8d: {  	s2 =	sadd.s32 s2, s17  }
0x8e: {  	[smem:$0x3FAF] =	sst s2  }
0x8f: {  	_ = 	snop  }
0x90: {  	s2 =	sld [smem:$0x3FB2];
	(tm) =	ssettm $0x1  }
0x91: {  	s18 =	sld [smem:$0x3FFB];
	_ =	sdelay $0x3  }
0x92: {  	_ =	strace s18  }
0x93: {  	s3 =	sld [smem:$0x3FFC];
	_ =	sdelay $0x3  }
0x94: {  	_ =	strace s3  }
0x95: {  	s3 =	sld [smem:$0x3FFD];
	_ =	sdelay $0x3  }
0x96: {  	_ =	strace s3  }
0x97: {  	_ =	strace $0x8FFFFFFF  }
0x98: {  	s19 =	sld [smem:$0x3FDB];
	_ =	sdelay $0x1  }
0x99: {  	s4 =	simm.s32 $_scs_section_size  }
0x9a: {  	s5 =	simm.s32 $_size__tile_overlayer_lowered;
	s6 =	simm.s32 $_tile_overlayer_lowered  }
0x9b: {  	s22 =	simm.s32 $0x1BFF;
	s21 =	sshll.u32 s6, $0x1;
	s3 =	sadd.s32 s4, s19  }
0x9c: {  	s7 =	simm.s32 $0x0;
	s20 =	sshll.u32 s5, $0x1;
	s5 =	sadd.s32 s21, s3  }
0x9d: {  	[timem:s7], [sflag:s22] =	dma.local [hbm:s5], s20  }
0x9e: {  	_ =	swait.ge [sflag:s22], s20  }
0x9f: {  	s4 =	ssub.s32 $0x0, s20;
	[sflag:s22] =	ssyncset.done $0x0  }
0xa0: {  	[sflag:s22] =	ssyncadd.s32 s4;
	_ =	sdelay $0x1  }
0xa1: {  	s23 =	simm.s32 $0x1B8B  }
0xa2: {  	_ =	swait.ge [sflag:s23], $0x1  }
0xa3: {  	[sflag:s23] =	ssyncset.done $0x0  }
0xa4: {  	s25 =	simm.s32 $0x1B8E;
	s24 =	sld [smem:$0x3FFE];
	[sflag:s23] =	ssyncadd.s32 $0xFFFFFFFF  }
0xa5: {  	s26 =	simm.s32 $execute0_lowered;
	[smem:$0x3FD2] =	sst s25  }
0xa6: {  	s5 =	sshll.u32 s26, $0x1;
	_ =	strace $0x80000046;
	[dreg:$0x1] =	wrdreg $0xFFFFFFFF  }
0xa7: {  	s28 =	simm.s32 $_size_execute0_lowered;
	s3 =	sadd.s32 s3, s5;
	[dreg:$0x0] =	wrdreg $0x0  }
0xa8: {  	s5 =	sshll.u32 s28, $0x1;
	[dreg:$0x2] =	wrdreg s3  }
0xa9: {  	[dreg:$0x3] =	wrdreg s5  }
0xaa: {  	[dreg:$0x4] =	wrdreg $0xC0  }
0xab: {  	_ =	task [dreg:s7], $0x5FFFF  }
0xac: {  	[dreg:$0x1] =	wrdreg $0xFFFFFFFF  }
0xad: {  	[dreg:$0x0] =	wrdreg $0x60  }
0xae: {  	[dreg:$0x2] =	wrdreg s24  }
0xaf: {  	[dreg:$0x3] =	wrdreg s2  }
0xb0: {  	[dreg:$0x4] =	wrdreg $0xA  }
0xb1: {  	_ =	task.clear_ibuf [dreg:s7], $0x5FFFF;
	_ =	strace $0x90000046  }
0xb2: {  	s29 =	simm.s32 $0xA;
	_ =	strace $0x80000048  }
0xb3: {  	_ =	swait.ge [sflag:s29], $0x1  }
0xb4: {  	[sflag:s29] =	ssyncadd.s32 $0xFFFFFFFF  }
0xb5: {  	_ =	strace $0x90000048  }
0xb6: {  	_ =	sfence  }
0xb7: {  	s30 =	sld [smem:$0x0];
	_ =	sdelay $0x2  }
0xb8: {  	s31 =	sshll.u32 s1, $0xD;
	s1 =	sshrl.u32 s1, $0x2  }
0xb9: {  	s3 =	sand.u32 $0x4000, s31;
	s1 =	sadd.s32 s1, s30  }
0xba: {  	s0 =	sor.u32 s3, s0;
	s1 =	sshll.u32 s1, $0x11  }
0xbb: {  	s0 =	sor.u32 s1, s0  }
0xbc: {  	s0 =	sadd.s32 $0x8F2B, s0  }
0xbd: {  	[sflag:s0] =	ssyncadd.remote.s32 $0x1  }
0xbe: {  	_ =	sfence.sel $0xFFFF  }
0xbf: {  	[dreg:$0x0] =	wrdreg $0xFFFFFFFF;
	(pc) =	sbr.abs _section_cstart, $3  }
0xc0: {  	[dreg:$0x1] =	wrdreg $0xFFFFFFFF  }
0xc1: {  	_ =	task.clear_ibuf [dreg:s7], $0x2FFFF;
	_ =	strace $0x9FFFFFFF  }
0xc2: {  	(tm) =	ssettm $0x7FFFFFFF  }
0xc3: {  	_ =	shalt  }
tec
execute0_lowered:
.L_overlay_start_1:
0x0: {  	(tag) =	ssettag $0x1  }
0x1: {  	s4 =	rddreg [dreg:$0x0]  }
0x2: {  	s6 =	rddreg [dreg:$0x1]  }
0x3: {  	s0 =	rddreg [dreg:$0x2];
	s1 =	stileid.u32  }
0x4: {  	s2 =	simm.s32 $0x0;
	s3 =	srdreg.scid;
	s5 =	smul.u32 $0x4E200, s1  }
0x5: {  	s11 =	simm.s32 $0x0;
	s7 =	sand.u32 $0x1, s3;
	s10 =	smul.u32 $0x9C4, s1  }
0x6: {  	[smem:$0x7FF] =	sst s2;
	s3 =	sadd.s32 $0x2BE00, s4;
	s9 =	smul.u32 $0x27100, s7  }
0x7: {  	_ =	strace $0x80000047;
	s8 =	ssub.s32 $0x2, s7;
	s7 =	smul.u32 $0x4E2, s7  }
0x8: {  	s4 =	sadd.s32 s5, s4;
	s30 =	sshrl.u32 s8, $0x1;
	s6 =	sadd.s32 s10, s6  }
0x9: {  	s10 =	simm.s32 $0x1;
	s5 =	ssub.s32 s8, s30;
	s31 =	sadd.s32 s9, s4  }
0xa: {  	s6 =	sadd.s32 s7, s6;
	s7 =	simm.s32 $0x2;
	s8 =	simm.s32 $0x50  }
0xb: {  	s9 =	simm.s32 $0x80;
	s4 =	smax.u32 s5, $0x1;
	s5 =	sadd.s32 $0x53000, s31  }
.LBB2_1:
0xc: {  	s12 =	sadd.s32 $0x0, s6  }
0xd: {  	[tilespmem:s2], [sflag:$0x2] =	stream.linear.gather [hbm4b:s12+s2], $0x50, $0x38;
	[tilespmem:$0x2880] =	vst v63  }
0xe: {  	_ =	swait.ge [sflag:s7], $0x50  }
0xf: {  	[sflag:s7] =	ssyncset.done $0x0  }
0x10: {  	[sflag:s7] =	ssyncadd.s32 $0xFFFFFFB0  }
0x11: {  	[tilespmem:s9], [sflag:$0x1] =	stream.indirect.gather [hbm4b:s3+s8], $0x80, s2, s8, $0xb8;
	[tilespmem:$0x2880] =	vst v63  }
0x12: {  	_ =	swait.ge [sflag:s10], $0x2800  }
0x13: {  	[sflag:s10] =	ssyncset.done $0x0  }
0x14: {  	[sflag:s10] =	ssyncadd.s32 $0xFFFFD800  }
0x15: {  	[hbm4b:s5+s2] =	stream.linear.scatter [tilespmem:s9], [sflag:$0x2], $0x2800, $0x38;
	[tilespmem:$0x2880] =	vst v63  }
0x16: {  	s13 =	simm.s32 $0xA;
	_ =	swait.ge [sflag:s7], $0x2800  }
0x17: {  	s14 =	simm.s32 $0x14;
	s12 =	sadd.s32 $0x500, s5;
	[sflag:s7] =	ssyncset.done $0x0  }
.LBB2_2:
0x18: {  	s15 =	sadd.s32 s13, s6  }
0x19: {  	[sflag:s7] =	ssyncadd.s32 $0xFFFFD800;
	s13 =	smov.u32 s14;
	s16 =	sadd.s32 $0xA, s14  }
0x1a: {  	[tilespmem:s2], [sflag:$0x2] =	stream.linear.gather [hbm4b:s15+s2], $0x50, $0x38;
	[tilespmem:$0x2880] =	vst v63  }
0x1b: {  	p0 =	sne.s32 s14, $0x4D8;
	_ =	swait.ge [sflag:s7], $0x50  }
0x1c: {  	[sflag:s7] =	ssyncset.done $0x0  }
0x1d: {  	[sflag:s7] =	ssyncadd.s32 $0xFFFFFFB0  }
0x1e: {  	[tilespmem:s9], [sflag:$0x1] =	stream.indirect.gather [hbm4b:s3+s8], $0x80, s2, s8, $0xb8;
	[tilespmem:$0x2880] =	vst v63  }
0x1f: {  	_ =	swait.ge [sflag:s10], $0x2800  }
.Ltmp0:
0x20: {  	[sflag:s10] =	ssyncset.done $0x0;
	(pc) =	sbr.rel @p0 .LBB2_2-.Ltmp0, $4  }
0x21: {  	[sflag:s10] =	ssyncadd.s32 $0xFFFFD800  }
0x22: {  	[hbm4b:s12+s2] =	stream.linear.scatter [tilespmem:s9], [sflag:$0x2], $0x2800, $0x38;
	[tilespmem:$0x2880] =	vst v63  }
0x23: {  	_ =	swait.ge [sflag:s7], $0x2800  }
0x24: {  	s14 =	smov.u32 s16;
	s12 =	sadd.s32 $0x500, s12;
	[sflag:s7] =	ssyncset.done $0x0  }
0x25: {  	s13 =	sadd.s32 s13, s6;
	[sflag:s7] =	ssyncadd.s32 $0xFFFFD800  }
0x26: {  	[tilespmem:s2], [sflag:$0x2] =	stream.linear.gather [hbm4b:s13+s2], $0x50, $0x38;
	[tilespmem:$0x2880] =	vst v63  }
0x27: {  	_ =	swait.ge [sflag:s7], $0x50  }
0x28: {  	[sflag:s7] =	ssyncset.done $0x0  }
0x29: {  	[sflag:s7] =	ssyncadd.s32 $0xFFFFFFB0  }
0x2a: {  	[tilespmem:s9], [sflag:$0x1] =	stream.indirect.gather [hbm4b:s3+s8], $0x80, s2, s8, $0xb8;
	[tilespmem:$0x2880] =	vst v63  }
0x2b: {  	s11 =	sadd.s32 $0x1, s11;
	_ =	swait.ge [sflag:s10], $0x2800  }
0x2c: {  	p0 =	sne.s32 s11, s4;
	[sflag:s10] =	ssyncset.done $0x0  }
.Ltmp1:
0x2d: {  	[sflag:s10] =	ssyncadd.s32 $0xFFFFD800;
	(pc) =	sbr.rel @p0 .LBB2_1-.Ltmp1, $4  }
0x2e: {  	[hbm4b:s12+s2] =	stream.linear.scatter [tilespmem:s9], [sflag:$0x2], $0x2800, $0x38;
	[tilespmem:$0x2880] =	vst v63  }
0x2f: {  	_ =	swait.ge [sflag:s7], $0x2800  }
0x30: {  	[sflag:s7] =	ssyncset.done $0x0  }
0x31: {  	[sflag:s7] =	ssyncadd.s32 $0xFFFFD800  }
0x32: {  	_ =	sfence.sel $0x180000  }
0x33: {  	[bflag:$0x0] =	sbarrier.arrive $0xFFFF  }
0x34: {  	p0 =	sne.s32 s1, $0x0;
	_ =	strace $0x90000047  }
0x35: {  	s0 =	sadd.s32 @!p0 $0x100000, s0;
	[bflag:$0x2] =	sbarrier.arrive $0xFFFF  }
0x36: {  	[sflag:s0] =	ssyncadd.tile.s32 @!p0 $0x1;
	_ =	shalt  }
.Lfunc_end2:
_tile_overlayer_lowered:
.L_overlay_start_2:
0x37: {  	(tag) =	ssettag $0x2  }
0x38: {  	s0 =	rddreg [dreg:$0x0];
	s2 =	stileid.u32  }
0x39: {  	s1 =	rddreg [dreg:$0x1];
	p0 =	sne.s32 s2, $0x0  }
0x3a: {  	s3 =	rddreg [dreg:$0x2];
	[bflag:$0x3] =	sbarrier.arrive $0xFFFF;
	s2 =	simm.s32 @!p0 $0x1C02  }
0x3b: {  	[timem:s3], [sflag:s2] =	dma.local @!p0 [hbm:s0], s1  }
0x3c: {  	s0 =	simm.s32 @!p0 $0x2  }
0x3d: {  	_ =	swait.ge @!p0 [sflag:s0], s1  }
0x3e: {  	s1 =	ssub.s32 @!p0 $0x0, s1;
	[sflag:s0] =	ssyncset.done @!p0 $0x0  }
0x3f: {  	[sflag:s0] =	ssyncadd.s32 @!p0 s1  }
0x40: {  	[bflag:$0x3] =	sbarrier.arrive $0xFFFF  }
0x41: {  	_ =	shalt  }

// kernel: kernel.22.cloned.1.call-start
scs
__scs_entry_jumppad:
0x0: {  	(pc) =	sbr.rel $0x88, $3  }
0x1: {  	(tag) =	ssettag $0x0;
	lr =	simm.s32 $0x1  }
0x2: {  	[smem:$0x3F88] =	sst lr;
	_ =	strace $0xD0000000  }
0x3: {  	_ = 	snop  }
0x4: {  	_ = 	snop  }
0x5: {  	_ = 	snop  }
0x6: {  	_ = 	snop  }
0x7: {  	_ = 	snop  }
__scs_overlays_trampoline_lowered:
0x8: {  	[smem:$0x3F97] =	sst s0  }
0x9: {  	[smem:$0x3F98] =	sst s1  }
0xa: {  	[smem:$0x3F99] =	sst s2  }
0xb: {  	[smem:$0x3F9A] =	sst s3  }
0xc: {  	[smem:$0x3F9B] =	sst s4  }
0xd: {  	[smem:$0x3F9C] =	sst s5  }
0xe: {  	[smem:$0x3F9D] =	sst s6  }
0xf: {  	[smem:$0x3F9E] =	sst s7  }
0x10: {  	[smem:$0x3F9F] =	sst s8  }
0x11: {  	[smem:$0x3FA0] =	sst s9;
	s0 =	simm.s32 @!p0 $0x0  }
0x12: {  	s1 =	sld [smem:$0x3F86];
	s0 =	simm.s32 @p0 $0x1  }
0x13: {  	[smem:$0x3FA1] =	sst s0;
	s0 =	simm.s32 @!p1 $0x0  }
0x14: {  	s2 =	sld [smem:$0x3F85];
	s0 =	simm.s32 @p1 $0x1  }
0x15: {  	[smem:$0x3FA2] =	sst s0;
	s0 =	simm.s32 @!p2 $0x0  }
0x16: {  	s3 =	sld [smem:$0x3FDB];
	s0 =	simm.s32 @p2 $0x1  }
0x17: {  	s4 =	simm.s32 $0x1BF5;
	[smem:$0x3FA4] =	sst s0  }
0x18: {  	s0 =	sld [smem:$0x3F87];
	_ =	swait.ge [sflag:s4], $0x0  }
0x19: {  	s7 =	sld [smem:$0x3F88]  }
0x1a: {  	s8 =	sadd.s32 $0xFFFFE003, lr  }
0x1b: {  	s9 =	sadd.s32 $0xFFFFFEF7, lr;
	s5 =	simm.s32 $0xFFFFFFFF;
	p2 =	slt.u32 s8, $0xFFFFF086  }
0x1c: {  	p1 =	slt.u32 s9, $0xF7A;
	s5 =	simm.s32 @!p2 $0x0  }
0x1d: {  	s5 =	simm.s32 @p1 $0x1;
	p0 =	seq.s32 s7, s2  }
0x1e: {  	s7 =	smul.u32 @!p0 $0xF7A, s2;
	p2 =	seq.s32 @!p0 s5, $0x0  }
0x1f: {  	s9 =	smul.u32 $0xF7A, s1;
	s8 =	simm.s32 @!p0 $0x1BF5;
	p2 =	por !p2, p0  }
0x20: {  	[sflag:s8] =	ssyncset.s32 @!p0 $0xFFFFF086;
	s6 =	sadd.s32 @!p0 s3, s7;
	s7 =	simm.s32 @!p0 $0x108  }
0x21: {  	s3 =	sadd.s32 s3, s9;
	s6 =	sadd.s32 @!p0 $0x88, s6;
	s7 =	simm.s32 @p2 $0x1082  }
0x22: {  	[simem:s7], [sflag:s8] =	dma.local @!p0 [hbm:s6], $0xF7A  }
0x23: {  	s9 =	sor.u32 $0xD0000000, s2;
	s6 =	simm.s32 $0x108;
	_ =	swait.ge @!p0 [sflag:s8], $0x0  }
0x24: {  	s3 =	sadd.s32 $0x88, s3;
	s6 =	simm.s32 @!p1 $0x1082;
	[sflag:s4] =	ssyncset.s32 $0xFFFFF086  }
0x25: {  	[simem:s6], [sflag:s4] =	dma.local [hbm:s3], $0xF7A  }
0x26: {  	[smem:$0x3F88] =	sst s1;
	(tag) =	ssettag s2;
	_ =	strace s9  }
0x27: {  	s1 =	sld [smem:$0x3F98]  }
0x28: {  	s2 =	sld [smem:$0x3F99]  }
0x29: {  	s4 =	sld [smem:$0x3F9B]  }
0x2a: {  	p0 =	seq.s32 s5, $0x0;
	s5 =	sld [smem:$0x3F9C]  }
0x2b: {  	s6 =	sld [smem:$0x3F9D]  }
0x2c: {  	s7 =	sld [smem:$0x3F9E]  }
0x2d: {  	s3 =	simm.s32 $0x108;
	s8 =	sld [smem:$0x3F9F]  }
0x2e: {  	s3 =	simm.s32 @!p0 $0x1082;
	s9 =	sld [smem:$0x3FA0]  }
0x2f: {  	lr =	sadd.s32 s0, s3;
	s0 =	sld [smem:$0x3F97]  }
0x30: {  	s3 =	sld [smem:$0x3F9A]  }
0x31: {  	[smem:$0x3FA3] =	sst s10  }
0x32: {  	s10 =	sld [smem:$0x3FA1];
	_ =	sdelay $0x3  }
0x33: {  	p0 =	seq.s32 s10, $0x1;
	s10 =	sld [smem:$0x3FA3];
	_ =	sdelay $0x3  }
0x34: {  	[smem:$0x3FA3] =	sst s10  }
0x35: {  	s10 =	sld [smem:$0x3FA2];
	_ =	sdelay $0x3  }
0x36: {  	p1 =	seq.s32 s10, $0x1;
	s10 =	sld [smem:$0x3FA3];
	_ =	sdelay $0x3  }
0x37: {  	[smem:$0x3FA3] =	sst s10  }
0x38: {  	s10 =	sld [smem:$0x3FA4]  }
0x39: {  	_ = 	snop;
	(pc) =	sbr.ind lr, $3  }
0x3a: {  	_ = 	snop  }
0x3b: {  	_ = 	snop  }
0x3c: {  	p2 =	seq.s32 s10, $0x1;
	s10 =	sld [smem:$0x3FA3]  }
0x3d: {  	_ =	shalt  }
0x3e: {  	_ =	shalt  }
0x3f: {  	_ =	shalt  }
0x40: {  	_ =	shalt  }
0x41: {  	_ =	shalt  }
0x42: {  	_ =	shalt  }
0x43: {  	_ =	shalt  }
0x44: {  	_ =	shalt  }
0x45: {  	_ =	shalt  }
0x46: {  	_ =	shalt  }
0x47: {  	_ =	shalt  }
0x48: {  	_ =	shalt  }
0x49: {  	_ =	shalt  }
0x4a: {  	_ =	shalt  }
0x4b: {  	_ =	shalt  }
0x4c: {  	_ =	shalt  }
0x4d: {  	_ =	shalt  }
0x4e: {  	_ =	shalt  }
0x4f: {  	_ =	shalt  }
0x50: {  	_ =	shalt  }
0x51: {  	_ =	shalt  }
0x52: {  	_ =	shalt  }
0x53: {  	_ =	shalt  }
0x54: {  	_ =	shalt  }
0x55: {  	_ =	shalt  }
0x56: {  	_ =	shalt  }
0x57: {  	_ =	shalt  }
0x58: {  	_ =	shalt  }
0x59: {  	_ =	shalt  }
0x5a: {  	_ =	shalt  }
0x5b: {  	_ =	shalt  }
0x5c: {  	_ =	shalt  }
0x5d: {  	_ =	shalt  }
0x5e: {  	_ =	shalt  }
0x5f: {  	_ =	shalt  }
0x60: {  	_ =	shalt  }
0x61: {  	_ =	shalt  }
0x62: {  	_ =	shalt  }
0x63: {  	_ =	shalt  }
0x64: {  	_ =	shalt  }
0x65: {  	_ =	shalt  }
0x66: {  	_ =	shalt  }
0x67: {  	_ =	shalt  }
0x68: {  	_ =	shalt  }
0x69: {  	_ =	shalt  }
0x6a: {  	_ =	shalt  }
0x6b: {  	_ =	shalt  }
0x6c: {  	_ =	shalt  }
0x6d: {  	_ =	shalt  }
0x6e: {  	_ =	shalt  }
0x6f: {  	_ =	shalt  }
0x70: {  	_ =	shalt  }
0x71: {  	_ =	shalt  }
0x72: {  	_ =	shalt  }
0x73: {  	_ =	shalt  }
0x74: {  	_ =	shalt  }
0x75: {  	_ =	shalt  }
0x76: {  	_ =	shalt  }
0x77: {  	_ =	shalt  }
0x78: {  	_ =	shalt  }
0x79: {  	_ =	shalt  }
0x7a: {  	_ =	shalt  }
0x7b: {  	_ =	shalt  }
0x7c: {  	_ =	shalt  }
0x7d: {  	_ =	shalt  }
0x7e: {  	_ =	shalt  }
0x7f: {  	_ =	shalt  }
0x80: {  	_ =	shalt  }
0x81: {  	_ =	shalt  }
0x82: {  	_ =	shalt  }
0x83: {  	_ =	shalt  }
0x84: {  	_ =	shalt  }
0x85: {  	_ =	shalt  }
0x86: {  	_ =	shalt  }
0x87: {  	_ =	shalt  }
.Lfunc_end0:
.L_simem_size_0:
called_computation.2_lowered:
.L_overlay_start_0:
0x88: {  	s2 =	sld [smem:$0x3FD9]  }
0x89: {  	s3 =	sld [smem:$0x3FFE];
	_ =	sdelay $0x1  }
0x8a: {  	s1 =	srdreg.scid  }
0x8b: {  	s0 =	sand.u32 $0x1, s1  }
0x8c: {  	s17 =	sshll.u32 s0, $0xA;
	s2 =	sadd.s32 s3, s2  }
0x8d: {  	s2 =	sadd.s32 s2, s17  }
0x8e: {  	[smem:$0x3FAF] =	sst s2  }
0x8f: {  	_ = 	snop  }
0x90: {  	s2 =	sld [smem:$0x3FB1]  }
0x91: {  	s18 =	sld [smem:$0x3FD0];
	(tm) =	ssettm $0x1  }
0x92: {  	s4 =	sld [smem:$0x3FFB];
	_ =	sdelay $0x3  }
0x93: {  	_ =	strace s4  }
0x94: {  	s4 =	sld [smem:$0x3FFC];
	_ =	sdelay $0x3  }
0x95: {  	_ =	strace s4  }
0x96: {  	s4 =	sld [smem:$0x3FFD];
	_ =	sdelay $0x3  }
0x97: {  	_ =	strace s4  }
0x98: {  	_ =	strace $0x8FFFFFFF  }
0x99: {  	s19 =	sld [smem:$0x3FDB];
	_ =	sdelay $0x1  }
0x9a: {  	s5 =	simm.s32 $_scs_section_size  }
0x9b: {  	s6 =	simm.s32 $_size__tile_overlayer_lowered;
	s7 =	simm.s32 $_tile_overlayer_lowered  }
0x9c: {  	s22 =	simm.s32 $0x1BFF;
	s21 =	sshll.u32 s7, $0x1;
	s4 =	sadd.s32 s5, s19  }
0x9d: {  	s8 =	simm.s32 $0x0;
	s20 =	sshll.u32 s6, $0x1;
	s6 =	sadd.s32 s21, s4  }
0x9e: {  	[timem:s8], [sflag:s22] =	dma.local [hbm:s6], s20  }
0x9f: {  	_ =	swait.ge [sflag:s22], s20  }
0xa0: {  	s5 =	ssub.s32 $0x0, s20;
	[sflag:s22] =	ssyncset.done $0x0  }
0xa1: {  	[sflag:s22] =	ssyncadd.s32 s5;
	_ =	sdelay $0x1  }
0xa2: {  	s23 =	simm.s32 $0x1B8B  }
0xa3: {  	_ =	swait.ge [sflag:s23], $0x1  }
0xa4: {  	[sflag:s23] =	ssyncset.done $0x0  }
0xa5: {  	s25 =	simm.s32 $0x1B8E;
	s24 =	sld [smem:$0x3FFE];
	[sflag:s23] =	ssyncadd.s32 $0xFFFFFFFF  }
0xa6: {  	s26 =	simm.s32 $execute0_lowered;
	[smem:$0x3FD2] =	sst s25  }
0xa7: {  	s6 =	sshll.u32 s26, $0x1;
	_ =	strace $0x8000004C;
	[dreg:$0x1] =	wrdreg $0xFFFFFFFF  }
0xa8: {  	s28 =	simm.s32 $_size_execute0_lowered;
	s4 =	sadd.s32 s4, s6;
	[dreg:$0x0] =	wrdreg $0x0  }
0xa9: {  	s6 =	sshll.u32 s28, $0x1;
	[dreg:$0x2] =	wrdreg s4  }
0xaa: {  	[dreg:$0x3] =	wrdreg s6  }
0xab: {  	[dreg:$0x4] =	wrdreg $0xC0  }
0xac: {  	_ =	task [dreg:s8], $0x5FFFF  }
0xad: {  	[dreg:$0x1] =	wrdreg $0xFFFFFFFF  }
0xae: {  	[dreg:$0x0] =	wrdreg $0x60  }
0xaf: {  	[dreg:$0x2] =	wrdreg s24  }
0xb0: {  	[dreg:$0x3] =	wrdreg s2  }
0xb1: {  	[dreg:$0x4] =	wrdreg s18  }
0xb2: {  	[dreg:$0x5] =	wrdreg $0x2C800  }
0xb3: {  	[dreg:$0x6] =	wrdreg $0x9  }
0xb4: {  	_ =	task.clear_ibuf [dreg:s8], $0x7FFFF;
	_ =	strace $0x9000004C  }
0xb5: {  	s29 =	simm.s32 $0x9;
	_ =	strace $0x8000004E  }
0xb6: {  	_ =	swait.ge [sflag:s29], $0x1  }
0xb7: {  	[sflag:s29] =	ssyncadd.s32 $0xFFFFFFFF  }
0xb8: {  	_ =	strace $0x9000004E  }
0xb9: {  	_ =	sfence  }
0xba: {  	s30 =	sld [smem:$0x0];
	_ =	sdelay $0x2  }
0xbb: {  	s31 =	sshll.u32 s1, $0xD;
	s1 =	sshrl.u32 s1, $0x2  }
0xbc: {  	s3 =	sand.u32 $0x4000, s31;
	s1 =	sadd.s32 s1, s30  }
0xbd: {  	s0 =	sor.u32 s3, s0;
	s1 =	sshll.u32 s1, $0x11  }
0xbe: {  	s0 =	sor.u32 s1, s0  }
0xbf: {  	s0 =	sadd.s32 $0x8F2B, s0  }
0xc0: {  	[sflag:s0] =	ssyncadd.remote.s32 $0x1  }
0xc1: {  	_ =	sfence.sel $0xFFFF  }
0xc2: {  	[dreg:$0x0] =	wrdreg $0xFFFFFFFF;
	(pc) =	sbr.abs _section_cstart, $3  }
0xc3: {  	[dreg:$0x1] =	wrdreg $0xFFFFFFFF  }
0xc4: {  	_ =	task.clear_ibuf [dreg:s8], $0x2FFFF;
	_ =	strace $0x9FFFFFFF  }
0xc5: {  	(tm) =	ssettm $0x7FFFFFFF  }
tec
execute0_lowered:
.L_overlay_start_1:
0x0: {  	(tag) =	ssettag $0x1  }
0x1: {  	s4 =	rddreg [dreg:$0x0]  }
0x2: {  	s8 =	rddreg [dreg:$0x1];
	s1 =	stileid.u32  }
0x3: {  	s5 =	rddreg [dreg:$0x2];
	s9 =	smul.u32 $0x4F000, s1  }
0x4: {  	s0 =	srdreg.scid;
	s13 =	smul.u32 $0x13C00, s1  }
0x5: {  	s2 =	rddreg [dreg:$0x3];
	s3 =	simm.s32 $0x0;
	s28 =	smul.u32 $0x27100, s1  }
0x6: {  	s6 =	sand.u32 $0x1, s0;
	s0 =	rddreg [dreg:$0x4];
	s30 =	smul.u32 $0x4E2, s1  }
0x7: {  	s15 =	simm.s32 $0x0;
	[smem:$0x7FF] =	sst s3;
	s7 =	smul.u32 $0x271000, s6  }
0x8: {  	s31 =	sshll.u32 s1, $0x6;
	s10 =	ssub.s32 $0x2, s6;
	s11 =	smul.u32 $0x13C000, s6  }
0x9: {  	_ =	strace $0x8000004D;
	s29 =	smul.u32 $0x4E20, s6;
	s12 =	sshrl.u32 s10, $0x1  }
0xa: {  	s25 =	sshrl.u32 s9, $0x2;
	s7 =	sadd.s32 s7, s4;
	s10 =	ssub.s32 s10, s12  }
0xb: {  	s26 =	sadd.s32 s13, s11;
	s4 =	sadd.s32 s25, s2;
	s8 =	sadd.s32 s29, s8  }
0xc: {  	s11 =	simm.s32 $0x80;
	s12 =	simm.s32 $0x50;
	s13 =	sor.u32 $0x1C01, s31  }
0xd: {  	s9 =	sshrl.u32 s26, $0x3;
	s7 =	sadd.s32 s28, s7;
	s6 =	smax.u32 s10, $0x1  }
0xe: {  	s8 =	sadd.s32 s30, s8;
	s10 =	simm.s32 $0x1;
	s14 =	sshrl.u32 s4, $0x3  }
0xf: {  	v0 =	vimm.f32 $0.0e+00;
	s5 =	sadd.s32 s5, s9;
	s7 =	sadd.s32 $0x535000, s7;
	s9 =	simm.s32 $0x2880  }
.LBB2_1:
0x10: {  	[tilespmem:$0x2880] =	vst v0  }
0x11: {  	[tilespmem:$0x2890] =	vst v0  }
0x12: {  	[tilespmem:$0x28A0] =	vst v0  }
0x13: {  	[tilespmem:$0x28B0] =	vst v0  }
0x14: {  	[tilespmem:$0x28C0] =	vst v0  }
0x15: {  	[tilespmem:$0x28D0] =	vst v0  }
0x16: {  	[tilespmem:$0x28E0] =	vst v0  }
0x17: {  	[tilespmem:$0x28F0] =	vst v0  }
0x18: {  	[tilespmem:$0x2900] =	vst v0  }
0x19: {  	[tilespmem:$0x2910] =	vst v0  }
0x1a: {  	[tilespmem:$0x2920] =	vst v0  }
0x1b: {  	[tilespmem:$0x2930] =	vst v0  }
0x1c: {  	[tilespmem:$0x2940] =	vst v0  }
0x1d: {  	[tilespmem:$0x2950] =	vst v0  }
0x1e: {  	[tilespmem:$0x2960] =	vst v0  }
0x1f: {  	[tilespmem:$0x2970] =	vst v0  }
0x20: {  	[tilespmem:$0x2980] =	vst v0  }
0x21: {  	[tilespmem:$0x2990] =	vst v0  }
0x22: {  	[tilespmem:$0x29A0] =	vst v0  }
0x23: {  	[tilespmem:$0x29B0] =	vst v0  }
0x24: {  	[tilespmem:$0x29C0] =	vst v0  }
0x25: {  	[tilespmem:$0x29D0] =	vst v0  }
0x26: {  	[tilespmem:$0x29E0] =	vst v0  }
0x27: {  	[tilespmem:$0x29F0] =	vst v0  }
0x28: {  	[tilespmem:$0x2A00] =	vst v0  }
0x29: {  	[tilespmem:$0x2A10] =	vst v0  }
0x2a: {  	[tilespmem:$0x2A20] =	vst v0  }
0x2b: {  	[tilespmem:$0x2A30] =	vst v0  }
0x2c: {  	[tilespmem:$0x2A40] =	vst v0  }
0x2d: {  	[tilespmem:$0x2A50] =	vst v0  }
0x2e: {  	[tilespmem:$0x2A60] =	vst v0  }
0x2f: {  	[tilespmem:$0x2A70] =	vst v0  }
0x30: {  	[tilespmem:$0x2A80] =	vst v0  }
0x31: {  	[tilespmem:$0x2A90] =	vst v0  }
0x32: {  	[tilespmem:$0x2AA0] =	vst v0  }
0x33: {  	[tilespmem:$0x2AB0] =	vst v0  }
0x34: {  	[tilespmem:$0x2AC0] =	vst v0  }
0x35: {  	[tilespmem:$0x2AD0] =	vst v0  }
0x36: {  	[tilespmem:$0x2AE0] =	vst v0  }
0x37: {  	[tilespmem:$0x2AF0] =	vst v0  }
0x38: {  	[tilespmem:$0x2B00] =	vst v0  }
0x39: {  	[tilespmem:$0x2B10] =	vst v0  }
0x3a: {  	[tilespmem:$0x2B20] =	vst v0  }
0x3b: {  	[tilespmem:$0x2B30] =	vst v0  }
0x3c: {  	[tilespmem:$0x2B40] =	vst v0  }
0x3d: {  	[tilespmem:$0x2B50] =	vst v0  }
0x3e: {  	[tilespmem:$0x2B60] =	vst v0  }
0x3f: {  	[tilespmem:$0x2B70] =	vst v0  }
0x40: {  	[tilespmem:$0x2B80] =	vst v0  }
0x41: {  	[tilespmem:$0x2B90] =	vst v0  }
0x42: {  	[tilespmem:$0x2BA0] =	vst v0  }
0x43: {  	[tilespmem:$0x2BB0] =	vst v0  }
0x44: {  	[tilespmem:$0x2BC0] =	vst v0  }
0x45: {  	[tilespmem:$0x2BD0] =	vst v0  }
0x46: {  	[tilespmem:$0x2BE0] =	vst v0  }
0x47: {  	[tilespmem:$0x2BF0] =	vst v0  }
0x48: {  	[tilespmem:$0x2C00] =	vst v0  }
0x49: {  	[tilespmem:$0x2C10] =	vst v0  }
0x4a: {  	[tilespmem:$0x2C20] =	vst v0  }
0x4b: {  	[tilespmem:$0x2C30] =	vst v0  }
0x4c: {  	[tilespmem:$0x2C40] =	vst v0  }
0x4d: {  	[tilespmem:$0x2C50] =	vst v0  }
0x4e: {  	[tilespmem:$0x2C60] =	vst v0  }
0x4f: {  	[tilespmem:$0x2C70] =	vst v0;
	s16 =	sadd.s32 $0x0, s4  }
0x50: {  	[spmem:s16] =	stream.linear.scatter [tilespmem:s9], [sflag:$0x1], $0x400, $0x38;
	[tilespmem:$0x16880] =	vst v63  }
0x51: {  	s16 =	simm.s32 $0x1000;
	_ =	swait.ge [sflag:s10], $0x400  }
.LBB2_2:
0x52: {  	s17 =	sshra.s32 s16, $0x2;
	[sflag:s10] =	ssyncset.done $0x0;
	p0 =	sne.s32 s16, $0x4E000  }
.Ltmp0:
0x53: {  	s17 =	sadd.s32 s17, s4;
	[sflag:s10] =	ssyncadd.s32 $0xFFFFFC00;
	(pc) =	sbr.rel @p0 .LBB2_2-.Ltmp0, $3  }
0x54: {  	[spmem:s17] =	stream.linear.scatter [tilespmem:s9], [sflag:$0x1], $0x400, $0x38;
	[tilespmem:$0x16880] =	vst v63  }
0x55: {  	s16 =	sadd.s32 $0x1000, s16;
	_ =	sdelay $0x1  }
0x56: {  	_ =	swait.ge [sflag:s10], $0x400  }
0x57: {  	[sflag:s10] =	ssyncset.done $0x0  }
0x58: {  	[sflag:s10] =	ssyncadd.s32 $0xFFFFFC00  }
0x59: {  	s16 =	sadd.s32 $0x0, s8;
	[bflag:$0x0] =	sbarrier.arrive $0xFFFF  }
0x5a: {  	[tilespmem:s3], [sflag:$0x1] =	stream.linear.gather [hbm4b:s16+s3], $0x50, $0x38;
	[tilespmem:$0x16880] =	vst v63  }
0x5b: {  	_ =	swait.ge [sflag:s10], $0x50  }
0x5c: {  	[sflag:s10] =	ssyncset.done $0x0  }
0x5d: {  	[sflag:s10] =	ssyncadd.s32 $0xFFFFFFB0  }
0x5e: {  	[tilespmem:s11], [sflag:$0x1] =	stream.linear.gather [hbm4b:s7+s3], $0x2800, $0x38;
	[tilespmem:$0x16880] =	vst v63  }
0x5f: {  	_ =	swait.ge [sflag:s10], $0x2800  }
0x60: {  	[sflag:s10] =	ssyncset.done $0x0  }
0x61: {  	[sflag:s10] =	ssyncadd.s32 $0xFFFFD800  }
0x62: {  	[spmem:s2] =	stream.indirect.scatter.add.f32 [tilespmem:s11], [sflag:$0x1], $0x80, s3, s12, $0xb8;
	[tilespmem:$0x16880] =	vst v63  }
0x63: {  	s17 =	simm.s32 $0xA;
	_ =	swait.ge [sflag:s10], $0x2800  }
0x64: {  	s18 =	simm.s32 $0x14;
	s16 =	sadd.s32 $0x500, s7;
	[sflag:s10] =	ssyncset.done $0x0  }
.LBB2_4:
0x65: {  	s19 =	sadd.s32 s17, s8  }
0x66: {  	[sflag:s10] =	ssyncadd.s32 $0xFFFFD800;
	s17 =	smov.u32 s18;
	s20 =	sadd.s32 $0xA, s18  }
0x67: {  	[tilespmem:s3], [sflag:$0x1] =	stream.linear.gather [hbm4b:s19+s3], $0x50, $0x38;
	[tilespmem:$0x16880] =	vst v63  }
0x68: {  	p0 =	sne.s32 s18, $0x4D8;
	_ =	swait.ge [sflag:s10], $0x50  }
0x69: {  	[sflag:s10] =	ssyncset.done $0x0  }
0x6a: {  	[sflag:s10] =	ssyncadd.s32 $0xFFFFFFB0  }
0x6b: {  	[tilespmem:s11], [sflag:$0x1] =	stream.linear.gather [hbm4b:s16+s3], $0x2800, $0x38;
	[tilespmem:$0x16880] =	vst v63  }
0x6c: {  	_ =	swait.ge [sflag:s10], $0x2800  }
.Ltmp1:
0x6d: {  	[sflag:s10] =	ssyncset.done $0x0;
	(pc) =	sbr.rel @p0 .LBB2_4-.Ltmp1, $4  }
0x6e: {  	[sflag:s10] =	ssyncadd.s32 $0xFFFFD800  }
0x6f: {  	[spmem:s2] =	stream.indirect.scatter.add.f32 [tilespmem:s11], [sflag:$0x1], $0x80, s3, s12, $0xb8;
	[tilespmem:$0x16880] =	vst v63  }
0x70: {  	_ =	swait.ge [sflag:s10], $0x2800  }
0x71: {  	s18 =	smov.u32 s20;
	s16 =	sadd.s32 $0x500, s16;
	[sflag:s10] =	ssyncset.done $0x0  }
0x72: {  	s17 =	sadd.s32 s17, s8;
	[sflag:s10] =	ssyncadd.s32 $0xFFFFD800  }
0x73: {  	[tilespmem:s3], [sflag:$0x1] =	stream.linear.gather [hbm4b:s17+s3], $0x50, $0x38;
	[tilespmem:$0x16880] =	vst v63  }
0x74: {  	_ =	swait.ge [sflag:s10], $0x50  }
0x75: {  	[sflag:s10] =	ssyncset.done $0x0  }
0x76: {  	[sflag:s10] =	ssyncadd.s32 $0xFFFFFFB0  }
0x77: {  	[tilespmem:s11], [sflag:$0x1] =	stream.linear.gather [hbm4b:s16+s3], $0x2800, $0x38;
	[tilespmem:$0x16880] =	vst v63  }
0x78: {  	_ =	swait.ge [sflag:s10], $0x2800  }
0x79: {  	[sflag:s10] =	ssyncset.done $0x0  }
0x7a: {  	[sflag:s10] =	ssyncadd.s32 $0xFFFFD800  }
0x7b: {  	[spmem:s2] =	stream.indirect.scatter.add.f32 [tilespmem:s11], [sflag:$0x1], $0x80, s3, s12, $0xb8;
	[tilespmem:$0x16880] =	vst v63  }
0x7c: {  	_ =	swait.ge [sflag:s10], $0x2800  }
0x7d: {  	s15 =	sadd.s32 $0x1, s15;
	[sflag:s10] =	ssyncset.done $0x0  }
0x7e: {  	p0 =	sne.s32 s15, s6;
	[sflag:s10] =	ssyncadd.s32 $0xFFFFD800  }
.Ltmp2:
0x7f: {  	[bflag:$0x0] =	sbarrier.arrive $0xFFFF;
	(pc) =	sbr.rel @p0 .LBB2_1-.Ltmp2, $4  }
0x80: {  	[hbm:s5], [sflag:s13] =	dma.local [spmem:s14], $0x2780  }
0x81: {  	_ =	swait.ge [sflag:s10], $0x2780  }
0x82: {  	[sflag:s10] =	ssyncset.done $0x0  }
0x83: {  	[sflag:s10] =	ssyncadd.s32 $0xFFFFD880  }
0x84: {  	_ =	sfence.sel $0x180000  }
0x85: {  	[bflag:$0x0] =	sbarrier.arrive $0xFFFF  }
0x86: {  	p0 =	sne.s32 s1, $0x0;
	_ =	strace $0x9000004D  }
0x87: {  	s0 =	sadd.s32 @!p0 $0x100000, s0;
	[bflag:$0x2] =	sbarrier.arrive $0xFFFF  }
0x88: {  	[sflag:s0] =	ssyncadd.tile.s32 @!p0 $0x1;
	_ =	shalt  }
.Lfunc_end2:
_tile_overlayer_lowered:
.L_overlay_start_2:
0x89: {  	(tag) =	ssettag $0x2  }
0x8a: {  	s0 =	rddreg [dreg:$0x0];
	s2 =	stileid.u32  }
0x8b: {  	s1 =	rddreg [dreg:$0x1];
	p0 =	sne.s32 s2, $0x0  }
0x8c: {  	s3 =	rddreg [dreg:$0x2];
	[bflag:$0x3] =	sbarrier.arrive $0xFFFF;
	s2 =	simm.s32 @!p0 $0x1C01  }
0x8d: {  	[timem:s3], [sflag:s2] =	dma.local @!p0 [hbm:s0], s1  }
0x8e: {  	s0 =	simm.s32 @!p0 $0x1  }
0x8f: {  	_ =	swait.ge @!p0 [sflag:s0], s1  }
0x90: {  	s1 =	ssub.s32 @!p0 $0x0, s1;
	[sflag:s0] =	ssyncset.done @!p0 $0x0  }
0x91: {  	[sflag:s0] =	ssyncadd.s32 @!p0 s1  }
0x92: {  	[bflag:$0x3] =	sbarrier.arrive $0xFFFF  }
0x93: {  	_ =	shalt  }

// kernel: kernel.25.cloned.1.call-start
scs
__scs_entry_jumppad:
0x0: {  	(pc) =	sbr.rel $0x88, $3  }
0x1: {  	(tag) =	ssettag $0x0;
	lr =	simm.s32 $0x1  }
0x2: {  	[smem:$0x3F88] =	sst lr;
	_ =	strace $0xD0000000  }
0x3: {  	_ = 	snop  }
0x4: {  	_ = 	snop  }
0x5: {  	_ = 	snop  }
0x6: {  	_ = 	snop  }
0x7: {  	_ = 	snop  }
__scs_overlays_trampoline_lowered:
0x8: {  	[smem:$0x3F97] =	sst s0  }
0x9: {  	[smem:$0x3F98] =	sst s1  }
0xa: {  	[smem:$0x3F99] =	sst s2  }
0xb: {  	[smem:$0x3F9A] =	sst s3  }
0xc: {  	[smem:$0x3F9B] =	sst s4  }
0xd: {  	[smem:$0x3F9C] =	sst s5  }
0xe: {  	[smem:$0x3F9D] =	sst s6  }
0xf: {  	[smem:$0x3F9E] =	sst s7  }
0x10: {  	[smem:$0x3F9F] =	sst s8  }
0x11: {  	[smem:$0x3FA0] =	sst s9;
	s0 =	simm.s32 @!p0 $0x0  }
0x12: {  	s1 =	sld [smem:$0x3F86];
	s0 =	simm.s32 @p0 $0x1  }
0x13: {  	[smem:$0x3FA1] =	sst s0;
	s0 =	simm.s32 @!p1 $0x0  }
0x14: {  	s2 =	sld [smem:$0x3F85];
	s0 =	simm.s32 @p1 $0x1  }
0x15: {  	[smem:$0x3FA2] =	sst s0;
	s0 =	simm.s32 @!p2 $0x0  }
0x16: {  	s3 =	sld [smem:$0x3FDB];
	s0 =	simm.s32 @p2 $0x1  }
0x17: {  	s4 =	simm.s32 $0x1BF5;
	[smem:$0x3FA4] =	sst s0  }
0x18: {  	s0 =	sld [smem:$0x3F87];
	_ =	swait.ge [sflag:s4], $0x0  }
0x19: {  	s7 =	sld [smem:$0x3F88]  }
0x1a: {  	s8 =	sadd.s32 $0xFFFFE003, lr  }
0x1b: {  	s9 =	sadd.s32 $0xFFFFFEF7, lr;
	s5 =	simm.s32 $0xFFFFFFFF;
	p2 =	slt.u32 s8, $0xFFFFF086  }
0x1c: {  	p1 =	slt.u32 s9, $0xF7A;
	s5 =	simm.s32 @!p2 $0x0  }
0x1d: {  	s5 =	simm.s32 @p1 $0x1;
	p0 =	seq.s32 s7, s2  }
0x1e: {  	s7 =	smul.u32 @!p0 $0xF7A, s2;
	p2 =	seq.s32 @!p0 s5, $0x0  }
0x1f: {  	s9 =	smul.u32 $0xF7A, s1;
	s8 =	simm.s32 @!p0 $0x1BF5;
	p2 =	por !p2, p0  }
0x20: {  	[sflag:s8] =	ssyncset.s32 @!p0 $0xFFFFF086;
	s6 =	sadd.s32 @!p0 s3, s7;
	s7 =	simm.s32 @!p0 $0x108  }
0x21: {  	s3 =	sadd.s32 s3, s9;
	s6 =	sadd.s32 @!p0 $0x88, s6;
	s7 =	simm.s32 @p2 $0x1082  }
0x22: {  	[simem:s7], [sflag:s8] =	dma.local @!p0 [hbm:s6], $0xF7A  }
0x23: {  	s9 =	sor.u32 $0xD0000000, s2;
	s6 =	simm.s32 $0x108;
	_ =	swait.ge @!p0 [sflag:s8], $0x0  }
0x24: {  	s3 =	sadd.s32 $0x88, s3;
	s6 =	simm.s32 @!p1 $0x1082;
	[sflag:s4] =	ssyncset.s32 $0xFFFFF086  }
0x25: {  	[simem:s6], [sflag:s4] =	dma.local [hbm:s3], $0xF7A  }
0x26: {  	[smem:$0x3F88] =	sst s1;
	(tag) =	ssettag s2;
	_ =	strace s9  }
0x27: {  	s1 =	sld [smem:$0x3F98]  }
0x28: {  	s2 =	sld [smem:$0x3F99]  }
0x29: {  	s4 =	sld [smem:$0x3F9B]  }
0x2a: {  	p0 =	seq.s32 s5, $0x0;
	s5 =	sld [smem:$0x3F9C]  }
0x2b: {  	s6 =	sld [smem:$0x3F9D]  }
0x2c: {  	s7 =	sld [smem:$0x3F9E]  }
0x2d: {  	s3 =	simm.s32 $0x108;
	s8 =	sld [smem:$0x3F9F]  }
0x2e: {  	s3 =	simm.s32 @!p0 $0x1082;
	s9 =	sld [smem:$0x3FA0]  }
0x2f: {  	lr =	sadd.s32 s0, s3;
	s0 =	sld [smem:$0x3F97]  }
0x30: {  	s3 =	sld [smem:$0x3F9A]  }
0x31: {  	[smem:$0x3FA3] =	sst s10  }
0x32: {  	s10 =	sld [smem:$0x3FA1];
	_ =	sdelay $0x3  }
0x33: {  	p0 =	seq.s32 s10, $0x1;
	s10 =	sld [smem:$0x3FA3];
	_ =	sdelay $0x3  }
0x34: {  	[smem:$0x3FA3] =	sst s10  }
0x35: {  	s10 =	sld [smem:$0x3FA2];
	_ =	sdelay $0x3  }
0x36: {  	p1 =	seq.s32 s10, $0x1;
	s10 =	sld [smem:$0x3FA3];
	_ =	sdelay $0x3  }
0x37: {  	[smem:$0x3FA3] =	sst s10  }
0x38: {  	s10 =	sld [smem:$0x3FA4]  }
0x39: {  	_ = 	snop;
	(pc) =	sbr.ind lr, $3  }
0x3a: {  	_ = 	snop  }
0x3b: {  	_ = 	snop  }
0x3c: {  	p2 =	seq.s32 s10, $0x1;
	s10 =	sld [smem:$0x3FA3]  }
0x3d: {  	_ =	shalt  }
0x3e: {  	_ =	shalt  }
0x3f: {  	_ =	shalt  }
0x40: {  	_ =	shalt  }
0x41: {  	_ =	shalt  }
0x42: {  	_ =	shalt  }
0x43: {  	_ =	shalt  }
0x44: {  	_ =	shalt  }
0x45: {  	_ =	shalt  }
0x46: {  	_ =	shalt  }
0x47: {  	_ =	shalt  }
0x48: {  	_ =	shalt  }
0x49: {  	_ =	shalt  }
0x4a: {  	_ =	shalt  }
0x4b: {  	_ =	shalt  }
0x4c: {  	_ =	shalt  }
0x4d: {  	_ =	shalt  }
0x4e: {  	_ =	shalt  }
0x4f: {  	_ =	shalt  }
0x50: {  	_ =	shalt  }
0x51: {  	_ =	shalt  }
0x52: {  	_ =	shalt  }
0x53: {  	_ =	shalt  }
0x54: {  	_ =	shalt  }
0x55: {  	_ =	shalt  }
0x56: {  	_ =	shalt  }
0x57: {  	_ =	shalt  }
0x58: {  	_ =	shalt  }
0x59: {  	_ =	shalt  }
0x5a: {  	_ =	shalt  }
0x5b: {  	_ =	shalt  }
0x5c: {  	_ =	shalt  }
0x5d: {  	_ =	shalt  }
0x5e: {  	_ =	shalt  }
0x5f: {  	_ =	shalt  }
0x60: {  	_ =	shalt  }
0x61: {  	_ =	shalt  }
0x62: {  	_ =	shalt  }
0x63: {  	_ =	shalt  }
0x64: {  	_ =	shalt  }
0x65: {  	_ =	shalt  }
0x66: {  	_ =	shalt  }
0x67: {  	_ =	shalt  }
0x68: {  	_ =	shalt  }
0x69: {  	_ =	shalt  }
0x6a: {  	_ =	shalt  }
0x6b: {  	_ =	shalt  }
0x6c: {  	_ =	shalt  }
0x6d: {  	_ =	shalt  }
0x6e: {  	_ =	shalt  }
0x6f: {  	_ =	shalt  }
0x70: {  	_ =	shalt  }
0x71: {  	_ =	shalt  }
0x72: {  	_ =	shalt  }
0x73: {  	_ =	shalt  }
0x74: {  	_ =	shalt  }
0x75: {  	_ =	shalt  }
0x76: {  	_ =	shalt  }
0x77: {  	_ =	shalt  }
0x78: {  	_ =	shalt  }
0x79: {  	_ =	shalt  }
0x7a: {  	_ =	shalt  }
0x7b: {  	_ =	shalt  }
0x7c: {  	_ =	shalt  }
0x7d: {  	_ =	shalt  }
0x7e: {  	_ =	shalt  }
0x7f: {  	_ =	shalt  }
0x80: {  	_ =	shalt  }
0x81: {  	_ =	shalt  }
0x82: {  	_ =	shalt  }
0x83: {  	_ =	shalt  }
0x84: {  	_ =	shalt  }
0x85: {  	_ =	shalt  }
0x86: {  	_ =	shalt  }
0x87: {  	_ =	shalt  }
.Lfunc_end0:
.L_simem_size_0:
called_computation.3_lowered:
.L_overlay_start_0:
0x88: {  	s2 =	sld [smem:$0x3FD9]  }
0x89: {  	s3 =	sld [smem:$0x3FFE];
	_ =	sdelay $0x1  }
0x8a: {  	s1 =	srdreg.scid  }
0x8b: {  	s0 =	sand.u32 $0x1, s1  }
0x8c: {  	s17 =	sshll.u32 s0, $0xA;
	s2 =	sadd.s32 s3, s2  }
0x8d: {  	s2 =	sadd.s32 s2, s17  }
0x8e: {  	[smem:$0x3FAF] =	sst s2  }
0x8f: {  	_ = 	snop  }
0x90: {  	s2 =	sld [smem:$0x3FB2];
	(tm) =	ssettm $0x1  }
0x91: {  	s18 =	sld [smem:$0x3FFB];
	_ =	sdelay $0x3  }
0x92: {  	_ =	strace s18  }
0x93: {  	s3 =	sld [smem:$0x3FFC];
	_ =	sdelay $0x3  }
0x94: {  	_ =	strace s3  }
0x95: {  	s3 =	sld [smem:$0x3FFD];
	_ =	sdelay $0x3  }
0x96: {  	_ =	strace s3  }
0x97: {  	_ =	strace $0x8FFFFFFF  }
0x98: {  	s19 =	sld [smem:$0x3FDB];
	_ =	sdelay $0x1  }
0x99: {  	s4 =	simm.s32 $_scs_section_size  }
0x9a: {  	s5 =	simm.s32 $_size__tile_overlayer_lowered;
	s6 =	simm.s32 $_tile_overlayer_lowered  }
0x9b: {  	s22 =	simm.s32 $0x1BFF;
	s21 =	sshll.u32 s6, $0x1;
	s3 =	sadd.s32 s4, s19  }
0x9c: {  	s7 =	simm.s32 $0x0;
	s20 =	sshll.u32 s5, $0x1;
	s5 =	sadd.s32 s21, s3  }
0x9d: {  	[timem:s7], [sflag:s22] =	dma.local [hbm:s5], s20  }
0x9e: {  	_ =	swait.ge [sflag:s22], s20  }
0x9f: {  	s4 =	ssub.s32 $0x0, s20;
	[sflag:s22] =	ssyncset.done $0x0  }
0xa0: {  	[sflag:s22] =	ssyncadd.s32 s4;
	_ =	sdelay $0x1  }
0xa1: {  	s23 =	simm.s32 $0x1B8B  }
0xa2: {  	_ =	swait.ge [sflag:s23], $0x1  }
0xa3: {  	[sflag:s23] =	ssyncset.done $0x0  }
0xa4: {  	s25 =	simm.s32 $0x1B8E;
	s24 =	sld [smem:$0x3FFE];
	[sflag:s23] =	ssyncadd.s32 $0xFFFFFFFF  }
0xa5: {  	s26 =	simm.s32 $execute0_lowered;
	[smem:$0x3FD2] =	sst s25  }
0xa6: {  	s5 =	sshll.u32 s26, $0x1;
	_ =	strace $0x8000004F;
	[dreg:$0x1] =	wrdreg $0xFFFFFFFF  }
0xa7: {  	s28 =	simm.s32 $_size_execute0_lowered;
	s3 =	sadd.s32 s3, s5;
	[dreg:$0x0] =	wrdreg $0x0  }
0xa8: {  	s5 =	sshll.u32 s28, $0x1;
	[dreg:$0x2] =	wrdreg s3  }
0xa9: {  	[dreg:$0x3] =	wrdreg s5  }
0xaa: {  	[dreg:$0x4] =	wrdreg $0xC0  }
0xab: {  	_ =	task [dreg:s7], $0x5FFFF  }
0xac: {  	[dreg:$0x1] =	wrdreg $0xFFFFFFFF  }
0xad: {  	[dreg:$0x0] =	wrdreg $0x60  }
0xae: {  	[dreg:$0x2] =	wrdreg s24  }
0xaf: {  	[dreg:$0x3] =	wrdreg s2  }
0xb0: {  	[dreg:$0x4] =	wrdreg $0x9  }
0xb1: {  	_ =	task.clear_ibuf [dreg:s7], $0x5FFFF;
	_ =	strace $0x9000004F  }
0xb2: {  	s29 =	simm.s32 $0x9;
	_ =	strace $0x80000051  }
0xb3: {  	_ =	swait.ge [sflag:s29], $0x1  }
0xb4: {  	[sflag:s29] =	ssyncadd.s32 $0xFFFFFFFF  }
0xb5: {  	_ =	strace $0x90000051  }
0xb6: {  	_ =	sfence  }
0xb7: {  	s30 =	sld [smem:$0x0];
	_ =	sdelay $0x2  }
0xb8: {  	s31 =	sshll.u32 s1, $0xD;
	s1 =	sshrl.u32 s1, $0x2  }
0xb9: {  	s3 =	sand.u32 $0x4000, s31;
	s1 =	sadd.s32 s1, s30  }
0xba: {  	s0 =	sor.u32 s3, s0;
	s1 =	sshll.u32 s1, $0x11  }
0xbb: {  	s0 =	sor.u32 s1, s0  }
0xbc: {  	s0 =	sadd.s32 $0x8F2B, s0  }
0xbd: {  	[sflag:s0] =	ssyncadd.remote.s32 $0x1  }
0xbe: {  	_ =	sfence.sel $0xFFFF  }
0xbf: {  	[dreg:$0x0] =	wrdreg $0xFFFFFFFF;
	(pc) =	sbr.abs _section_cstart, $3  }
0xc0: {  	[dreg:$0x1] =	wrdreg $0xFFFFFFFF  }
0xc1: {  	_ =	task.clear_ibuf [dreg:s7], $0x2FFFF;
	_ =	strace $0x9FFFFFFF  }
0xc2: {  	(tm) =	ssettm $0x7FFFFFFF  }
0xc3: {  	_ =	shalt  }
tec
execute0_lowered:
.L_overlay_start_1:
0x0: {  	(tag) =	ssettag $0x1  }
0x1: {  	s4 =	rddreg [dreg:$0x0]  }
0x2: {  	s6 =	rddreg [dreg:$0x1]  }
0x3: {  	s0 =	rddreg [dreg:$0x2];
	s1 =	stileid.u32  }
0x4: {  	s2 =	simm.s32 $0x0;
	s3 =	srdreg.scid;
	s5 =	smul.u32 $0x4E200, s1  }
0x5: {  	s11 =	simm.s32 $0x0;
	s7 =	sand.u32 $0x1, s3;
	s10 =	smul.u32 $0x9C4, s1  }
0x6: {  	[smem:$0x7FF] =	sst s2;
	s3 =	sadd.s32 $0x2BE00, s4;
	s9 =	smul.u32 $0x27100, s7  }
0x7: {  	_ =	strace $0x80000050;
	s8 =	ssub.s32 $0x2, s7;
	s7 =	smul.u32 $0x4E2, s7  }
0x8: {  	s4 =	sadd.s32 s5, s4;
	s30 =	sshrl.u32 s8, $0x1;
	s6 =	sadd.s32 s10, s6  }
0x9: {  	s10 =	simm.s32 $0x1;
	s5 =	ssub.s32 s8, s30;
	s31 =	sadd.s32 s9, s4  }
0xa: {  	s6 =	sadd.s32 s7, s6;
	s7 =	simm.s32 $0x2;
	s8 =	simm.s32 $0x50  }
0xb: {  	s9 =	simm.s32 $0x80;
	s4 =	smax.u32 s5, $0x1;
	s5 =	sadd.s32 $0x53000, s31  }
.LBB2_1:
0xc: {  	s12 =	sadd.s32 $0x0, s6  }
0xd: {  	[tilespmem:s2], [sflag:$0x2] =	stream.linear.gather [hbm4b:s12+s2], $0x50, $0x38;
	[tilespmem:$0x2880] =	vst v63  }
0xe: {  	_ =	swait.ge [sflag:s7], $0x50  }
0xf: {  	[sflag:s7] =	ssyncset.done $0x0  }
0x10: {  	[sflag:s7] =	ssyncadd.s32 $0xFFFFFFB0  }
0x11: {  	[tilespmem:s9], [sflag:$0x1] =	stream.indirect.gather [hbm4b:s3+s8], $0x80, s2, s8, $0xb8;
	[tilespmem:$0x2880] =	vst v63  }
0x12: {  	_ =	swait.ge [sflag:s10], $0x2800  }
0x13: {  	[sflag:s10] =	ssyncset.done $0x0  }
0x14: {  	[sflag:s10] =	ssyncadd.s32 $0xFFFFD800  }
0x15: {  	[hbm4b:s5+s2] =	stream.linear.scatter [tilespmem:s9], [sflag:$0x2], $0x2800, $0x38;
	[tilespmem:$0x2880] =	vst v63  }
0x16: {  	s13 =	simm.s32 $0xA;
	_ =	swait.ge [sflag:s7], $0x2800  }
0x17: {  	s14 =	simm.s32 $0x14;
	s12 =	sadd.s32 $0x500, s5;
	[sflag:s7] =	ssyncset.done $0x0  }
.LBB2_2:
0x18: {  	s15 =	sadd.s32 s13, s6  }
0x19: {  	[sflag:s7] =	ssyncadd.s32 $0xFFFFD800;
	s13 =	smov.u32 s14;
	s16 =	sadd.s32 $0xA, s14  }
0x1a: {  	[tilespmem:s2], [sflag:$0x2] =	stream.linear.gather [hbm4b:s15+s2], $0x50, $0x38;
	[tilespmem:$0x2880] =	vst v63  }
0x1b: {  	p0 =	sne.s32 s14, $0x4D8;
	_ =	swait.ge [sflag:s7], $0x50  }
0x1c: {  	[sflag:s7] =	ssyncset.done $0x0  }
0x1d: {  	[sflag:s7] =	ssyncadd.s32 $0xFFFFFFB0  }
0x1e: {  	[tilespmem:s9], [sflag:$0x1] =	stream.indirect.gather [hbm4b:s3+s8], $0x80, s2, s8, $0xb8;
	[tilespmem:$0x2880] =	vst v63  }
0x1f: {  	_ =	swait.ge [sflag:s10], $0x2800  }
.Ltmp0:
0x20: {  	[sflag:s10] =	ssyncset.done $0x0;
	(pc) =	sbr.rel @p0 .LBB2_2-.Ltmp0, $4  }
0x21: {  	[sflag:s10] =	ssyncadd.s32 $0xFFFFD800  }
0x22: {  	[hbm4b:s12+s2] =	stream.linear.scatter [tilespmem:s9], [sflag:$0x2], $0x2800, $0x38;
	[tilespmem:$0x2880] =	vst v63  }
0x23: {  	_ =	swait.ge [sflag:s7], $0x2800  }
0x24: {  	s14 =	smov.u32 s16;
	s12 =	sadd.s32 $0x500, s12;
	[sflag:s7] =	ssyncset.done $0x0  }
0x25: {  	s13 =	sadd.s32 s13, s6;
	[sflag:s7] =	ssyncadd.s32 $0xFFFFD800  }
0x26: {  	[tilespmem:s2], [sflag:$0x2] =	stream.linear.gather [hbm4b:s13+s2], $0x50, $0x38;
	[tilespmem:$0x2880] =	vst v63  }
0x27: {  	_ =	swait.ge [sflag:s7], $0x50  }
0x28: {  	[sflag:s7] =	ssyncset.done $0x0  }
0x29: {  	[sflag:s7] =	ssyncadd.s32 $0xFFFFFFB0  }
0x2a: {  	[tilespmem:s9], [sflag:$0x1] =	stream.indirect.gather [hbm4b:s3+s8], $0x80, s2, s8, $0xb8;
	[tilespmem:$0x2880] =	vst v63  }
0x2b: {  	s11 =	sadd.s32 $0x1, s11;
	_ =	swait.ge [sflag:s10], $0x2800  }
0x2c: {  	p0 =	sne.s32 s11, s4;
	[sflag:s10] =	ssyncset.done $0x0  }
.Ltmp1:
0x2d: {  	[sflag:s10] =	ssyncadd.s32 $0xFFFFD800;
	(pc) =	sbr.rel @p0 .LBB2_1-.Ltmp1, $4  }
0x2e: {  	[hbm4b:s12+s2] =	stream.linear.scatter [tilespmem:s9], [sflag:$0x2], $0x2800, $0x38;
	[tilespmem:$0x2880] =	vst v63  }
0x2f: {  	_ =	swait.ge [sflag:s7], $0x2800  }
0x30: {  	[sflag:s7] =	ssyncset.done $0x0  }
0x31: {  	[sflag:s7] =	ssyncadd.s32 $0xFFFFD800  }
0x32: {  	_ =	sfence.sel $0x180000  }
0x33: {  	[bflag:$0x0] =	sbarrier.arrive $0xFFFF  }
0x34: {  	p0 =	sne.s32 s1, $0x0;
	_ =	strace $0x90000050  }
0x35: {  	s0 =	sadd.s32 @!p0 $0x100000, s0;
	[bflag:$0x2] =	sbarrier.arrive $0xFFFF  }
0x36: {  	[sflag:s0] =	ssyncadd.tile.s32 @!p0 $0x1;
	_ =	shalt  }
.Lfunc_end2:
_tile_overlayer_lowered:
.L_overlay_start_2:
0x37: {  	(tag) =	ssettag $0x2  }
0x38: {  	s0 =	rddreg [dreg:$0x0];
	s2 =	stileid.u32  }
0x39: {  	s1 =	rddreg [dreg:$0x1];
	p0 =	sne.s32 s2, $0x0  }
0x3a: {  	s3 =	rddreg [dreg:$0x2];
	[bflag:$0x3] =	sbarrier.arrive $0xFFFF;
	s2 =	simm.s32 @!p0 $0x1C02  }
0x3b: {  	[timem:s3], [sflag:s2] =	dma.local @!p0 [hbm:s0], s1  }
0x3c: {  	s0 =	simm.s32 @!p0 $0x2  }
0x3d: {  	_ =	swait.ge @!p0 [sflag:s0], s1  }
0x3e: {  	s1 =	ssub.s32 @!p0 $0x0, s1;
	[sflag:s0] =	ssyncset.done @!p0 $0x0  }
0x3f: {  	[sflag:s0] =	ssyncadd.s32 @!p0 s1  }
0x40: {  	[bflag:$0x3] =	sbarrier.arrive $0xFFFF  }
0x41: {  	_ =	shalt  }

// kernel: kernel.28.cloned.1.call-start
scs
__scs_entry_jumppad:
0x0: {  	(pc) =	sbr.rel $0x88, $3  }
0x1: {  	(tag) =	ssettag $0x0;
	lr =	simm.s32 $0x1  }
0x2: {  	[smem:$0x3F88] =	sst lr;
	_ =	strace $0xD0000000  }
0x3: {  	_ = 	snop  }
0x4: {  	_ = 	snop  }
0x5: {  	_ = 	snop  }
0x6: {  	_ = 	snop  }
0x7: {  	_ = 	snop  }
__scs_overlays_trampoline_lowered:
0x8: {  	[smem:$0x3F97] =	sst s0  }
0x9: {  	[smem:$0x3F98] =	sst s1  }
0xa: {  	[smem:$0x3F99] =	sst s2  }
0xb: {  	[smem:$0x3F9A] =	sst s3  }
0xc: {  	[smem:$0x3F9B] =	sst s4  }
0xd: {  	[smem:$0x3F9C] =	sst s5  }
0xe: {  	[smem:$0x3F9D] =	sst s6  }
0xf: {  	[smem:$0x3F9E] =	sst s7  }
0x10: {  	[smem:$0x3F9F] =	sst s8  }
0x11: {  	[smem:$0x3FA0] =	sst s9;
	s0 =	simm.s32 @!p0 $0x0  }
0x12: {  	s1 =	sld [smem:$0x3F86];
	s0 =	simm.s32 @p0 $0x1  }
0x13: {  	[smem:$0x3FA1] =	sst s0;
	s0 =	simm.s32 @!p1 $0x0  }
0x14: {  	s2 =	sld [smem:$0x3F85];
	s0 =	simm.s32 @p1 $0x1  }
0x15: {  	[smem:$0x3FA2] =	sst s0;
	s0 =	simm.s32 @!p2 $0x0  }
0x16: {  	s3 =	sld [smem:$0x3FDB];
	s0 =	simm.s32 @p2 $0x1  }
0x17: {  	s4 =	simm.s32 $0x1BF5;
	[smem:$0x3FA4] =	sst s0  }
0x18: {  	s0 =	sld [smem:$0x3F87];
	_ =	swait.ge [sflag:s4], $0x0  }
0x19: {  	s7 =	sld [smem:$0x3F88]  }
0x1a: {  	s8 =	sadd.s32 $0xFFFFE003, lr  }
0x1b: {  	s9 =	sadd.s32 $0xFFFFFEF7, lr;
	s5 =	simm.s32 $0xFFFFFFFF;
	p2 =	slt.u32 s8, $0xFFFFF086  }
0x1c: {  	p1 =	slt.u32 s9, $0xF7A;
	s5 =	simm.s32 @!p2 $0x0  }
0x1d: {  	s5 =	simm.s32 @p1 $0x1;
	p0 =	seq.s32 s7, s2  }
0x1e: {  	s7 =	smul.u32 @!p0 $0xF7A, s2;
	p2 =	seq.s32 @!p0 s5, $0x0  }
0x1f: {  	s9 =	smul.u32 $0xF7A, s1;
	s8 =	simm.s32 @!p0 $0x1BF5;
	p2 =	por !p2, p0  }
0x20: {  	[sflag:s8] =	ssyncset.s32 @!p0 $0xFFFFF086;
	s6 =	sadd.s32 @!p0 s3, s7;
	s7 =	simm.s32 @!p0 $0x108  }
0x21: {  	s3 =	sadd.s32 s3, s9;
	s6 =	sadd.s32 @!p0 $0x88, s6;
	s7 =	simm.s32 @p2 $0x1082  }
0x22: {  	[simem:s7], [sflag:s8] =	dma.local @!p0 [hbm:s6], $0xF7A  }
0x23: {  	s9 =	sor.u32 $0xD0000000, s2;
	s6 =	simm.s32 $0x108;
	_ =	swait.ge @!p0 [sflag:s8], $0x0  }
0x24: {  	s3 =	sadd.s32 $0x88, s3;
	s6 =	simm.s32 @!p1 $0x1082;
	[sflag:s4] =	ssyncset.s32 $0xFFFFF086  }
0x25: {  	[simem:s6], [sflag:s4] =	dma.local [hbm:s3], $0xF7A  }
0x26: {  	[smem:$0x3F88] =	sst s1;
	(tag) =	ssettag s2;
	_ =	strace s9  }
0x27: {  	s1 =	sld [smem:$0x3F98]  }
0x28: {  	s2 =	sld [smem:$0x3F99]  }
0x29: {  	s4 =	sld [smem:$0x3F9B]  }
0x2a: {  	p0 =	seq.s32 s5, $0x0;
	s5 =	sld [smem:$0x3F9C]  }
0x2b: {  	s6 =	sld [smem:$0x3F9D]  }
0x2c: {  	s7 =	sld [smem:$0x3F9E]  }
0x2d: {  	s3 =	simm.s32 $0x108;
	s8 =	sld [smem:$0x3F9F]  }
0x2e: {  	s3 =	simm.s32 @!p0 $0x1082;
	s9 =	sld [smem:$0x3FA0]  }
0x2f: {  	lr =	sadd.s32 s0, s3;
	s0 =	sld [smem:$0x3F97]  }
0x30: {  	s3 =	sld [smem:$0x3F9A]  }
0x31: {  	[smem:$0x3FA3] =	sst s10  }
0x32: {  	s10 =	sld [smem:$0x3FA1];
	_ =	sdelay $0x3  }
0x33: {  	p0 =	seq.s32 s10, $0x1;
	s10 =	sld [smem:$0x3FA3];
	_ =	sdelay $0x3  }
0x34: {  	[smem:$0x3FA3] =	sst s10  }
0x35: {  	s10 =	sld [smem:$0x3FA2];
	_ =	sdelay $0x3  }
0x36: {  	p1 =	seq.s32 s10, $0x1;
	s10 =	sld [smem:$0x3FA3];
	_ =	sdelay $0x3  }
0x37: {  	[smem:$0x3FA3] =	sst s10  }
0x38: {  	s10 =	sld [smem:$0x3FA4]  }
0x39: {  	_ = 	snop;
	(pc) =	sbr.ind lr, $3  }
0x3a: {  	_ = 	snop  }
0x3b: {  	_ = 	snop  }
0x3c: {  	p2 =	seq.s32 s10, $0x1;
	s10 =	sld [smem:$0x3FA3]  }
0x3d: {  	_ =	shalt  }
0x3e: {  	_ =	shalt  }
0x3f: {  	_ =	shalt  }
0x40: {  	_ =	shalt  }
0x41: {  	_ =	shalt  }
0x42: {  	_ =	shalt  }
0x43: {  	_ =	shalt  }
0x44: {  	_ =	shalt  }
0x45: {  	_ =	shalt  }
0x46: {  	_ =	shalt  }
0x47: {  	_ =	shalt  }
0x48: {  	_ =	shalt  }
0x49: {  	_ =	shalt  }
0x4a: {  	_ =	shalt  }
0x4b: {  	_ =	shalt  }
0x4c: {  	_ =	shalt  }
0x4d: {  	_ =	shalt  }
0x4e: {  	_ =	shalt  }
0x4f: {  	_ =	shalt  }
0x50: {  	_ =	shalt  }
0x51: {  	_ =	shalt  }
0x52: {  	_ =	shalt  }
0x53: {  	_ =	shalt  }
0x54: {  	_ =	shalt  }
0x55: {  	_ =	shalt  }
0x56: {  	_ =	shalt  }
0x57: {  	_ =	shalt  }
0x58: {  	_ =	shalt  }
0x59: {  	_ =	shalt  }
0x5a: {  	_ =	shalt  }
0x5b: {  	_ =	shalt  }
0x5c: {  	_ =	shalt  }
0x5d: {  	_ =	shalt  }
0x5e: {  	_ =	shalt  }
0x5f: {  	_ =	shalt  }
0x60: {  	_ =	shalt  }
0x61: {  	_ =	shalt  }
0x62: {  	_ =	shalt  }
0x63: {  	_ =	shalt  }
0x64: {  	_ =	shalt  }
0x65: {  	_ =	shalt  }
0x66: {  	_ =	shalt  }
0x67: {  	_ =	shalt  }
0x68: {  	_ =	shalt  }
0x69: {  	_ =	shalt  }
0x6a: {  	_ =	shalt  }
0x6b: {  	_ =	shalt  }
0x6c: {  	_ =	shalt  }
0x6d: {  	_ =	shalt  }
0x6e: {  	_ =	shalt  }
0x6f: {  	_ =	shalt  }
0x70: {  	_ =	shalt  }
0x71: {  	_ =	shalt  }
0x72: {  	_ =	shalt  }
0x73: {  	_ =	shalt  }
0x74: {  	_ =	shalt  }
0x75: {  	_ =	shalt  }
0x76: {  	_ =	shalt  }
0x77: {  	_ =	shalt  }
0x78: {  	_ =	shalt  }
0x79: {  	_ =	shalt  }
0x7a: {  	_ =	shalt  }
0x7b: {  	_ =	shalt  }
0x7c: {  	_ =	shalt  }
0x7d: {  	_ =	shalt  }
0x7e: {  	_ =	shalt  }
0x7f: {  	_ =	shalt  }
0x80: {  	_ =	shalt  }
0x81: {  	_ =	shalt  }
0x82: {  	_ =	shalt  }
0x83: {  	_ =	shalt  }
0x84: {  	_ =	shalt  }
0x85: {  	_ =	shalt  }
0x86: {  	_ =	shalt  }
0x87: {  	_ =	shalt  }
.Lfunc_end0:
.L_simem_size_0:
called_computation.4_lowered:
.L_overlay_start_0:
0x88: {  	s2 =	sld [smem:$0x3FD9]  }
0x89: {  	s3 =	sld [smem:$0x3FFE];
	_ =	sdelay $0x1  }
0x8a: {  	s1 =	srdreg.scid  }
0x8b: {  	s0 =	sand.u32 $0x1, s1  }
0x8c: {  	s17 =	sshll.u32 s0, $0xA;
	s2 =	sadd.s32 s3, s2  }
0x8d: {  	s2 =	sadd.s32 s2, s17  }
0x8e: {  	[smem:$0x3FAF] =	sst s2  }
0x8f: {  	_ = 	snop  }
0x90: {  	s2 =	sld [smem:$0x3FB1];
	(tm) =	ssettm $0x1  }
0x91: {  	s18 =	sld [smem:$0x3FFB];
	_ =	sdelay $0x3  }
0x92: {  	_ =	strace s18  }
0x93: {  	s3 =	sld [smem:$0x3FFC];
	_ =	sdelay $0x3  }
0x94: {  	_ =	strace s3  }
0x95: {  	s3 =	sld [smem:$0x3FFD];
	_ =	sdelay $0x3  }
0x96: {  	_ =	strace s3  }
0x97: {  	_ =	strace $0x8FFFFFFF  }
0x98: {  	s19 =	sld [smem:$0x3FDB];
	_ =	sdelay $0x1  }
0x99: {  	s4 =	simm.s32 $_scs_section_size  }
0x9a: {  	s5 =	simm.s32 $_size__tile_overlayer_lowered;
	s6 =	simm.s32 $_tile_overlayer_lowered  }
0x9b: {  	s22 =	simm.s32 $0x1BFF;
	s21 =	sshll.u32 s6, $0x1;
	s3 =	sadd.s32 s4, s19  }
0x9c: {  	s7 =	simm.s32 $0x0;
	s20 =	sshll.u32 s5, $0x1;
	s5 =	sadd.s32 s21, s3  }
0x9d: {  	[timem:s7], [sflag:s22] =	dma.local [hbm:s5], s20  }
0x9e: {  	_ =	swait.ge [sflag:s22], s20  }
0x9f: {  	s4 =	ssub.s32 $0x0, s20;
	[sflag:s22] =	ssyncset.done $0x0  }
0xa0: {  	[sflag:s22] =	ssyncadd.s32 s4;
	_ =	sdelay $0x1  }
0xa1: {  	s23 =	simm.s32 $0x1B8B  }
0xa2: {  	_ =	swait.ge [sflag:s23], $0x1  }
0xa3: {  	[sflag:s23] =	ssyncset.done $0x0  }
0xa4: {  	s25 =	simm.s32 $0x1B8E;
	s24 =	sld [smem:$0x3FFE];
	[sflag:s23] =	ssyncadd.s32 $0xFFFFFFFF  }
0xa5: {  	s26 =	simm.s32 $execute0_lowered;
	[smem:$0x3FD2] =	sst s25  }
0xa6: {  	s5 =	sshll.u32 s26, $0x1;
	_ =	strace $0x80000052;
	[dreg:$0x1] =	wrdreg $0xFFFFFFFF  }
0xa7: {  	s28 =	simm.s32 $_size_execute0_lowered;
	s3 =	sadd.s32 s3, s5;
	[dreg:$0x0] =	wrdreg $0x0  }
0xa8: {  	s5 =	sshll.u32 s28, $0x1;
	[dreg:$0x2] =	wrdreg s3  }
0xa9: {  	[dreg:$0x3] =	wrdreg s5  }
0xaa: {  	[dreg:$0x4] =	wrdreg $0xC0  }
0xab: {  	_ =	task [dreg:s7], $0x5FFFF  }
0xac: {  	[dreg:$0x1] =	wrdreg $0xFFFFFFFF  }
0xad: {  	[dreg:$0x0] =	wrdreg $0x60  }
0xae: {  	[dreg:$0x2] =	wrdreg s24  }
0xaf: {  	[dreg:$0x3] =	wrdreg s2  }
0xb0: {  	[dreg:$0x4] =	wrdreg $0x2C800  }
0xb1: {  	[dreg:$0x5] =	wrdreg $0x9  }
0xb2: {  	_ =	task.clear_ibuf [dreg:s7], $0x6FFFF;
	_ =	strace $0x90000052  }
0xb3: {  	s29 =	simm.s32 $0x9;
	_ =	strace $0x80000054  }
0xb4: {  	_ =	swait.ge [sflag:s29], $0x1  }
0xb5: {  	[sflag:s29] =	ssyncadd.s32 $0xFFFFFFFF  }
0xb6: {  	_ =	strace $0x90000054  }
0xb7: {  	_ =	sfence  }
0xb8: {  	s30 =	sld [smem:$0x0];
	_ =	sdelay $0x2  }
0xb9: {  	s31 =	sshll.u32 s1, $0xD;
	s1 =	sshrl.u32 s1, $0x2  }
0xba: {  	s3 =	sand.u32 $0x4000, s31;
	s1 =	sadd.s32 s1, s30  }
0xbb: {  	s0 =	sor.u32 s3, s0;
	s1 =	sshll.u32 s1, $0x11  }
0xbc: {  	s0 =	sor.u32 s1, s0  }
0xbd: {  	s0 =	sadd.s32 $0x8F2B, s0  }
0xbe: {  	[sflag:s0] =	ssyncadd.remote.s32 $0x1  }
0xbf: {  	_ =	sfence.sel $0xFFFF  }
0xc0: {  	[dreg:$0x0] =	wrdreg $0xFFFFFFFF;
	(pc) =	sbr.abs _section_cstart, $3  }
0xc1: {  	[dreg:$0x1] =	wrdreg $0xFFFFFFFF  }
0xc2: {  	_ =	task.clear_ibuf [dreg:s7], $0x2FFFF;
	_ =	strace $0x9FFFFFFF  }
0xc3: {  	(tm) =	ssettm $0x7FFFFFFF  }
tec
execute0_lowered:
.L_overlay_start_1:
0x0: {  	(tag) =	ssettag $0x1  }
0x1: {  	s4 =	rddreg [dreg:$0x0];
	s0 =	srdreg.scid  }
0x2: {  	s8 =	rddreg [dreg:$0x1];
	s5 =	sand.u32 $0x1, s0  }
0x3: {  	s0 =	stileid.u32;
	s6 =	smul.u32 $0x13C000, s5  }
0x4: {  	s2 =	rddreg [dreg:$0x2];
	s7 =	smul.u32 $0x13C00, s0  }
0x5: {  	s1 =	rddreg [dreg:$0x3];
	s3 =	simm.s32 $0x0;
	s9 =	smul.u32 $0x271000, s5  }
0x6: {  	[smem:$0x7FF] =	sst s3;
	s28 =	smul.u32 $0x4F000, s0  }
0x7: {  	s15 =	simm.s32 $0x0;
	_ =	strace $0x80000053;
	s11 =	smul.u32 $0x27100, s0  }
0x8: {  	s29 =	ssub.s32 $0x2, s5;
	s12 =	smul.u32 $0x4E20, s5;
	s13 =	sshll.u32 s0, $0x6  }
0x9: {  	s31 =	smul.u32 $0x4E2, s0;
	s10 =	sshrl.u32 s29, $0x1;
	s13 =	sor.u32 $0x1C01, s13  }
0xa: {  	s6 =	sadd.s32 s7, s6;
	s9 =	sadd.s32 s9, s4;
	s7 =	sshrl.u32 s28, $0x2  }
0xb: {  	s10 =	ssub.s32 s29, s10;
	s8 =	sadd.s32 s12, s8;
	s12 =	simm.s32 $0x50  }
0xc: {  	s6 =	sshrl.u32 s6, $0x3;
	s30 =	sadd.s32 s11, s9;
	s8 =	sadd.s32 s31, s8  }
0xd: {  	s9 =	simm.s32 $0x2880;
	s11 =	simm.s32 $0x80;
	s6 =	sadd.s32 s6, s4  }
0xe: {  	s4 =	sadd.s32 s7, s2;
	s7 =	sadd.s32 $0x535000, s30;
	s5 =	sadd.s32 $0x2BE00, s6  }
0xf: {  	v0 =	vimm.f32 $0.0e+00;
	s6 =	smax.u32 s10, $0x1;
	s10 =	simm.s32 $0x1;
	s14 =	sshrl.u32 s4, $0x3  }
.LBB2_1:
0x10: {  	[tilespmem:$0x2880] =	vst v0  }
0x11: {  	[tilespmem:$0x2890] =	vst v0  }
0x12: {  	[tilespmem:$0x28A0] =	vst v0  }
0x13: {  	[tilespmem:$0x28B0] =	vst v0  }
0x14: {  	[tilespmem:$0x28C0] =	vst v0  }
0x15: {  	[tilespmem:$0x28D0] =	vst v0  }
0x16: {  	[tilespmem:$0x28E0] =	vst v0  }
0x17: {  	[tilespmem:$0x28F0] =	vst v0  }
0x18: {  	[tilespmem:$0x2900] =	vst v0  }
0x19: {  	[tilespmem:$0x2910] =	vst v0  }
0x1a: {  	[tilespmem:$0x2920] =	vst v0  }
0x1b: {  	[tilespmem:$0x2930] =	vst v0  }
0x1c: {  	[tilespmem:$0x2940] =	vst v0  }
0x1d: {  	[tilespmem:$0x2950] =	vst v0  }
0x1e: {  	[tilespmem:$0x2960] =	vst v0  }
0x1f: {  	[tilespmem:$0x2970] =	vst v0  }
0x20: {  	[tilespmem:$0x2980] =	vst v0  }
0x21: {  	[tilespmem:$0x2990] =	vst v0  }
0x22: {  	[tilespmem:$0x29A0] =	vst v0  }
0x23: {  	[tilespmem:$0x29B0] =	vst v0  }
0x24: {  	[tilespmem:$0x29C0] =	vst v0  }
0x25: {  	[tilespmem:$0x29D0] =	vst v0  }
0x26: {  	[tilespmem:$0x29E0] =	vst v0  }
0x27: {  	[tilespmem:$0x29F0] =	vst v0  }
0x28: {  	[tilespmem:$0x2A00] =	vst v0  }
0x29: {  	[tilespmem:$0x2A10] =	vst v0  }
0x2a: {  	[tilespmem:$0x2A20] =	vst v0  }
0x2b: {  	[tilespmem:$0x2A30] =	vst v0  }
0x2c: {  	[tilespmem:$0x2A40] =	vst v0  }
0x2d: {  	[tilespmem:$0x2A50] =	vst v0  }
0x2e: {  	[tilespmem:$0x2A60] =	vst v0  }
0x2f: {  	[tilespmem:$0x2A70] =	vst v0  }
0x30: {  	[tilespmem:$0x2A80] =	vst v0  }
0x31: {  	[tilespmem:$0x2A90] =	vst v0  }
0x32: {  	[tilespmem:$0x2AA0] =	vst v0  }
0x33: {  	[tilespmem:$0x2AB0] =	vst v0  }
0x34: {  	[tilespmem:$0x2AC0] =	vst v0  }
0x35: {  	[tilespmem:$0x2AD0] =	vst v0  }
0x36: {  	[tilespmem:$0x2AE0] =	vst v0  }
0x37: {  	[tilespmem:$0x2AF0] =	vst v0  }
0x38: {  	[tilespmem:$0x2B00] =	vst v0  }
0x39: {  	[tilespmem:$0x2B10] =	vst v0  }
0x3a: {  	[tilespmem:$0x2B20] =	vst v0  }
0x3b: {  	[tilespmem:$0x2B30] =	vst v0  }
0x3c: {  	[tilespmem:$0x2B40] =	vst v0  }
0x3d: {  	[tilespmem:$0x2B50] =	vst v0  }
0x3e: {  	[tilespmem:$0x2B60] =	vst v0  }
0x3f: {  	[tilespmem:$0x2B70] =	vst v0  }
0x40: {  	[tilespmem:$0x2B80] =	vst v0  }
0x41: {  	[tilespmem:$0x2B90] =	vst v0  }
0x42: {  	[tilespmem:$0x2BA0] =	vst v0  }
0x43: {  	[tilespmem:$0x2BB0] =	vst v0  }
0x44: {  	[tilespmem:$0x2BC0] =	vst v0  }
0x45: {  	[tilespmem:$0x2BD0] =	vst v0  }
0x46: {  	[tilespmem:$0x2BE0] =	vst v0  }
0x47: {  	[tilespmem:$0x2BF0] =	vst v0  }
0x48: {  	[tilespmem:$0x2C00] =	vst v0  }
0x49: {  	[tilespmem:$0x2C10] =	vst v0  }
0x4a: {  	[tilespmem:$0x2C20] =	vst v0  }
0x4b: {  	[tilespmem:$0x2C30] =	vst v0  }
0x4c: {  	[tilespmem:$0x2C40] =	vst v0  }
0x4d: {  	[tilespmem:$0x2C50] =	vst v0  }
0x4e: {  	[tilespmem:$0x2C60] =	vst v0  }
0x4f: {  	[tilespmem:$0x2C70] =	vst v0;
	s16 =	sadd.s32 $0x0, s4  }
0x50: {  	[spmem:s16] =	stream.linear.scatter [tilespmem:s9], [sflag:$0x1], $0x400, $0x38;
	[tilespmem:$0x16880] =	vst v63  }
0x51: {  	s16 =	simm.s32 $0x1000;
	_ =	swait.ge [sflag:s10], $0x400  }
.LBB2_2:
0x52: {  	s17 =	sshra.s32 s16, $0x2;
	[sflag:s10] =	ssyncset.done $0x0;
	p0 =	sne.s32 s16, $0x4E000  }
.Ltmp0:
0x53: {  	s17 =	sadd.s32 s17, s4;
	[sflag:s10] =	ssyncadd.s32 $0xFFFFFC00;
	(pc) =	sbr.rel @p0 .LBB2_2-.Ltmp0, $3  }
0x54: {  	[spmem:s17] =	stream.linear.scatter [tilespmem:s9], [sflag:$0x1], $0x400, $0x38;
	[tilespmem:$0x16880] =	vst v63  }
0x55: {  	s16 =	sadd.s32 $0x1000, s16;
	_ =	sdelay $0x1  }
0x56: {  	_ =	swait.ge [sflag:s10], $0x400  }
0x57: {  	[sflag:s10] =	ssyncset.done $0x0  }
0x58: {  	[sflag:s10] =	ssyncadd.s32 $0xFFFFFC00  }
0x59: {  	s16 =	sadd.s32 $0x0, s8;
	[bflag:$0x0] =	sbarrier.arrive $0xFFFF  }
0x5a: {  	[tilespmem:s3], [sflag:$0x1] =	stream.linear.gather [hbm4b:s16+s3], $0x50, $0x38;
	[tilespmem:$0x16880] =	vst v63  }
0x5b: {  	_ =	swait.ge [sflag:s10], $0x50  }
0x5c: {  	[sflag:s10] =	ssyncset.done $0x0  }
0x5d: {  	[sflag:s10] =	ssyncadd.s32 $0xFFFFFFB0  }
0x5e: {  	[tilespmem:s11], [sflag:$0x1] =	stream.linear.gather [hbm4b:s7+s3], $0x2800, $0x38;
	[tilespmem:$0x16880] =	vst v63  }
0x5f: {  	_ =	swait.ge [sflag:s10], $0x2800  }
0x60: {  	[sflag:s10] =	ssyncset.done $0x0  }
0x61: {  	[sflag:s10] =	ssyncadd.s32 $0xFFFFD800  }
0x62: {  	[spmem:s2] =	stream.indirect.scatter.add.f32 [tilespmem:s11], [sflag:$0x1], $0x80, s3, s12, $0xb8;
	[tilespmem:$0x16880] =	vst v63  }
0x63: {  	s17 =	simm.s32 $0xA;
	_ =	swait.ge [sflag:s10], $0x2800  }
0x64: {  	s18 =	simm.s32 $0x14;
	s16 =	sadd.s32 $0x500, s7;
	[sflag:s10] =	ssyncset.done $0x0  }
.LBB2_4:
0x65: {  	s19 =	sadd.s32 s17, s8  }
0x66: {  	[sflag:s10] =	ssyncadd.s32 $0xFFFFD800;
	s17 =	smov.u32 s18;
	s20 =	sadd.s32 $0xA, s18  }
0x67: {  	[tilespmem:s3], [sflag:$0x1] =	stream.linear.gather [hbm4b:s19+s3], $0x50, $0x38;
	[tilespmem:$0x16880] =	vst v63  }
0x68: {  	p0 =	sne.s32 s18, $0x4D8;
	_ =	swait.ge [sflag:s10], $0x50  }
0x69: {  	[sflag:s10] =	ssyncset.done $0x0  }
0x6a: {  	[sflag:s10] =	ssyncadd.s32 $0xFFFFFFB0  }
0x6b: {  	[tilespmem:s11], [sflag:$0x1] =	stream.linear.gather [hbm4b:s16+s3], $0x2800, $0x38;
	[tilespmem:$0x16880] =	vst v63  }
0x6c: {  	_ =	swait.ge [sflag:s10], $0x2800  }
.Ltmp1:
0x6d: {  	[sflag:s10] =	ssyncset.done $0x0;
	(pc) =	sbr.rel @p0 .LBB2_4-.Ltmp1, $4  }
0x6e: {  	[sflag:s10] =	ssyncadd.s32 $0xFFFFD800  }
0x6f: {  	[spmem:s2] =	stream.indirect.scatter.add.f32 [tilespmem:s11], [sflag:$0x1], $0x80, s3, s12, $0xb8;
	[tilespmem:$0x16880] =	vst v63  }
0x70: {  	_ =	swait.ge [sflag:s10], $0x2800  }
0x71: {  	s18 =	smov.u32 s20;
	s16 =	sadd.s32 $0x500, s16;
	[sflag:s10] =	ssyncset.done $0x0  }
0x72: {  	s17 =	sadd.s32 s17, s8;
	[sflag:s10] =	ssyncadd.s32 $0xFFFFD800  }
0x73: {  	[tilespmem:s3], [sflag:$0x1] =	stream.linear.gather [hbm4b:s17+s3], $0x50, $0x38;
	[tilespmem:$0x16880] =	vst v63  }
0x74: {  	_ =	swait.ge [sflag:s10], $0x50  }
0x75: {  	[sflag:s10] =	ssyncset.done $0x0  }
0x76: {  	[sflag:s10] =	ssyncadd.s32 $0xFFFFFFB0  }
0x77: {  	[tilespmem:s11], [sflag:$0x1] =	stream.linear.gather [hbm4b:s16+s3], $0x2800, $0x38;
	[tilespmem:$0x16880] =	vst v63  }
0x78: {  	_ =	swait.ge [sflag:s10], $0x2800  }
0x79: {  	[sflag:s10] =	ssyncset.done $0x0  }
0x7a: {  	[sflag:s10] =	ssyncadd.s32 $0xFFFFD800  }
0x7b: {  	[spmem:s2] =	stream.indirect.scatter.add.f32 [tilespmem:s11], [sflag:$0x1], $0x80, s3, s12, $0xb8;
	[tilespmem:$0x16880] =	vst v63  }
0x7c: {  	_ =	swait.ge [sflag:s10], $0x2800  }
0x7d: {  	s15 =	sadd.s32 $0x1, s15;
	[sflag:s10] =	ssyncset.done $0x0  }
0x7e: {  	p0 =	sne.s32 s15, s6;
	[sflag:s10] =	ssyncadd.s32 $0xFFFFD800  }
.Ltmp2:
0x7f: {  	[bflag:$0x0] =	sbarrier.arrive $0xFFFF;
	(pc) =	sbr.rel @p0 .LBB2_1-.Ltmp2, $4  }
0x80: {  	[hbm:s5], [sflag:s13] =	dma.local [spmem:s14], $0x2780  }
0x81: {  	_ =	swait.ge [sflag:s10], $0x2780  }
0x82: {  	[sflag:s10] =	ssyncset.done $0x0  }
0x83: {  	[sflag:s10] =	ssyncadd.s32 $0xFFFFD880  }
0x84: {  	_ =	sfence.sel $0x180000  }
0x85: {  	[bflag:$0x0] =	sbarrier.arrive $0xFFFF  }
0x86: {  	p0 =	sne.s32 s0, $0x0;
	_ =	strace $0x90000053  }
0x87: {  	s0 =	sadd.s32 @!p0 $0x100000, s1;
	[bflag:$0x2] =	sbarrier.arrive $0xFFFF  }
0x88: {  	[sflag:s0] =	ssyncadd.tile.s32 @!p0 $0x1;
	_ =	shalt  }
.Lfunc_end2:
_tile_overlayer_lowered:
.L_overlay_start_2:
0x89: {  	(tag) =	ssettag $0x2  }
0x8a: {  	s0 =	rddreg [dreg:$0x0];
	s2 =	stileid.u32  }
0x8b: {  	s1 =	rddreg [dreg:$0x1];
	p0 =	sne.s32 s2, $0x0  }
0x8c: {  	s3 =	rddreg [dreg:$0x2];
	[bflag:$0x3] =	sbarrier.arrive $0xFFFF;
	s2 =	simm.s32 @!p0 $0x1C01  }
0x8d: {  	[timem:s3], [sflag:s2] =	dma.local @!p0 [hbm:s0], s1  }
0x8e: {  	s0 =	simm.s32 @!p0 $0x1  }
0x8f: {  	_ =	swait.ge @!p0 [sflag:s0], s1  }
0x90: {  	s1 =	ssub.s32 @!p0 $0x0, s1;
	[sflag:s0] =	ssyncset.done @!p0 $0x0  }
0x91: {  	[sflag:s0] =	ssyncadd.s32 @!p0 s1  }
0x92: {  	[bflag:$0x3] =	sbarrier.arrive $0xFFFF  }
0x93: {  	_ =	shalt  }

// kernel: kernel.31.cloned.1.call-start
scs
__scs_entry_jumppad:
0x0: {  	(pc) =	sbr.rel $0x88, $3  }
0x1: {  	(tag) =	ssettag $0x0;
	lr =	simm.s32 $0x1  }
0x2: {  	[smem:$0x3F88] =	sst lr;
	_ =	strace $0xD0000000  }
0x3: {  	_ = 	snop  }
0x4: {  	_ = 	snop  }
0x5: {  	_ = 	snop  }
0x6: {  	_ = 	snop  }
0x7: {  	_ = 	snop  }
__scs_overlays_trampoline_lowered:
0x8: {  	[smem:$0x3F97] =	sst s0  }
0x9: {  	[smem:$0x3F98] =	sst s1  }
0xa: {  	[smem:$0x3F99] =	sst s2  }
0xb: {  	[smem:$0x3F9A] =	sst s3  }
0xc: {  	[smem:$0x3F9B] =	sst s4  }
0xd: {  	[smem:$0x3F9C] =	sst s5  }
0xe: {  	[smem:$0x3F9D] =	sst s6  }
0xf: {  	[smem:$0x3F9E] =	sst s7  }
0x10: {  	[smem:$0x3F9F] =	sst s8  }
0x11: {  	[smem:$0x3FA0] =	sst s9;
	s0 =	simm.s32 @!p0 $0x0  }
0x12: {  	s1 =	sld [smem:$0x3F86];
	s0 =	simm.s32 @p0 $0x1  }
0x13: {  	[smem:$0x3FA1] =	sst s0;
	s0 =	simm.s32 @!p1 $0x0  }
0x14: {  	s2 =	sld [smem:$0x3F85];
	s0 =	simm.s32 @p1 $0x1  }
0x15: {  	[smem:$0x3FA2] =	sst s0;
	s0 =	simm.s32 @!p2 $0x0  }
0x16: {  	s3 =	sld [smem:$0x3FDB];
	s0 =	simm.s32 @p2 $0x1  }
0x17: {  	s4 =	simm.s32 $0x1BF5;
	[smem:$0x3FA4] =	sst s0  }
0x18: {  	s0 =	sld [smem:$0x3F87];
	_ =	swait.ge [sflag:s4], $0x0  }
0x19: {  	s7 =	sld [smem:$0x3F88]  }
0x1a: {  	s8 =	sadd.s32 $0xFFFFE003, lr  }
0x1b: {  	s9 =	sadd.s32 $0xFFFFFEF7, lr;
	s5 =	simm.s32 $0xFFFFFFFF;
	p2 =	slt.u32 s8, $0xFFFFF086  }
0x1c: {  	p1 =	slt.u32 s9, $0xF7A;
	s5 =	simm.s32 @!p2 $0x0  }
0x1d: {  	s5 =	simm.s32 @p1 $0x1;
	p0 =	seq.s32 s7, s2  }
0x1e: {  	s7 =	smul.u32 @!p0 $0xF7A, s2;
	p2 =	seq.s32 @!p0 s5, $0x0  }
0x1f: {  	s9 =	smul.u32 $0xF7A, s1;
	s8 =	simm.s32 @!p0 $0x1BF5;
	p2 =	por !p2, p0  }
0x20: {  	[sflag:s8] =	ssyncset.s32 @!p0 $0xFFFFF086;
	s6 =	sadd.s32 @!p0 s3, s7;
	s7 =	simm.s32 @!p0 $0x108  }
0x21: {  	s3 =	sadd.s32 s3, s9;
	s6 =	sadd.s32 @!p0 $0x88, s6;
	s7 =	simm.s32 @p2 $0x1082  }
0x22: {  	[simem:s7], [sflag:s8] =	dma.local @!p0 [hbm:s6], $0xF7A  }
0x23: {  	s9 =	sor.u32 $0xD0000000, s2;
	s6 =	simm.s32 $0x108;
	_ =	swait.ge @!p0 [sflag:s8], $0x0  }
0x24: {  	s3 =	sadd.s32 $0x88, s3;
	s6 =	simm.s32 @!p1 $0x1082;
	[sflag:s4] =	ssyncset.s32 $0xFFFFF086  }
0x25: {  	[simem:s6], [sflag:s4] =	dma.local [hbm:s3], $0xF7A  }
0x26: {  	[smem:$0x3F88] =	sst s1;
	(tag) =	ssettag s2;
	_ =	strace s9  }
0x27: {  	s1 =	sld [smem:$0x3F98]  }
0x28: {  	s2 =	sld [smem:$0x3F99]  }
0x29: {  	s4 =	sld [smem:$0x3F9B]  }
0x2a: {  	p0 =	seq.s32 s5, $0x0;
	s5 =	sld [smem:$0x3F9C]  }
0x2b: {  	s6 =	sld [smem:$0x3F9D]  }
0x2c: {  	s7 =	sld [smem:$0x3F9E]  }
0x2d: {  	s3 =	simm.s32 $0x108;
	s8 =	sld [smem:$0x3F9F]  }
0x2e: {  	s3 =	simm.s32 @!p0 $0x1082;
	s9 =	sld [smem:$0x3FA0]  }
0x2f: {  	lr =	sadd.s32 s0, s3;
	s0 =	sld [smem:$0x3F97]  }
0x30: {  	s3 =	sld [smem:$0x3F9A]  }
0x31: {  	[smem:$0x3FA3] =	sst s10  }
0x32: {  	s10 =	sld [smem:$0x3FA1];
	_ =	sdelay $0x3  }
0x33: {  	p0 =	seq.s32 s10, $0x1;
	s10 =	sld [smem:$0x3FA3];
	_ =	sdelay $0x3  }
0x34: {  	[smem:$0x3FA3] =	sst s10  }
0x35: {  	s10 =	sld [smem:$0x3FA2];
	_ =	sdelay $0x3  }
0x36: {  	p1 =	seq.s32 s10, $0x1;
	s10 =	sld [smem:$0x3FA3];
	_ =	sdelay $0x3  }
0x37: {  	[smem:$0x3FA3] =	sst s10  }
0x38: {  	s10 =	sld [smem:$0x3FA4]  }
0x39: {  	_ = 	snop;
	(pc) =	sbr.ind lr, $3  }
0x3a: {  	_ = 	snop  }
0x3b: {  	_ = 	snop  }
0x3c: {  	p2 =	seq.s32 s10, $0x1;
	s10 =	sld [smem:$0x3FA3]  }
0x3d: {  	_ =	shalt  }
0x3e: {  	_ =	shalt  }
0x3f: {  	_ =	shalt  }
0x40: {  	_ =	shalt  }
0x41: {  	_ =	shalt  }
0x42: {  	_ =	shalt  }
0x43: {  	_ =	shalt  }
0x44: {  	_ =	shalt  }
0x45: {  	_ =	shalt  }
0x46: {  	_ =	shalt  }
0x47: {  	_ =	shalt  }
0x48: {  	_ =	shalt  }
0x49: {  	_ =	shalt  }
0x4a: {  	_ =	shalt  }
0x4b: {  	_ =	shalt  }
0x4c: {  	_ =	shalt  }
0x4d: {  	_ =	shalt  }
0x4e: {  	_ =	shalt  }
0x4f: {  	_ =	shalt  }
0x50: {  	_ =	shalt  }
0x51: {  	_ =	shalt  }
0x52: {  	_ =	shalt  }
0x53: {  	_ =	shalt  }
0x54: {  	_ =	shalt  }
0x55: {  	_ =	shalt  }
0x56: {  	_ =	shalt  }
0x57: {  	_ =	shalt  }
0x58: {  	_ =	shalt  }
0x59: {  	_ =	shalt  }
0x5a: {  	_ =	shalt  }
0x5b: {  	_ =	shalt  }
0x5c: {  	_ =	shalt  }
0x5d: {  	_ =	shalt  }
0x5e: {  	_ =	shalt  }
0x5f: {  	_ =	shalt  }
0x60: {  	_ =	shalt  }
0x61: {  	_ =	shalt  }
0x62: {  	_ =	shalt  }
0x63: {  	_ =	shalt  }
0x64: {  	_ =	shalt  }
0x65: {  	_ =	shalt  }
0x66: {  	_ =	shalt  }
0x67: {  	_ =	shalt  }
0x68: {  	_ =	shalt  }
0x69: {  	_ =	shalt  }
0x6a: {  	_ =	shalt  }
0x6b: {  	_ =	shalt  }
0x6c: {  	_ =	shalt  }
0x6d: {  	_ =	shalt  }
0x6e: {  	_ =	shalt  }
0x6f: {  	_ =	shalt  }
0x70: {  	_ =	shalt  }
0x71: {  	_ =	shalt  }
0x72: {  	_ =	shalt  }
0x73: {  	_ =	shalt  }
0x74: {  	_ =	shalt  }
0x75: {  	_ =	shalt  }
0x76: {  	_ =	shalt  }
0x77: {  	_ =	shalt  }
0x78: {  	_ =	shalt  }
0x79: {  	_ =	shalt  }
0x7a: {  	_ =	shalt  }
0x7b: {  	_ =	shalt  }
0x7c: {  	_ =	shalt  }
0x7d: {  	_ =	shalt  }
0x7e: {  	_ =	shalt  }
0x7f: {  	_ =	shalt  }
0x80: {  	_ =	shalt  }
0x81: {  	_ =	shalt  }
0x82: {  	_ =	shalt  }
0x83: {  	_ =	shalt  }
0x84: {  	_ =	shalt  }
0x85: {  	_ =	shalt  }
0x86: {  	_ =	shalt  }
0x87: {  	_ =	shalt  }
.Lfunc_end0:
.L_simem_size_0:
called_computation.5_lowered:
.L_overlay_start_0:
0x88: {  	s2 =	sld [smem:$0x3FD9]  }
0x89: {  	s3 =	sld [smem:$0x3FFE];
	_ =	sdelay $0x1  }
0x8a: {  	s1 =	srdreg.scid  }
0x8b: {  	s0 =	sand.u32 $0x1, s1  }
0x8c: {  	s17 =	sshll.u32 s0, $0xA;
	s2 =	sadd.s32 s3, s2  }
0x8d: {  	s2 =	sadd.s32 s2, s17  }
0x8e: {  	[smem:$0x3FAF] =	sst s2  }
0x8f: {  	_ = 	snop  }
0x90: {  	s18 =	sld [smem:$0x3FB1];
	(tm) =	ssettm $0x1  }
0x91: {  	s19 =	sld [smem:$0x3FFB];
	_ =	sdelay $0x3  }
0x92: {  	_ =	strace s19  }
0x93: {  	s2 =	sld [smem:$0x3FFC];
	_ =	sdelay $0x3  }
0x94: {  	_ =	strace s2  }
0x95: {  	s2 =	sld [smem:$0x3FFD];
	_ =	sdelay $0x3  }
0x96: {  	_ =	strace s2  }
0x97: {  	_ =	strace $0x8FFFFFFF  }
0x98: {  	s20 =	sld [smem:$0x3FDB];
	_ =	sdelay $0x1  }
0x99: {  	s4 =	simm.s32 $_scs_section_size  }
0x9a: {  	s5 =	simm.s32 $_size__tile_overlayer_lowered;
	s6 =	simm.s32 $_tile_overlayer_lowered  }
0x9b: {  	s7 =	simm.s32 $0x1BFF;
	s21 =	sshll.u32 s6, $0x1;
	s4 =	sadd.s32 s4, s20  }
0x9c: {  	s22 =	simm.s32 $0x0;
	s5 =	sshll.u32 s5, $0x1;
	s6 =	sadd.s32 s21, s4  }
0x9d: {  	[timem:s22], [sflag:s7] =	dma.local [hbm:s6], s5  }
0x9e: {  	_ =	swait.ge [sflag:s7], s5  }
0x9f: {  	s5 =	ssub.s32 $0x0, s5;
	[sflag:s7] =	ssyncset.done $0x0  }
0xa0: {  	[sflag:s7] =	ssyncadd.s32 s5;
	_ =	sdelay $0x1  }
0xa1: {  	s23 =	simm.s32 $0x1B8B  }
0xa2: {  	_ =	swait.ge [sflag:s23], $0x1  }
0xa3: {  	[sflag:s23] =	ssyncset.done $0x0  }
0xa4: {  	[sflag:s23] =	ssyncadd.s32 $0xFFFFFFFF  }
0xa5: {  	s5 =	sld [smem:$0x0]  }
0xa6: {  	s6 =	sand.u32 $0xFFFFFFFE, s1  }
0xa7: {  	p0 =	sne.s32 s1, s6  }
0xa8: {  	s6 =	sshll.u32 @p0 s6, $0xE  }
0xa9: {  	s6 =	sadd.s32 @p0 $0x11B8D, s6;
	s7 =	sshll.u32 @p0 s5, $0x11  }
0xaa: {  	s6 =	sor.u32 @p0 s7, s6  }
0xab: {  	[sflag:s6] =	ssyncadd.remote.s32 @p0 $0x1;
	_ =	sdelay $0x1  }
0xac: {  	s6 =	simm.s32 @p0 $0x1B8D  }
0xad: {  	_ =	swait.eq @p0 [sflag:s6], $0x1  }
0xae: {  	[sflag:s6] =	ssyncadd.s32 @p0 $0xFFFFFFFF  }
0xaf: {  	s7 =	sshll.u32 @!p0 s1, $0xE  }
0xb0: {  	s7 =	sor.u32 @!p0 $0x4000, s7;
	s6 =	simm.s32 @!p0 $0x1B8D  }
0xb1: {  	s5 =	sshll.u32 @!p0 s5, $0x11;
	s7 =	sadd.s32 @!p0 $0x11B8D, s7;
	_ =	swait.eq @!p0 [sflag:s6], $0x1  }
0xb2: {  	s5 =	sor.u32 @!p0 s5, s7;
	[sflag:s6] =	ssyncadd.s32 @!p0 $0xFFFFFFFF  }
0xb3: {  	s25 =	simm.s32 $0x1B8E;
	s24 =	sld [smem:$0x3FFE];
	[sflag:s5] =	ssyncadd.remote.s32 @!p0 $0x1  }
0xb4: {  	s26 =	simm.s32 $execute0_lowered;
	[smem:$0x3FD2] =	sst s25  }
0xb5: {  	s6 =	sshll.u32 s26, $0x1;
	_ =	strace $0x80000055;
	[dreg:$0x1] =	wrdreg $0xFFFFFFFF  }
0xb6: {  	s28 =	simm.s32 $_size_execute0_lowered;
	s4 =	sadd.s32 s4, s6;
	[dreg:$0x0] =	wrdreg $0x0  }
0xb7: {  	s6 =	sshll.u32 s28, $0x1;
	[dreg:$0x2] =	wrdreg s4  }
0xb8: {  	[dreg:$0x3] =	wrdreg s6  }
0xb9: {  	[dreg:$0x4] =	wrdreg $0xC0  }
0xba: {  	_ =	task [dreg:s22], $0x5FFFF  }
0xbb: {  	[dreg:$0x1] =	wrdreg $0xFFFFFFFF  }
0xbc: {  	[dreg:$0x0] =	wrdreg $0x60  }
0xbd: {  	[dreg:$0x2] =	wrdreg s24  }
0xbe: {  	[dreg:$0x3] =	wrdreg s18  }
0xbf: {  	[dreg:$0x4] =	wrdreg $0x2C800  }
0xc0: {  	[dreg:$0x5] =	wrdreg $0xA  }
0xc1: {  	_ =	task.clear_ibuf [dreg:s22], $0x6FFFF;
	_ =	strace $0x90000055  }
0xc2: {  	s29 =	simm.s32 $0xA;
	_ =	strace $0x80000057  }
0xc3: {  	_ =	swait.ge [sflag:s29], $0x1  }
0xc4: {  	[sflag:s29] =	ssyncadd.s32 $0xFFFFFFFF  }
0xc5: {  	_ =	strace $0x90000057  }
0xc6: {  	_ =	sfence  }
0xc7: {  	s30 =	sld [smem:$0x0];
	_ =	sdelay $0x2  }
0xc8: {  	s31 =	sshll.u32 s1, $0xD;
	s1 =	sshrl.u32 s1, $0x2  }
0xc9: {  	s4 =	sand.u32 $0x4000, s31;
	s1 =	sadd.s32 s1, s30  }
0xca: {  	s0 =	sor.u32 s4, s0;
	s1 =	sshll.u32 s1, $0x11  }
0xcb: {  	s0 =	sor.u32 s1, s0  }
0xcc: {  	s0 =	sadd.s32 $0x8F2B, s0  }
0xcd: {  	[sflag:s0] =	ssyncadd.remote.s32 $0x1  }
0xce: {  	_ =	sfence.sel $0xFFFF  }
0xcf: {  	[dreg:$0x0] =	wrdreg $0xFFFFFFFF;
	(pc) =	sbr.abs _section_cstart, $3  }
0xd0: {  	[dreg:$0x1] =	wrdreg $0xFFFFFFFF  }
0xd1: {  	_ =	task.clear_ibuf [dreg:s22], $0x2FFFF;
	_ =	strace $0x9FFFFFFF  }
0xd2: {  	(tm) =	ssettm $0x7FFFFFFF  }
0xd3: {  	_ =	shalt  }
tec
execute0_lowered:
.L_overlay_start_1:
0x0: {  	(tag) =	ssettag $0x1  }
0x1: {  	s4 =	rddreg [dreg:$0x0];
	s0 =	srdreg.scid  }
0x2: {  	s8 =	rddreg [dreg:$0x1];
	s5 =	sand.u32 $0x1, s0  }
0x3: {  	s0 =	stileid.u32;
	s6 =	smul.u32 $0x13C000, s5  }
0x4: {  	s2 =	rddreg [dreg:$0x2];
	s7 =	smul.u32 $0x13C00, s0  }
0x5: {  	s1 =	rddreg [dreg:$0x3];
	s3 =	simm.s32 $0x0;
	s9 =	smul.u32 $0x271000, s5  }
0x6: {  	[smem:$0x7FF] =	sst s3;
	s28 =	smul.u32 $0x4F000, s0  }
0x7: {  	s15 =	simm.s32 $0x0;
	_ =	strace $0x80000056;
	s11 =	smul.u32 $0x27100, s0  }
0x8: {  	s29 =	ssub.s32 $0x2, s5;
	s12 =	smul.u32 $0x4E20, s5;
	s13 =	sshll.u32 s0, $0x6  }
0x9: {  	s31 =	smul.u32 $0x4E2, s0;
	s10 =	sshrl.u32 s29, $0x1;
	s13 =	sor.u32 $0x1C01, s13  }
0xa: {  	s6 =	sadd.s32 s7, s6;
	s9 =	sadd.s32 s9, s4;
	s7 =	sshrl.u32 s28, $0x2  }
0xb: {  	s10 =	ssub.s32 s29, s10;
	s8 =	sadd.s32 s12, s8;
	s12 =	simm.s32 $0x50  }
0xc: {  	s6 =	sshrl.u32 s6, $0x3;
	s30 =	sadd.s32 s11, s9;
	s8 =	sadd.s32 s31, s8  }
0xd: {  	s9 =	simm.s32 $0x2880;
	s11 =	simm.s32 $0x80;
	s6 =	sadd.s32 s6, s4  }
0xe: {  	s4 =	sadd.s32 s7, s2;
	s7 =	sadd.s32 $0x13DB000, s30;
	s5 =	sadd.s32 $0x7AE00, s6  }
0xf: {  	v0 =	vimm.f32 $0.0e+00;
	s6 =	smax.u32 s10, $0x1;
	s10 =	simm.s32 $0x1;
	s14 =	sshrl.u32 s4, $0x3  }
.LBB2_1:
0x10: {  	[tilespmem:$0x2880] =	vst v0  }
0x11: {  	[tilespmem:$0x2890] =	vst v0  }
0x12: {  	[tilespmem:$0x28A0] =	vst v0  }
0x13: {  	[tilespmem:$0x28B0] =	vst v0  }
0x14: {  	[tilespmem:$0x28C0] =	vst v0  }
0x15: {  	[tilespmem:$0x28D0] =	vst v0  }
0x16: {  	[tilespmem:$0x28E0] =	vst v0  }
0x17: {  	[tilespmem:$0x28F0] =	vst v0  }
0x18: {  	[tilespmem:$0x2900] =	vst v0  }
0x19: {  	[tilespmem:$0x2910] =	vst v0  }
0x1a: {  	[tilespmem:$0x2920] =	vst v0  }
0x1b: {  	[tilespmem:$0x2930] =	vst v0  }
0x1c: {  	[tilespmem:$0x2940] =	vst v0  }
0x1d: {  	[tilespmem:$0x2950] =	vst v0  }
0x1e: {  	[tilespmem:$0x2960] =	vst v0  }
0x1f: {  	[tilespmem:$0x2970] =	vst v0  }
0x20: {  	[tilespmem:$0x2980] =	vst v0  }
0x21: {  	[tilespmem:$0x2990] =	vst v0  }
0x22: {  	[tilespmem:$0x29A0] =	vst v0  }
0x23: {  	[tilespmem:$0x29B0] =	vst v0  }
0x24: {  	[tilespmem:$0x29C0] =	vst v0  }
0x25: {  	[tilespmem:$0x29D0] =	vst v0  }
0x26: {  	[tilespmem:$0x29E0] =	vst v0  }
0x27: {  	[tilespmem:$0x29F0] =	vst v0  }
0x28: {  	[tilespmem:$0x2A00] =	vst v0  }
0x29: {  	[tilespmem:$0x2A10] =	vst v0  }
0x2a: {  	[tilespmem:$0x2A20] =	vst v0  }
0x2b: {  	[tilespmem:$0x2A30] =	vst v0  }
0x2c: {  	[tilespmem:$0x2A40] =	vst v0  }
0x2d: {  	[tilespmem:$0x2A50] =	vst v0  }
0x2e: {  	[tilespmem:$0x2A60] =	vst v0  }
0x2f: {  	[tilespmem:$0x2A70] =	vst v0  }
0x30: {  	[tilespmem:$0x2A80] =	vst v0  }
0x31: {  	[tilespmem:$0x2A90] =	vst v0  }
0x32: {  	[tilespmem:$0x2AA0] =	vst v0  }
0x33: {  	[tilespmem:$0x2AB0] =	vst v0  }
0x34: {  	[tilespmem:$0x2AC0] =	vst v0  }
0x35: {  	[tilespmem:$0x2AD0] =	vst v0  }
0x36: {  	[tilespmem:$0x2AE0] =	vst v0  }
0x37: {  	[tilespmem:$0x2AF0] =	vst v0  }
0x38: {  	[tilespmem:$0x2B00] =	vst v0  }
0x39: {  	[tilespmem:$0x2B10] =	vst v0  }
0x3a: {  	[tilespmem:$0x2B20] =	vst v0  }
0x3b: {  	[tilespmem:$0x2B30] =	vst v0  }
0x3c: {  	[tilespmem:$0x2B40] =	vst v0  }
0x3d: {  	[tilespmem:$0x2B50] =	vst v0  }
0x3e: {  	[tilespmem:$0x2B60] =	vst v0  }
0x3f: {  	[tilespmem:$0x2B70] =	vst v0  }
0x40: {  	[tilespmem:$0x2B80] =	vst v0  }
0x41: {  	[tilespmem:$0x2B90] =	vst v0  }
0x42: {  	[tilespmem:$0x2BA0] =	vst v0  }
0x43: {  	[tilespmem:$0x2BB0] =	vst v0  }
0x44: {  	[tilespmem:$0x2BC0] =	vst v0  }
0x45: {  	[tilespmem:$0x2BD0] =	vst v0  }
0x46: {  	[tilespmem:$0x2BE0] =	vst v0  }
0x47: {  	[tilespmem:$0x2BF0] =	vst v0  }
0x48: {  	[tilespmem:$0x2C00] =	vst v0  }
0x49: {  	[tilespmem:$0x2C10] =	vst v0  }
0x4a: {  	[tilespmem:$0x2C20] =	vst v0  }
0x4b: {  	[tilespmem:$0x2C30] =	vst v0  }
0x4c: {  	[tilespmem:$0x2C40] =	vst v0  }
0x4d: {  	[tilespmem:$0x2C50] =	vst v0  }
0x4e: {  	[tilespmem:$0x2C60] =	vst v0  }
0x4f: {  	[tilespmem:$0x2C70] =	vst v0;
	s16 =	sadd.s32 $0x0, s4  }
0x50: {  	[spmem:s16] =	stream.linear.scatter [tilespmem:s9], [sflag:$0x1], $0x400, $0x38;
	[tilespmem:$0x16880] =	vst v63  }
0x51: {  	s16 =	simm.s32 $0x1000;
	_ =	swait.ge [sflag:s10], $0x400  }
.LBB2_2:
0x52: {  	s17 =	sshra.s32 s16, $0x2;
	[sflag:s10] =	ssyncset.done $0x0;
	p0 =	sne.s32 s16, $0x4E000  }
.Ltmp0:
0x53: {  	s17 =	sadd.s32 s17, s4;
	[sflag:s10] =	ssyncadd.s32 $0xFFFFFC00;
	(pc) =	sbr.rel @p0 .LBB2_2-.Ltmp0, $3  }
0x54: {  	[spmem:s17] =	stream.linear.scatter [tilespmem:s9], [sflag:$0x1], $0x400, $0x38;
	[tilespmem:$0x16880] =	vst v63  }
0x55: {  	s16 =	sadd.s32 $0x1000, s16;
	_ =	sdelay $0x1  }
0x56: {  	_ =	swait.ge [sflag:s10], $0x400  }
0x57: {  	[sflag:s10] =	ssyncset.done $0x0  }
0x58: {  	[sflag:s10] =	ssyncadd.s32 $0xFFFFFC00  }
0x59: {  	s16 =	sadd.s32 $0x0, s8;
	[bflag:$0x0] =	sbarrier.arrive $0xFFFF  }
0x5a: {  	[tilespmem:s3], [sflag:$0x1] =	stream.linear.gather [hbm4b:s16+s3], $0x50, $0x38;
	[tilespmem:$0x16880] =	vst v63  }
0x5b: {  	_ =	swait.ge [sflag:s10], $0x50  }
0x5c: {  	[sflag:s10] =	ssyncset.done $0x0  }
0x5d: {  	[sflag:s10] =	ssyncadd.s32 $0xFFFFFFB0  }
0x5e: {  	[tilespmem:s11], [sflag:$0x1] =	stream.linear.gather [hbm4b:s7+s3], $0x2800, $0x38;
	[tilespmem:$0x16880] =	vst v63  }
0x5f: {  	_ =	swait.ge [sflag:s10], $0x2800  }
0x60: {  	[sflag:s10] =	ssyncset.done $0x0  }
0x61: {  	[sflag:s10] =	ssyncadd.s32 $0xFFFFD800  }
0x62: {  	[spmem:s2] =	stream.indirect.scatter.add.f32 [tilespmem:s11], [sflag:$0x1], $0x80, s3, s12, $0xb8;
	[tilespmem:$0x16880] =	vst v63  }
0x63: {  	s17 =	simm.s32 $0xA;
	_ =	swait.ge [sflag:s10], $0x2800  }
0x64: {  	s18 =	simm.s32 $0x14;
	s16 =	sadd.s32 $0x500, s7;
	[sflag:s10] =	ssyncset.done $0x0  }
.LBB2_4:
0x65: {  	s19 =	sadd.s32 s17, s8  }
0x66: {  	[sflag:s10] =	ssyncadd.s32 $0xFFFFD800;
	s17 =	smov.u32 s18;
	s20 =	sadd.s32 $0xA, s18  }
0x67: {  	[tilespmem:s3], [sflag:$0x1] =	stream.linear.gather [hbm4b:s19+s3], $0x50, $0x38;
	[tilespmem:$0x16880] =	vst v63  }
0x68: {  	p0 =	sne.s32 s18, $0x4D8;
	_ =	swait.ge [sflag:s10], $0x50  }
0x69: {  	[sflag:s10] =	ssyncset.done $0x0  }
0x6a: {  	[sflag:s10] =	ssyncadd.s32 $0xFFFFFFB0  }
0x6b: {  	[tilespmem:s11], [sflag:$0x1] =	stream.linear.gather [hbm4b:s16+s3], $0x2800, $0x38;
	[tilespmem:$0x16880] =	vst v63  }
0x6c: {  	_ =	swait.ge [sflag:s10], $0x2800  }
.Ltmp1:
0x6d: {  	[sflag:s10] =	ssyncset.done $0x0;
	(pc) =	sbr.rel @p0 .LBB2_4-.Ltmp1, $4  }
0x6e: {  	[sflag:s10] =	ssyncadd.s32 $0xFFFFD800  }
0x6f: {  	[spmem:s2] =	stream.indirect.scatter.add.f32 [tilespmem:s11], [sflag:$0x1], $0x80, s3, s12, $0xb8;
	[tilespmem:$0x16880] =	vst v63  }
0x70: {  	_ =	swait.ge [sflag:s10], $0x2800  }
0x71: {  	s18 =	smov.u32 s20;
	s16 =	sadd.s32 $0x500, s16;
	[sflag:s10] =	ssyncset.done $0x0  }
0x72: {  	s17 =	sadd.s32 s17, s8;
	[sflag:s10] =	ssyncadd.s32 $0xFFFFD800  }
0x73: {  	[tilespmem:s3], [sflag:$0x1] =	stream.linear.gather [hbm4b:s17+s3], $0x50, $0x38;
	[tilespmem:$0x16880] =	vst v63  }
0x74: {  	_ =	swait.ge [sflag:s10], $0x50  }
0x75: {  	[sflag:s10] =	ssyncset.done $0x0  }
0x76: {  	[sflag:s10] =	ssyncadd.s32 $0xFFFFFFB0  }
0x77: {  	[tilespmem:s11], [sflag:$0x1] =	stream.linear.gather [hbm4b:s16+s3], $0x2800, $0x38;
	[tilespmem:$0x16880] =	vst v63  }
0x78: {  	_ =	swait.ge [sflag:s10], $0x2800  }
0x79: {  	[sflag:s10] =	ssyncset.done $0x0  }
0x7a: {  	[sflag:s10] =	ssyncadd.s32 $0xFFFFD800  }
0x7b: {  	[spmem:s2] =	stream.indirect.scatter.add.f32 [tilespmem:s11], [sflag:$0x1], $0x80, s3, s12, $0xb8;
	[tilespmem:$0x16880] =	vst v63  }
0x7c: {  	_ =	swait.ge [sflag:s10], $0x2800  }
0x7d: {  	s15 =	sadd.s32 $0x1, s15;
	[sflag:s10] =	ssyncset.done $0x0  }
0x7e: {  	p0 =	sne.s32 s15, s6;
	[sflag:s10] =	ssyncadd.s32 $0xFFFFD800  }
.Ltmp2:
0x7f: {  	[bflag:$0x0] =	sbarrier.arrive $0xFFFF;
	(pc) =	sbr.rel @p0 .LBB2_1-.Ltmp2, $4  }
0x80: {  	[hbm:s5], [sflag:s13] =	dma.local [spmem:s14], $0x2780  }
0x81: {  	_ =	swait.ge [sflag:s10], $0x2780  }
0x82: {  	[sflag:s10] =	ssyncset.done $0x0  }
0x83: {  	[sflag:s10] =	ssyncadd.s32 $0xFFFFD880  }
0x84: {  	_ =	sfence.sel $0x180000  }
0x85: {  	[bflag:$0x0] =	sbarrier.arrive $0xFFFF  }
0x86: {  	p0 =	sne.s32 s0, $0x0;
	_ =	strace $0x90000056  }
0x87: {  	s0 =	sadd.s32 @!p0 $0x100000, s1;
	[bflag:$0x2] =	sbarrier.arrive $0xFFFF  }
0x88: {  	[sflag:s0] =	ssyncadd.tile.s32 @!p0 $0x1;
	_ =	shalt  }
.Lfunc_end2:
_tile_overlayer_lowered:
.L_overlay_start_2:
0x89: {  	(tag) =	ssettag $0x2  }
0x8a: {  	s0 =	rddreg [dreg:$0x0];
	s2 =	stileid.u32  }
0x8b: {  	s1 =	rddreg [dreg:$0x1];
	p0 =	sne.s32 s2, $0x0  }
0x8c: {  	s3 =	rddreg [dreg:$0x2];
	[bflag:$0x3] =	sbarrier.arrive $0xFFFF;
	s2 =	simm.s32 @!p0 $0x1C01  }
0x8d: {  	[timem:s3], [sflag:s2] =	dma.local @!p0 [hbm:s0], s1  }
0x8e: {  	s0 =	simm.s32 @!p0 $0x1  }
0x8f: {  	_ =	swait.ge @!p0 [sflag:s0], s1  }
0x90: {  	s1 =	ssub.s32 @!p0 $0x0, s1;
	[sflag:s0] =	ssyncset.done @!p0 $0x0  }
0x91: {  	[sflag:s0] =	ssyncadd.s32 @!p0 s1  }
0x92: {  	[bflag:$0x3] =	sbarrier.arrive $0xFFFF  }
0x93: {  	_ =	shalt  }

</sc_bundles>
